<compile_context>
chip_gen: v7x
topology: tpu7x:2x2x1
jax: 0.10.2.dev20260603
libtpu: 0.0.44.dev20260713+nightly
codegen_flags: <defaults>
</compile_context>

<pallas_src>
import jax
import jax.numpy as jnp
from jax import lax
from jax.experimental import pallas as pl
from jax.experimental.pallas import tpu as pltpu
from jax.experimental.pallas import tpu_sc as plsc

N_NODES = 10000
N_PAD = 10240
N_EDGES = 320000
D_IN = 128
D_OUT = 128

NC = 2
NS = 16
NW = NC * NS

EPW = N_EDGES // NW
CHUNK = 80
NCH = EPW // CHUNK
ROWS_PER_TILE = N_PAD // NS


NIQ = 8
NRB = 4


def _sc_aggregate_body(h_hbm, src_hbm, dst_hbm, ones_hbm, z128_hbm, z1_hbm,
                       out_s_hbm, out_d_hbm, *refs):
    sis = list(refs[0:NIQ])
    dis = list(refs[NIQ:2 * NIQ])
    rbs = list(refs[2 * NIQ:2 * NIQ + NRB])
    ones_v = refs[2 * NIQ + NRB]
    dummy2c = refs[2 * NIQ + NRB + 1]
    acc_sh = refs[2 * NIQ + NRB + 2]
    deg_sh = refs[2 * NIQ + NRB + 3]
    sems = refs[2 * NIQ + NRB + 4:]
    gis = list(sems[0:NIQ])
    gs = list(sems[NIQ:NIQ + NRB])
    ss = list(sems[NIQ + NRB:NIQ + 2 * NRB])
    dsem = sems[NIQ + 2 * NRB]
    cid = lax.axis_index("c")
    sid = lax.axis_index("s")
    wid = cid * NS + sid

    row0 = pl.multiple_of(sid * ROWS_PER_TILE, 8)
    rsl = pl.ds(row0, ROWS_PER_TILE)
    ebase = wid * EPW

    def esl(t):
        return pl.ds(pl.multiple_of(ebase + t * CHUNK, 8), CHUNK)

    def fire_idx(t, q):
        pltpu.async_copy(src_hbm.at[esl(t)], sis[q], gis[q])
        pltpu.async_copy(dst_hbm.at[esl(t)], dis[q], gis[q])

    def wait_idx(q):
        pltpu.make_async_copy(src_hbm.at[pl.ds(0, 2 * CHUNK)], dummy2c,
                              gis[q]).wait()

    def fire_gather(q, u):
        pltpu.async_copy(h_hbm.at[sis[q]], rbs[u], gs[u])

    def wait_gather(q, u):
        pltpu.make_async_copy(h_hbm.at[sis[q]], rbs[u], gs[u]).wait()

    def fire_scatter(q, u):
        pltpu.async_copy(ones_v, deg_sh.at[dis[q]], dsem, add=True)
        pltpu.async_copy(rbs[u], acc_sh.at[dis[q]], ss[u], add=True)

    def wait_scatter(q, u):
        pltpu.make_async_copy(rbs[u], acc_sh.at[dis[q]], ss[u]).wait()
        pltpu.make_async_copy(ones_v, deg_sh.at[dis[q]], dsem).wait()

    for q in range(6):
        fire_idx(q, q)
    pltpu.sync_copy(z128_hbm, rbs[0])
    for k in range(ROWS_PER_TILE // CHUNK):
        pltpu.async_copy(rbs[0], acc_sh.at[pl.ds(row0 + k * CHUNK, CHUNK)],
                         ss[k % NRB])
    pltpu.sync_copy(z1_hbm.at[rsl], deg_sh.at[rsl])
    pltpu.sync_copy(ones_hbm, ones_v)
    for k in range(ROWS_PER_TILE // CHUNK):
        pltpu.make_async_copy(rbs[0],
                              acc_sh.at[pl.ds(row0 + k * CHUNK, CHUNK)],
                              ss[k % NRB]).wait()
    for u in range(2):
        wait_idx(u)
        fire_gather(u, u)
    plsc.subcore_barrier()

    UNROLL = 8
    MAIN = (NCH - 5) // UNROLL * UNROLL

    def outer(k, carry):
        for j in range(UNROLL):
            r = j
            u = j % NRB
            rm2 = (j - 2) % NIQ
            um2 = (j - 2) % NRB
            t = k * UNROLL + j

            @pl.when(t >= 2)
            def _():
                wait_scatter(rm2, um2)

            @pl.when(t + 6 < NCH)
            def _():
                fire_idx(t + 6, (j + 6) % NIQ)

            wait_gather(r, u)
            fire_scatter(r, u)

            @pl.when(t + 2 < NCH)
            def _():
                wait_idx((j + 2) % NIQ)
                fire_gather((j + 2) % NIQ, (j + 2) % NRB)
        return carry

    lax.fori_loop(0, MAIN // UNROLL, outer, 0)

    for t in range(MAIN, NCH):
        wait_scatter((t - 2) % NIQ, (t - 2) % NRB)
        if t + 6 < NCH:
            fire_idx(t + 6, (t + 6) % NIQ)
        wait_gather(t % NIQ, t % NRB)
        fire_scatter(t % NIQ, t % NRB)
        if t + 2 < NCH:
            wait_idx((t + 2) % NIQ)
            fire_gather((t + 2) % NIQ, (t + 2) % NRB)
    for t in range(NCH - 2, NCH):
        wait_scatter(t % NIQ, t % NRB)

    plsc.subcore_barrier()
    for k in range(ROWS_PER_TILE // CHUNK):
        u = k % NRB
        ksl = pl.ds(row0 + k * CHUNK, CHUNK)
        if k >= NRB:
            pltpu.make_async_copy(rbs[u], out_s_hbm.at[cid, ksl],
                                  ss[u]).wait()
        pltpu.sync_copy(acc_sh.at[ksl], rbs[u])
        pltpu.async_copy(rbs[u], out_s_hbm.at[cid, ksl], ss[u])
    for u in range(NRB):
        pltpu.make_async_copy(rbs[u], out_s_hbm.at[cid, pl.ds(row0, CHUNK)],
                              ss[u]).wait()
    pltpu.sync_copy(deg_sh.at[rsl], out_d_hbm.at[cid, rsl])


@jax.jit
def _sc_aggregate(h, src, dst, ones, z128, z1):
    mesh = plsc.VectorSubcoreMesh(core_axis_name="c", subcore_axis_name="s")
    return pl.kernel(
        _sc_aggregate_body,
        out_type=[
            jax.ShapeDtypeStruct((NC, N_PAD, D_IN), jnp.float32),
            jax.ShapeDtypeStruct((NC, N_PAD), jnp.float32),
        ],
        mesh=mesh,
        scratch_types=(
            [pltpu.VMEM((CHUNK,), jnp.int32)] * (2 * NIQ)
            + [pltpu.VMEM((CHUNK, D_IN), jnp.float32)] * NRB
            + [
                pltpu.VMEM((CHUNK,), jnp.float32),
                pltpu.VMEM((2 * CHUNK,), jnp.int32),
                pltpu.VMEM_SHARED((N_PAD, D_IN), jnp.float32),
                pltpu.VMEM_SHARED((N_PAD,), jnp.float32),
            ]
            + [pltpu.SemaphoreType.DMA] * (NIQ + 2 * NRB + 1)
        ),
    )(h, src, dst, ones, z128, z1)


_TC_R = 1024


def _tc_combine_body(h_ref, s_ref, d_ref, wt_ref, b_ref, out_ref):
    s = s_ref[0] + s_ref[1]
    dg = d_ref[0] + d_ref[1]
    rb = _TC_R // 128
    ri = lax.broadcasted_iota(jnp.int32, (_TC_R, rb), 0) // 128
    ci = lax.broadcasted_iota(jnp.int32, (_TC_R, rb), 1)
    sel = (ri == ci).astype(jnp.float32)
    t = jnp.dot(sel, dg, preferred_element_type=jnp.float32)
    ji = lax.broadcasted_iota(jnp.int32, (_TC_R, 128), 0) % 128
    ki = lax.broadcasted_iota(jnp.int32, (_TC_R, 128), 1)
    deg_col = jnp.sum(jnp.where(ji == ki, t, 0.0), axis=1, keepdims=True)
    h_n = s / jnp.maximum(deg_col, 1.0)
    out_ref[...] = (
        jnp.dot(h_ref[...], wt_ref[0:D_IN, :],
                preferred_element_type=jnp.float32)
        + jnp.dot(h_n, wt_ref[D_IN:, :], preferred_element_type=jnp.float32)
        + b_ref[...]
    )


@jax.jit
def _tc_combine(h, s_parts, d_parts, wt, b2d):
    grid = (N_PAD // _TC_R,)
    rb = _TC_R // 128
    return pl.pallas_call(
        _tc_combine_body,
        grid=grid,
        in_specs=[
            pl.BlockSpec((_TC_R, D_IN), lambda i: (i, 0)),
            pl.BlockSpec((NC, _TC_R, D_IN), lambda i: (0, i, 0)),
            pl.BlockSpec((NC, rb, 128), lambda i: (0, i, 0)),
            pl.BlockSpec((2 * D_IN, D_OUT), lambda i: (0, 0)),
            pl.BlockSpec((1, D_OUT), lambda i: (0, 0)),
        ],
        out_specs=pl.BlockSpec((_TC_R, D_OUT), lambda i: (i, 0)),
        out_shape=jax.ShapeDtypeStruct((N_PAD, D_OUT), jnp.float32),
    )(h, s_parts, d_parts, wt, b2d)


def kernel(h, edge_index, W, b):
    ei = edge_index.astype(jnp.int32)
    src = ei[0]
    dst = ei[1]
    ones = jnp.ones((CHUNK,), jnp.float32)
    z128 = jnp.zeros((CHUNK, D_IN), jnp.float32)
    z1 = jnp.zeros((N_PAD,), jnp.float32)
    wt = W.T
    b2d = b.reshape(1, D_OUT)
    s_parts, d_parts = _sc_aggregate(h, src, dst, ones, z128, z1)
    d_parts = d_parts.reshape(NC, N_PAD // 128, 128)
    out = _tc_combine(h, s_parts, d_parts, wt, b2d)
    return out[:N_NODES]

# --- scband reference (transcript-rebuilt; emitter-appended) ---
"""Pipeline reference for scband-sageconv-for-both-13005160973070 (READ-ONLY COPY).

The authoritative reference and input builder live on the scoring server;
editing this copy changes nothing except your own understanding.
"""

import jax, jax.numpy as jnp
import numpy as np

N_NODES = 10000
N_EDGES = 320000
D_IN = 128
D_OUT = 128


def setup_inputs(seed: int = 0) -> dict:
    key = jax.random.key(seed)
    k1, k2, k3, k4 = jax.random.split(key, 4)
    h = jax.random.normal(k1, (N_NODES, D_IN), dtype=jnp.float32)
    edge_index = jax.random.randint(k2, (2, N_EDGES), 0, N_NODES, dtype=jnp.int64)
    # nn.Linear(in_feat*2, out_feat): weight [out, 2*in], bias [out]
    bound = 1.0 / np.sqrt(2 * D_IN)
    W = jax.random.uniform(k3, (D_OUT, 2 * D_IN), dtype=jnp.float32, minval=-bound, maxval=bound)
    b = jax.random.uniform(k4, (D_OUT,), dtype=jnp.float32, minval=-bound, maxval=bound)
    return {"h": h, "edge_index": edge_index, "W": W, "b": b}


def reference(h, edge_index, W, b):
    # DGL update_all(copy_u('h','m'), mean('m','h_N')):
    # gather source features along edges, mean-reduce into destination nodes.
    src = edge_index[0]
    dst = edge_index[1]
    m = jnp.take(h, src, axis=0)                       # gather: [E, D_IN]
    s = jax.ops.segment_sum(m, dst, num_segments=N_NODES)  # scatter-add
    deg = jax.ops.segment_sum(jnp.ones((edge_index.shape[1],), dtype=h.dtype), dst, num_segments=N_NODES)
    h_N = s / jnp.clip(deg, 1.0, None)[:, None]        # mean; zero-degree nodes -> 0
    h_total = jnp.concatenate([h, h_N], axis=1)        # [N, 2*D_IN]
    return h_total @ W.T + b

if __name__ == "__main__":
    import jax
    _d = setup_inputs()
    print(jax.jit(kernel)(*tuple(_d.values())))

</pallas_src>

<mosaic_0001>
#map = affine_map<(d0, d1) -> (0, 0)>
#map1 = affine_map<(d0, d1) -> (0)>
#map2 = affine_map<(d0, d1) -> (0, 0, 0)>
module attributes {stable_mosaic.version = 14 : i64} {
  func.func @_sc_aggregate_body(%arg0: i32, %arg1: i32, %arg2: memref<10000x128xf32, #tpu.memory_space<hbm>>, %arg3: memref<320000xi32, #tpu.memory_space<hbm>>, %arg4: memref<320000xi32, #tpu.memory_space<hbm>>, %arg5: memref<80xf32, #tpu.memory_space<hbm>>, %arg6: memref<80x128xf32, #tpu.memory_space<hbm>>, %arg7: memref<10240xf32, #tpu.memory_space<hbm>>, %arg8: memref<2x10240x128xf32, #tpu.memory_space<hbm>>, %arg9: memref<2x10240xf32, #tpu.memory_space<hbm>>, %arg10: memref<80xi32, #tpu.memory_space<vmem>>, %arg11: memref<80xi32, #tpu.memory_space<vmem>>, %arg12: memref<80xi32, #tpu.memory_space<vmem>>, %arg13: memref<80xi32, #tpu.memory_space<vmem>>, %arg14: memref<80xi32, #tpu.memory_space<vmem>>, %arg15: memref<80xi32, #tpu.memory_space<vmem>>, %arg16: memref<80xi32, #tpu.memory_space<vmem>>, %arg17: memref<80xi32, #tpu.memory_space<vmem>>, %arg18: memref<80xi32, #tpu.memory_space<vmem>>, %arg19: memref<80xi32, #tpu.memory_space<vmem>>, %arg20: memref<80xi32, #tpu.memory_space<vmem>>, %arg21: memref<80xi32, #tpu.memory_space<vmem>>, %arg22: memref<80xi32, #tpu.memory_space<vmem>>, %arg23: memref<80xi32, #tpu.memory_space<vmem>>, %arg24: memref<80xi32, #tpu.memory_space<vmem>>, %arg25: memref<80xi32, #tpu.memory_space<vmem>>, %arg26: memref<80x128xf32, #tpu.memory_space<vmem>>, %arg27: memref<80x128xf32, #tpu.memory_space<vmem>>, %arg28: memref<80x128xf32, #tpu.memory_space<vmem>>, %arg29: memref<80x128xf32, #tpu.memory_space<vmem>>, %arg30: memref<80xf32, #tpu.memory_space<vmem>>, %arg31: memref<160xi32, #tpu.memory_space<vmem>>, %arg32: memref<10240x128xf32, #tpu.memory_space<vmem_shared>>, %arg33: memref<10240xf32, #tpu.memory_space<vmem_shared>>, %arg34: memref<!tpu.dma_semaphore, #tpu.memory_space<semaphore_mem>>, %arg35: memref<!tpu.dma_semaphore, #tpu.memory_space<semaphore_mem>>, %arg36: memref<!tpu.dma_semaphore, #tpu.memory_space<semaphore_mem>>, %arg37: memref<!tpu.dma_semaphore, #tpu.memory_space<semaphore_mem>>, %arg38: memref<!tpu.dma_semaphore, #tpu.memory_space<semaphore_mem>>, %arg39: memref<!tpu.dma_semaphore, #tpu.memory_space<semaphore_mem>>, %arg40: memref<!tpu.dma_semaphore, #tpu.memory_space<semaphore_mem>>, %arg41: memref<!tpu.dma_semaphore, #tpu.memory_space<semaphore_mem>>, %arg42: memref<!tpu.dma_semaphore, #tpu.memory_space<semaphore_mem>>, %arg43: memref<!tpu.dma_semaphore, #tpu.memory_space<semaphore_mem>>, %arg44: memref<!tpu.dma_semaphore, #tpu.memory_space<semaphore_mem>>, %arg45: memref<!tpu.dma_semaphore, #tpu.memory_space<semaphore_mem>>, %arg46: memref<!tpu.dma_semaphore, #tpu.memory_space<semaphore_mem>>, %arg47: memref<!tpu.dma_semaphore, #tpu.memory_space<semaphore_mem>>, %arg48: memref<!tpu.dma_semaphore, #tpu.memory_space<semaphore_mem>>, %arg49: memref<!tpu.dma_semaphore, #tpu.memory_space<semaphore_mem>>, %arg50: memref<!tpu.dma_semaphore, #tpu.memory_space<semaphore_mem>>) attributes {dimension_semantics = [#tpu.dimension_semantics<core_parallel>, #tpu.dimension_semantics<subcore_parallel>], iteration_bounds = array<i64: 2, 16>, scalar_prefetch = 0 : i64, scratch_operands = 41 : i64, tpu.core_type = #tpu.core_type<sc_vector_subcore>, window_params = [{transform_indices = #map}, {transform_indices = #map1}, {transform_indices = #map1}, {transform_indices = #map1}, {transform_indices = #map}, {transform_indices = #map1}, {transform_indices = #map2}, {transform_indices = #map}]} {
    %mul3A = arith.constant 16 : i32
    %mul3A_0 = arith.muli %arg0, %mul3A : i32
    %add3A = arith.addi %mul3A_0, %arg1 : i32
    %mul3A_1 = arith.constant 640 : i32
    %mul3A_2 = arith.muli %arg1, %mul3A_1 : i32
    %multiple_of3A = tpu.assume_multiple %mul3A_2, 8 : i32
    %mul3A_3 = arith.constant 10000 : i32
    %mul3A_4 = arith.muli %add3A, %mul3A_3 : i32
    %add3A_5 = arith.constant 0 : i32
    %add3A_6 = arith.addi %mul3A_4, %add3A_5 : i32
    %multiple_of3A_7 = tpu.assume_multiple %add3A_6, 8 : i32
    %dma_start3A = tpu.memref_slice %arg3[%multiple_of3A_7] : memref<320000xi32, #tpu.memory_space<hbm>> -> memref<80xi32, #tpu.memory_space<hbm>>
    %dma_start3A_8 = tpu.memref_slice %arg3[%multiple_of3A_7] : memref<320000xi32, #tpu.memory_space<hbm>> -> memref<80xi32, #tpu.memory_space<hbm>>
    tpu.enqueue_dma source(%dma_start3A_8 : memref<80xi32, #tpu.memory_space<hbm>>) target(%arg10 : memref<80xi32, #tpu.memory_space<vmem>>) target_semaphore(%arg34 : memref<!tpu.dma_semaphore, #tpu.memory_space<semaphore_mem>>)
    %add3A_9 = arith.constant 0 : i32
    %add3A_10 = arith.addi %mul3A_4, %add3A_9 : i32
    %multiple_of3A_11 = tpu.assume_multiple %add3A_10, 8 : i32
    %dma_start3A_12 = tpu.memref_slice %arg4[%multiple_of3A_11] : memref<320000xi32, #tpu.memory_space<hbm>> -> memref<80xi32, #tpu.memory_space<hbm>>
    %dma_start3A_13 = tpu.memref_slice %arg4[%multiple_of3A_11] : memref<320000xi32, #tpu.memory_space<hbm>> -> memref<80xi32, #tpu.memory_space<hbm>>
    tpu.enqueue_dma source(%dma_start3A_13 : memref<80xi32, #tpu.memory_space<hbm>>) target(%arg18 : memref<80xi32, #tpu.memory_space<vmem>>) target_semaphore(%arg34 : memref<!tpu.dma_semaphore, #tpu.memory_space<semaphore_mem>>)
    %add3A_14 = arith.constant 80 : i32
    %add3A_15 = arith.addi %mul3A_4, %add3A_14 : i32
    %multiple_of3A_16 = tpu.assume_multiple %add3A_15, 8 : i32
    %dma_start3A_17 = tpu.memref_slice %arg3[%multiple_of3A_16] : memref<320000xi32, #tpu.memory_space<hbm>> -> memref<80xi32, #tpu.memory_space<hbm>>
    %dma_start3A_18 = tpu.memref_slice %arg3[%multiple_of3A_16] : memref<320000xi32, #tpu.memory_space<hbm>> -> memref<80xi32, #tpu.memory_space<hbm>>
    tpu.enqueue_dma source(%dma_start3A_18 : memref<80xi32, #tpu.memory_space<hbm>>) target(%arg11 : memref<80xi32, #tpu.memory_space<vmem>>) target_semaphore(%arg35 : memref<!tpu.dma_semaphore, #tpu.memory_space<semaphore_mem>>)
    %add3A_19 = arith.constant 80 : i32
    %add3A_20 = arith.addi %mul3A_4, %add3A_19 : i32
    %multiple_of3A_21 = tpu.assume_multiple %add3A_20, 8 : i32
    %dma_start3A_22 = tpu.memref_slice %arg4[%multiple_of3A_21] : memref<320000xi32, #tpu.memory_space<hbm>> -> memref<80xi32, #tpu.memory_space<hbm>>
    %dma_start3A_23 = tpu.memref_slice %arg4[%multiple_of3A_21] : memref<320000xi32, #tpu.memory_space<hbm>> -> memref<80xi32, #tpu.memory_space<hbm>>
    tpu.enqueue_dma source(%dma_start3A_23 : memref<80xi32, #tpu.memory_space<hbm>>) target(%arg19 : memref<80xi32, #tpu.memory_space<vmem>>) target_semaphore(%arg35 : memref<!tpu.dma_semaphore, #tpu.memory_space<semaphore_mem>>)
    %add3A_24 = arith.constant 160 : i32
    %add3A_25 = arith.addi %mul3A_4, %add3A_24 : i32
    %multiple_of3A_26 = tpu.assume_multiple %add3A_25, 8 : i32
    %dma_start3A_27 = tpu.memref_slice %arg3[%multiple_of3A_26] : memref<320000xi32, #tpu.memory_space<hbm>> -> memref<80xi32, #tpu.memory_space<hbm>>
    %dma_start3A_28 = tpu.memref_slice %arg3[%multiple_of3A_26] : memref<320000xi32, #tpu.memory_space<hbm>> -> memref<80xi32, #tpu.memory_space<hbm>>
    tpu.enqueue_dma source(%dma_start3A_28 : memref<80xi32, #tpu.memory_space<hbm>>) target(%arg12 : memref<80xi32, #tpu.memory_space<vmem>>) target_semaphore(%arg36 : memref<!tpu.dma_semaphore, #tpu.memory_space<semaphore_mem>>)
    %add3A_29 = arith.constant 160 : i32
    %add3A_30 = arith.addi %mul3A_4, %add3A_29 : i32
    %multiple_of3A_31 = tpu.assume_multiple %add3A_30, 8 : i32
    %dma_start3A_32 = tpu.memref_slice %arg4[%multiple_of3A_31] : memref<320000xi32, #tpu.memory_space<hbm>> -> memref<80xi32, #tpu.memory_space<hbm>>
    %dma_start3A_33 = tpu.memref_slice %arg4[%multiple_of3A_31] : memref<320000xi32, #tpu.memory_space<hbm>> -> memref<80xi32, #tpu.memory_space<hbm>>
    tpu.enqueue_dma source(%dma_start3A_33 : memref<80xi32, #tpu.memory_space<hbm>>) target(%arg20 : memref<80xi32, #tpu.memory_space<vmem>>) target_semaphore(%arg36 : memref<!tpu.dma_semaphore, #tpu.memory_space<semaphore_mem>>)
    %add3A_34 = arith.constant 240 : i32
    %add3A_35 = arith.addi %mul3A_4, %add3A_34 : i32
    %multiple_of3A_36 = tpu.assume_multiple %add3A_35, 8 : i32
    %dma_start3A_37 = tpu.memref_slice %arg3[%multiple_of3A_36] : memref<320000xi32, #tpu.memory_space<hbm>> -> memref<80xi32, #tpu.memory_space<hbm>>
    %dma_start3A_38 = tpu.memref_slice %arg3[%multiple_of3A_36] : memref<320000xi32, #tpu.memory_space<hbm>> -> memref<80xi32, #tpu.memory_space<hbm>>
    tpu.enqueue_dma source(%dma_start3A_38 : memref<80xi32, #tpu.memory_space<hbm>>) target(%arg13 : memref<80xi32, #tpu.memory_space<vmem>>) target_semaphore(%arg37 : memref<!tpu.dma_semaphore, #tpu.memory_space<semaphore_mem>>)
    %add3A_39 = arith.constant 240 : i32
    %add3A_40 = arith.addi %mul3A_4, %add3A_39 : i32
    %multiple_of3A_41 = tpu.assume_multiple %add3A_40, 8 : i32
    %dma_start3A_42 = tpu.memref_slice %arg4[%multiple_of3A_41] : memref<320000xi32, #tpu.memory_space<hbm>> -> memref<80xi32, #tpu.memory_space<hbm>>
    %dma_start3A_43 = tpu.memref_slice %arg4[%multiple_of3A_41] : memref<320000xi32, #tpu.memory_space<hbm>> -> memref<80xi32, #tpu.memory_space<hbm>>
    tpu.enqueue_dma source(%dma_start3A_43 : memref<80xi32, #tpu.memory_space<hbm>>) target(%arg21 : memref<80xi32, #tpu.memory_space<vmem>>) target_semaphore(%arg37 : memref<!tpu.dma_semaphore, #tpu.memory_space<semaphore_mem>>)
    %add3A_44 = arith.constant 320 : i32
    %add3A_45 = arith.addi %mul3A_4, %add3A_44 : i32
    %multiple_of3A_46 = tpu.assume_multiple %add3A_45, 8 : i32
    %dma_start3A_47 = tpu.memref_slice %arg3[%multiple_of3A_46] : memref<320000xi32, #tpu.memory_space<hbm>> -> memref<80xi32, #tpu.memory_space<hbm>>
    %dma_start3A_48 = tpu.memref_slice %arg3[%multiple_of3A_46] : memref<320000xi32, #tpu.memory_space<hbm>> -> memref<80xi32, #tpu.memory_space<hbm>>
    tpu.enqueue_dma source(%dma_start3A_48 : memref<80xi32, #tpu.memory_space<hbm>>) target(%arg14 : memref<80xi32, #tpu.memory_space<vmem>>) target_semaphore(%arg38 : memref<!tpu.dma_semaphore, #tpu.memory_space<semaphore_mem>>)
    %add3A_49 = arith.constant 320 : i32
    %add3A_50 = arith.addi %mul3A_4, %add3A_49 : i32
    %multiple_of3A_51 = tpu.assume_multiple %add3A_50, 8 : i32
    %dma_start3A_52 = tpu.memref_slice %arg4[%multiple_of3A_51] : memref<320000xi32, #tpu.memory_space<hbm>> -> memref<80xi32, #tpu.memory_space<hbm>>
    %dma_start3A_53 = tpu.memref_slice %arg4[%multiple_of3A_51] : memref<320000xi32, #tpu.memory_space<hbm>> -> memref<80xi32, #tpu.memory_space<hbm>>
    tpu.enqueue_dma source(%dma_start3A_53 : memref<80xi32, #tpu.memory_space<hbm>>) target(%arg22 : memref<80xi32, #tpu.memory_space<vmem>>) target_semaphore(%arg38 : memref<!tpu.dma_semaphore, #tpu.memory_space<semaphore_mem>>)
    %add3A_54 = arith.constant 400 : i32
    %add3A_55 = arith.addi %mul3A_4, %add3A_54 : i32
    %multiple_of3A_56 = tpu.assume_multiple %add3A_55, 8 : i32
    %dma_start3A_57 = tpu.memref_slice %arg3[%multiple_of3A_56] : memref<320000xi32, #tpu.memory_space<hbm>> -> memref<80xi32, #tpu.memory_space<hbm>>
    %dma_start3A_58 = tpu.memref_slice %arg3[%multiple_of3A_56] : memref<320000xi32, #tpu.memory_space<hbm>> -> memref<80xi32, #tpu.memory_space<hbm>>
    tpu.enqueue_dma source(%dma_start3A_58 : memref<80xi32, #tpu.memory_space<hbm>>) target(%arg15 : memref<80xi32, #tpu.memory_space<vmem>>) target_semaphore(%arg39 : memref<!tpu.dma_semaphore, #tpu.memory_space<semaphore_mem>>)
    %add3A_59 = arith.constant 400 : i32
    %add3A_60 = arith.addi %mul3A_4, %add3A_59 : i32
    %multiple_of3A_61 = tpu.assume_multiple %add3A_60, 8 : i32
    %dma_start3A_62 = tpu.memref_slice %arg4[%multiple_of3A_61] : memref<320000xi32, #tpu.memory_space<hbm>> -> memref<80xi32, #tpu.memory_space<hbm>>
    %dma_start3A_63 = tpu.memref_slice %arg4[%multiple_of3A_61] : memref<320000xi32, #tpu.memory_space<hbm>> -> memref<80xi32, #tpu.memory_space<hbm>>
    tpu.enqueue_dma source(%dma_start3A_63 : memref<80xi32, #tpu.memory_space<hbm>>) target(%arg23 : memref<80xi32, #tpu.memory_space<vmem>>) target_semaphore(%arg39 : memref<!tpu.dma_semaphore, #tpu.memory_space<semaphore_mem>>)
    "tpu.region"() ({
      %run_scoped3A = tpu.sem_alloc : memref<!tpu.dma_semaphore, #tpu.memory_space<semaphore_mem>>
      tpu.enqueue_dma source(%arg6 : memref<80x128xf32, #tpu.memory_space<hbm>>) target(%arg26 : memref<80x128xf32, #tpu.memory_space<vmem>>) target_semaphore(%run_scoped3A : memref<!tpu.dma_semaphore, #tpu.memory_space<semaphore_mem>>)
      tpu.wait_dma2 semaphore(%run_scoped3A : memref<!tpu.dma_semaphore, #tpu.memory_space<semaphore_mem>>) src(%arg6 : memref<80x128xf32, #tpu.memory_space<hbm>>) dst(%arg26 : memref<80x128xf32, #tpu.memory_space<vmem>>)
      tpu.yield
    }) : () -> ()
    %add3A_64 = arith.constant 0 : i32
    %add3A_65 = arith.addi %multiple_of3A, %add3A_64 : i32
    %dma_start3A_66 = arith.constant 0 : i32
    %dma_start3A_67 = tpu.memref_slice %arg32[%add3A_65, %dma_start3A_66] : memref<10240x128xf32, #tpu.memory_space<vmem_shared>> -> memref<80x128xf32, #tpu.memory_space<vmem_shared>>
    %dma_start3A_68 = arith.constant 0 : i32
    %dma_start3A_69 = tpu.memref_slice %arg32[%add3A_65, %dma_start3A_68] : memref<10240x128xf32, #tpu.memory_space<vmem_shared>> -> memref<80x128xf32, #tpu.memory_space<vmem_shared>>
    tpu.enqueue_dma source(%arg26 : memref<80x128xf32, #tpu.memory_space<vmem>>) target(%dma_start3A_69 : memref<80x128xf32, #tpu.memory_space<vmem_shared>>) target_semaphore(%arg46 : memref<!tpu.dma_semaphore, #tpu.memory_space<semaphore_mem>>)
    %add3A_70 = arith.constant 80 : i32
    %add3A_71 = arith.addi %multiple_of3A, %add3A_70 : i32
    %dma_start3A_72 = arith.constant 0 : i32
    %dma_start3A_73 = tpu.memref_slice %arg32[%add3A_71, %dma_start3A_72] : memref<10240x128xf32, #tpu.memory_space<vmem_shared>> -> memref<80x128xf32, #tpu.memory_space<vmem_shared>>
    %dma_start3A_74 = arith.constant 0 : i32
    %dma_start3A_75 = tpu.memref_slice %arg32[%add3A_71, %dma_start3A_74] : memref<10240x128xf32, #tpu.memory_space<vmem_shared>> -> memref<80x128xf32, #tpu.memory_space<vmem_shared>>
    tpu.enqueue_dma source(%arg26 : memref<80x128xf32, #tpu.memory_space<vmem>>) target(%dma_start3A_75 : memref<80x128xf32, #tpu.memory_space<vmem_shared>>) target_semaphore(%arg47 : memref<!tpu.dma_semaphore, #tpu.memory_space<semaphore_mem>>)
    %add3A_76 = arith.constant 160 : i32
    %add3A_77 = arith.addi %multiple_of3A, %add3A_76 : i32
    %dma_start3A_78 = arith.constant 0 : i32
    %dma_start3A_79 = tpu.memref_slice %arg32[%add3A_77, %dma_start3A_78] : memref<10240x128xf32, #tpu.memory_space<vmem_shared>> -> memref<80x128xf32, #tpu.memory_space<vmem_shared>>
    %dma_start3A_80 = arith.constant 0 : i32
    %dma_start3A_81 = tpu.memref_slice %arg32[%add3A_77, %dma_start3A_80] : memref<10240x128xf32, #tpu.memory_space<vmem_shared>> -> memref<80x128xf32, #tpu.memory_space<vmem_shared>>
    tpu.enqueue_dma source(%arg26 : memref<80x128xf32, #tpu.memory_space<vmem>>) target(%dma_start3A_81 : memref<80x128xf32, #tpu.memory_space<vmem_shared>>) target_semaphore(%arg48 : memref<!tpu.dma_semaphore, #tpu.memory_space<semaphore_mem>>)
    %add3A_82 = arith.constant 240 : i32
    %add3A_83 = arith.addi %multiple_of3A, %add3A_82 : i32
    %dma_start3A_84 = arith.constant 0 : i32
    %dma_start3A_85 = tpu.memref_slice %arg32[%add3A_83, %dma_start3A_84] : memref<10240x128xf32, #tpu.memory_space<vmem_shared>> -> memref<80x128xf32, #tpu.memory_space<vmem_shared>>
    %dma_start3A_86 = arith.constant 0 : i32
    %dma_start3A_87 = tpu.memref_slice %arg32[%add3A_83, %dma_start3A_86] : memref<10240x128xf32, #tpu.memory_space<vmem_shared>> -> memref<80x128xf32, #tpu.memory_space<vmem_shared>>
    tpu.enqueue_dma source(%arg26 : memref<80x128xf32, #tpu.memory_space<vmem>>) target(%dma_start3A_87 : memref<80x128xf32, #tpu.memory_space<vmem_shared>>) target_semaphore(%arg49 : memref<!tpu.dma_semaphore, #tpu.memory_space<semaphore_mem>>)
    %add3A_88 = arith.constant 320 : i32
    %add3A_89 = arith.addi %multiple_of3A, %add3A_88 : i32
    %dma_start3A_90 = arith.constant 0 : i32
    %dma_start3A_91 = tpu.memref_slice %arg32[%add3A_89, %dma_start3A_90] : memref<10240x128xf32, #tpu.memory_space<vmem_shared>> -> memref<80x128xf32, #tpu.memory_space<vmem_shared>>
    %dma_start3A_92 = arith.constant 0 : i32
    %dma_start3A_93 = tpu.memref_slice %arg32[%add3A_89, %dma_start3A_92] : memref<10240x128xf32, #tpu.memory_space<vmem_shared>> -> memref<80x128xf32, #tpu.memory_space<vmem_shared>>
    tpu.enqueue_dma source(%arg26 : memref<80x128xf32, #tpu.memory_space<vmem>>) target(%dma_start3A_93 : memref<80x128xf32, #tpu.memory_space<vmem_shared>>) target_semaphore(%arg46 : memref<!tpu.dma_semaphore, #tpu.memory_space<semaphore_mem>>)
    %add3A_94 = arith.constant 400 : i32
    %add3A_95 = arith.addi %multiple_of3A, %add3A_94 : i32
    %dma_start3A_96 = arith.constant 0 : i32
    %dma_start3A_97 = tpu.memref_slice %arg32[%add3A_95, %dma_start3A_96] : memref<10240x128xf32, #tpu.memory_space<vmem_shared>> -> memref<80x128xf32, #tpu.memory_space<vmem_shared>>
    %dma_start3A_98 = arith.constant 0 : i32
    %dma_start3A_99 = tpu.memref_slice %arg32[%add3A_95, %dma_start3A_98] : memref<10240x128xf32, #tpu.memory_space<vmem_shared>> -> memref<80x128xf32, #tpu.memory_space<vmem_shared>>
    tpu.enqueue_dma source(%arg26 : memref<80x128xf32, #tpu.memory_space<vmem>>) target(%dma_start3A_99 : memref<80x128xf32, #tpu.memory_space<vmem_shared>>) target_semaphore(%arg47 : memref<!tpu.dma_semaphore, #tpu.memory_space<semaphore_mem>>)
    %add3A_100 = arith.constant 480 : i32
    %add3A_101 = arith.addi %multiple_of3A, %add3A_100 : i32
    %dma_start3A_102 = arith.constant 0 : i32
    %dma_start3A_103 = tpu.memref_slice %arg32[%add3A_101, %dma_start3A_102] : memref<10240x128xf32, #tpu.memory_space<vmem_shared>> -> memref<80x128xf32, #tpu.memory_space<vmem_shared>>
    %dma_start3A_104 = arith.constant 0 : i32
    %dma_start3A_105 = tpu.memref_slice %arg32[%add3A_101, %dma_start3A_104] : memref<10240x128xf32, #tpu.memory_space<vmem_shared>> -> memref<80x128xf32, #tpu.memory_space<vmem_shared>>
    tpu.enqueue_dma source(%arg26 : memref<80x128xf32, #tpu.memory_space<vmem>>) target(%dma_start3A_105 : memref<80x128xf32, #tpu.memory_space<vmem_shared>>) target_semaphore(%arg48 : memref<!tpu.dma_semaphore, #tpu.memory_space<semaphore_mem>>)
    %add3A_106 = arith.constant 560 : i32
    %add3A_107 = arith.addi %multiple_of3A, %add3A_106 : i32
    %dma_start3A_108 = arith.constant 0 : i32
    %dma_start3A_109 = tpu.memref_slice %arg32[%add3A_107, %dma_start3A_108] : memref<10240x128xf32, #tpu.memory_space<vmem_shared>> -> memref<80x128xf32, #tpu.memory_space<vmem_shared>>
    %dma_start3A_110 = arith.constant 0 : i32
    %dma_start3A_111 = tpu.memref_slice %arg32[%add3A_107, %dma_start3A_110] : memref<10240x128xf32, #tpu.memory_space<vmem_shared>> -> memref<80x128xf32, #tpu.memory_space<vmem_shared>>
    tpu.enqueue_dma source(%arg26 : memref<80x128xf32, #tpu.memory_space<vmem>>) target(%dma_start3A_111 : memref<80x128xf32, #tpu.memory_space<vmem_shared>>) target_semaphore(%arg49 : memref<!tpu.dma_semaphore, #tpu.memory_space<semaphore_mem>>)
    "tpu.region"() ({
      %run_scoped3A = tpu.sem_alloc : memref<!tpu.dma_semaphore, #tpu.memory_space<semaphore_mem>>
      %dma_start3A_387 = tpu.memref_slice %arg33[%multiple_of3A] : memref<10240xf32, #tpu.memory_space<vmem_shared>> -> memref<640xf32, #tpu.memory_space<vmem_shared>>
      %dma_start3A_388 = tpu.memref_slice %arg7[%multiple_of3A] : memref<10240xf32, #tpu.memory_space<hbm>> -> memref<640xf32, #tpu.memory_space<hbm>>
      tpu.enqueue_dma source(%dma_start3A_388 : memref<640xf32, #tpu.memory_space<hbm>>) target(%dma_start3A_387 : memref<640xf32, #tpu.memory_space<vmem_shared>>) target_semaphore(%run_scoped3A : memref<!tpu.dma_semaphore, #tpu.memory_space<semaphore_mem>>)
      %dma_wait3A_389 = tpu.memref_slice %arg33[%multiple_of3A] : memref<10240xf32, #tpu.memory_space<vmem_shared>> -> memref<640xf32, #tpu.memory_space<vmem_shared>>
      %dma_wait3A_390 = tpu.memref_slice %arg7[%multiple_of3A] : memref<10240xf32, #tpu.memory_space<hbm>> -> memref<640xf32, #tpu.memory_space<hbm>>
      tpu.wait_dma2 semaphore(%run_scoped3A : memref<!tpu.dma_semaphore, #tpu.memory_space<semaphore_mem>>) src(%dma_wait3A_390 : memref<640xf32, #tpu.memory_space<hbm>>) dst(%dma_wait3A_389 : memref<640xf32, #tpu.memory_space<vmem_shared>>)
      tpu.yield
    }) : () -> ()
    "tpu.region"() ({
      %run_scoped3A = tpu.sem_alloc : memref<!tpu.dma_semaphore, #tpu.memory_space<semaphore_mem>>
      tpu.enqueue_dma source(%arg5 : memref<80xf32, #tpu.memory_space<hbm>>) target(%arg30 : memref<80xf32, #tpu.memory_space<vmem>>) target_semaphore(%run_scoped3A : memref<!tpu.dma_semaphore, #tpu.memory_space<semaphore_mem>>)
      tpu.wait_dma2 semaphore(%run_scoped3A : memref<!tpu.dma_semaphore, #tpu.memory_space<semaphore_mem>>) src(%arg5 : memref<80xf32, #tpu.memory_space<hbm>>) dst(%arg30 : memref<80xf32, #tpu.memory_space<vmem>>)
      tpu.yield
    }) : () -> ()
    %add3A_112 = arith.constant 0 : i32
    %add3A_113 = arith.addi %multiple_of3A, %add3A_112 : i32
    %dma_wait3A = arith.constant 0 : i32
    %dma_wait3A_114 = tpu.memref_slice %arg32[%add3A_113, %dma_wait3A] : memref<10240x128xf32, #tpu.memory_space<vmem_shared>> -> memref<80x128xf32, #tpu.memory_space<vmem_shared>>
    %dma_wait3A_115 = arith.constant 0 : i32
    %dma_wait3A_116 = tpu.memref_slice %arg32[%add3A_113, %dma_wait3A_115] : memref<10240x128xf32, #tpu.memory_space<vmem_shared>> -> memref<80x128xf32, #tpu.memory_space<vmem_shared>>
    tpu.wait_dma2 semaphore(%arg46 : memref<!tpu.dma_semaphore, #tpu.memory_space<semaphore_mem>>) src(%arg26 : memref<80x128xf32, #tpu.memory_space<vmem>>) dst(%dma_wait3A_116 : memref<80x128xf32, #tpu.memory_space<vmem_shared>>)
    %add3A_117 = arith.constant 80 : i32
    %add3A_118 = arith.addi %multiple_of3A, %add3A_117 : i32
    %dma_wait3A_119 = arith.constant 0 : i32
    %dma_wait3A_120 = tpu.memref_slice %arg32[%add3A_118, %dma_wait3A_119] : memref<10240x128xf32, #tpu.memory_space<vmem_shared>> -> memref<80x128xf32, #tpu.memory_space<vmem_shared>>
    %dma_wait3A_121 = arith.constant 0 : i32
    %dma_wait3A_122 = tpu.memref_slice %arg32[%add3A_118, %dma_wait3A_121] : memref<10240x128xf32, #tpu.memory_space<vmem_shared>> -> memref<80x128xf32, #tpu.memory_space<vmem_shared>>
    tpu.wait_dma2 semaphore(%arg47 : memref<!tpu.dma_semaphore, #tpu.memory_space<semaphore_mem>>) src(%arg26 : memref<80x128xf32, #tpu.memory_space<vmem>>) dst(%dma_wait3A_122 : memref<80x128xf32, #tpu.memory_space<vmem_shared>>)
    %add3A_123 = arith.constant 160 : i32
    %add3A_124 = arith.addi %multiple_of3A, %add3A_123 : i32
    %dma_wait3A_125 = arith.constant 0 : i32
    %dma_wait3A_126 = tpu.memref_slice %arg32[%add3A_124, %dma_wait3A_125] : memref<10240x128xf32, #tpu.memory_space<vmem_shared>> -> memref<80x128xf32, #tpu.memory_space<vmem_shared>>
    %dma_wait3A_127 = arith.constant 0 : i32
    %dma_wait3A_128 = tpu.memref_slice %arg32[%add3A_124, %dma_wait3A_127] : memref<10240x128xf32, #tpu.memory_space<vmem_shared>> -> memref<80x128xf32, #tpu.memory_space<vmem_shared>>
    tpu.wait_dma2 semaphore(%arg48 : memref<!tpu.dma_semaphore, #tpu.memory_space<semaphore_mem>>) src(%arg26 : memref<80x128xf32, #tpu.memory_space<vmem>>) dst(%dma_wait3A_128 : memref<80x128xf32, #tpu.memory_space<vmem_shared>>)
    %add3A_129 = arith.constant 240 : i32
    %add3A_130 = arith.addi %multiple_of3A, %add3A_129 : i32
    %dma_wait3A_131 = arith.constant 0 : i32
    %dma_wait3A_132 = tpu.memref_slice %arg32[%add3A_130, %dma_wait3A_131] : memref<10240x128xf32, #tpu.memory_space<vmem_shared>> -> memref<80x128xf32, #tpu.memory_space<vmem_shared>>
    %dma_wait3A_133 = arith.constant 0 : i32
    %dma_wait3A_134 = tpu.memref_slice %arg32[%add3A_130, %dma_wait3A_133] : memref<10240x128xf32, #tpu.memory_space<vmem_shared>> -> memref<80x128xf32, #tpu.memory_space<vmem_shared>>
    tpu.wait_dma2 semaphore(%arg49 : memref<!tpu.dma_semaphore, #tpu.memory_space<semaphore_mem>>) src(%arg26 : memref<80x128xf32, #tpu.memory_space<vmem>>) dst(%dma_wait3A_134 : memref<80x128xf32, #tpu.memory_space<vmem_shared>>)
    %add3A_135 = arith.constant 320 : i32
    %add3A_136 = arith.addi %multiple_of3A, %add3A_135 : i32
    %dma_wait3A_137 = arith.constant 0 : i32
    %dma_wait3A_138 = tpu.memref_slice %arg32[%add3A_136, %dma_wait3A_137] : memref<10240x128xf32, #tpu.memory_space<vmem_shared>> -> memref<80x128xf32, #tpu.memory_space<vmem_shared>>
    %dma_wait3A_139 = arith.constant 0 : i32
    %dma_wait3A_140 = tpu.memref_slice %arg32[%add3A_136, %dma_wait3A_139] : memref<10240x128xf32, #tpu.memory_space<vmem_shared>> -> memref<80x128xf32, #tpu.memory_space<vmem_shared>>
    tpu.wait_dma2 semaphore(%arg46 : memref<!tpu.dma_semaphore, #tpu.memory_space<semaphore_mem>>) src(%arg26 : memref<80x128xf32, #tpu.memory_space<vmem>>) dst(%dma_wait3A_140 : memref<80x128xf32, #tpu.memory_space<vmem_shared>>)
    %add3A_141 = arith.constant 400 : i32
    %add3A_142 = arith.addi %multiple_of3A, %add3A_141 : i32
    %dma_wait3A_143 = arith.constant 0 : i32
    %dma_wait3A_144 = tpu.memref_slice %arg32[%add3A_142, %dma_wait3A_143] : memref<10240x128xf32, #tpu.memory_space<vmem_shared>> -> memref<80x128xf32, #tpu.memory_space<vmem_shared>>
    %dma_wait3A_145 = arith.constant 0 : i32
    %dma_wait3A_146 = tpu.memref_slice %arg32[%add3A_142, %dma_wait3A_145] : memref<10240x128xf32, #tpu.memory_space<vmem_shared>> -> memref<80x128xf32, #tpu.memory_space<vmem_shared>>
    tpu.wait_dma2 semaphore(%arg47 : memref<!tpu.dma_semaphore, #tpu.memory_space<semaphore_mem>>) src(%arg26 : memref<80x128xf32, #tpu.memory_space<vmem>>) dst(%dma_wait3A_146 : memref<80x128xf32, #tpu.memory_space<vmem_shared>>)
    %add3A_147 = arith.constant 480 : i32
    %add3A_148 = arith.addi %multiple_of3A, %add3A_147 : i32
    %dma_wait3A_149 = arith.constant 0 : i32
    %dma_wait3A_150 = tpu.memref_slice %arg32[%add3A_148, %dma_wait3A_149] : memref<10240x128xf32, #tpu.memory_space<vmem_shared>> -> memref<80x128xf32, #tpu.memory_space<vmem_shared>>
    %dma_wait3A_151 = arith.constant 0 : i32
    %dma_wait3A_152 = tpu.memref_slice %arg32[%add3A_148, %dma_wait3A_151] : memref<10240x128xf32, #tpu.memory_space<vmem_shared>> -> memref<80x128xf32, #tpu.memory_space<vmem_shared>>
    tpu.wait_dma2 semaphore(%arg48 : memref<!tpu.dma_semaphore, #tpu.memory_space<semaphore_mem>>) src(%arg26 : memref<80x128xf32, #tpu.memory_space<vmem>>) dst(%dma_wait3A_152 : memref<80x128xf32, #tpu.memory_space<vmem_shared>>)
    %add3A_153 = arith.constant 560 : i32
    %add3A_154 = arith.addi %multiple_of3A, %add3A_153 : i32
    %dma_wait3A_155 = arith.constant 0 : i32
    %dma_wait3A_156 = tpu.memref_slice %arg32[%add3A_154, %dma_wait3A_155] : memref<10240x128xf32, #tpu.memory_space<vmem_shared>> -> memref<80x128xf32, #tpu.memory_space<vmem_shared>>
    %dma_wait3A_157 = arith.constant 0 : i32
    %dma_wait3A_158 = tpu.memref_slice %arg32[%add3A_154, %dma_wait3A_157] : memref<10240x128xf32, #tpu.memory_space<vmem_shared>> -> memref<80x128xf32, #tpu.memory_space<vmem_shared>>
    tpu.wait_dma2 semaphore(%arg49 : memref<!tpu.dma_semaphore, #tpu.memory_space<semaphore_mem>>) src(%arg26 : memref<80x128xf32, #tpu.memory_space<vmem>>) dst(%dma_wait3A_158 : memref<80x128xf32, #tpu.memory_space<vmem_shared>>)
    %dma_wait3A_159 = arith.constant 0 : i32
    %dma_wait3A_160 = tpu.memref_slice %arg3[%dma_wait3A_159] : memref<320000xi32, #tpu.memory_space<hbm>> -> memref<160xi32, #tpu.memory_space<hbm>>
    %dma_wait3A_161 = arith.constant 0 : i32
    %dma_wait3A_162 = tpu.memref_slice %arg3[%dma_wait3A_161] : memref<320000xi32, #tpu.memory_space<hbm>> -> memref<160xi32, #tpu.memory_space<hbm>>
    tpu.wait_dma2 semaphore(%arg34 : memref<!tpu.dma_semaphore, #tpu.memory_space<semaphore_mem>>) src(%dma_wait3A_162 : memref<160xi32, #tpu.memory_space<hbm>>) dst(%arg31 : memref<160xi32, #tpu.memory_space<vmem>>)
    %dma_start3A_163 = arith.constant 0 : i32
    %dma_start3A_164 = arith.constant 0 : i32
    %dma_start3A_165 = tpu.memref_slice %arg2[%dma_start3A_163, %dma_start3A_164] : memref<10000x128xf32, #tpu.memory_space<hbm>> -> memref<10000x128xf32, #tpu.memory_space<hbm>>
    tpu.enqueue_indirect_dma source(%dma_start3A_165 : memref<10000x128xf32, #tpu.memory_space<hbm>>) target(%arg26 : memref<80x128xf32, #tpu.memory_space<vmem>>) offsets(%arg10 : memref<80xi32, #tpu.memory_space<vmem>>) semaphore(%arg42 : memref<!tpu.dma_semaphore, #tpu.memory_space<semaphore_mem>>)
    %dma_wait3A_166 = arith.constant 0 : i32
    %dma_wait3A_167 = tpu.memref_slice %arg3[%dma_wait3A_166] : memref<320000xi32, #tpu.memory_space<hbm>> -> memref<160xi32, #tpu.memory_space<hbm>>
    %dma_wait3A_168 = arith.constant 0 : i32
    %dma_wait3A_169 = tpu.memref_slice %arg3[%dma_wait3A_168] : memref<320000xi32, #tpu.memory_space<hbm>> -> memref<160xi32, #tpu.memory_space<hbm>>
    tpu.wait_dma2 semaphore(%arg35 : memref<!tpu.dma_semaphore, #tpu.memory_space<semaphore_mem>>) src(%dma_wait3A_169 : memref<160xi32, #tpu.memory_space<hbm>>) dst(%arg31 : memref<160xi32, #tpu.memory_space<vmem>>)
    %dma_start3A_170 = arith.constant 0 : i32
    %dma_start3A_171 = arith.constant 0 : i32
    %dma_start3A_172 = tpu.memref_slice %arg2[%dma_start3A_170, %dma_start3A_171] : memref<10000x128xf32, #tpu.memory_space<hbm>> -> memref<10000x128xf32, #tpu.memory_space<hbm>>
    tpu.enqueue_indirect_dma source(%dma_start3A_172 : memref<10000x128xf32, #tpu.memory_space<hbm>>) target(%arg27 : memref<80x128xf32, #tpu.memory_space<vmem>>) offsets(%arg11 : memref<80xi32, #tpu.memory_space<vmem>>) semaphore(%arg43 : memref<!tpu.dma_semaphore, #tpu.memory_space<semaphore_mem>>)
    %barrier3A = arith.constant 0 : index
    tpu.barrier barrier_id(%barrier3A)
    %scan3A = arith.constant 0 : i32
    %scan3A_173 = arith.constant 0 : i32
    %scan3A_174 = arith.constant 15 : i32
    %scan3A_175 = arith.addi %scan3A_173, %scan3A_174 : i32
    %scan3A_176 = arith.constant 1 : i32
    scf.for %scan3A_387 = %scan3A_173 to %scan3A_175 step %scan3A_176  : i32 {
      %mul3A_388 = arith.constant 8 : i32
      %mul3A_389 = arith.muli %scan3A_387, %mul3A_388 : i32
      %add3A_390 = arith.constant 0 : i32
      %add3A_391 = arith.addi %mul3A_389, %add3A_390 : i32
      %ge3A = arith.constant 2 : i32
      %ge3A_392 = arith.cmpi sge, %add3A_391, %ge3A : i32
      %convert_element_type3A = arith.extui %ge3A_392 : i1 to i32
      %cond3A = arith.constant 0 : i32
      %cond3A_393 = arith.cmpi ne, %convert_element_type3A, %cond3A : i32
      scf.if %cond3A_393 {
        %dma_wait3A_632 = arith.constant 0 : i32
        %dma_wait3A_633 = arith.constant 0 : i32
        %dma_wait3A_634 = tpu.memref_slice %arg32[%dma_wait3A_632, %dma_wait3A_633] : memref<10240x128xf32, #tpu.memory_space<vmem_shared>> -> memref<10240x128xf32, #tpu.memory_space<vmem_shared>>
        tpu.wait_indirect_dma semaphore(%arg48 : memref<!tpu.dma_semaphore, #tpu.memory_space<semaphore_mem>>) src(%arg28 : memref<80x128xf32, #tpu.memory_space<vmem>>) dst(%dma_wait3A_634 : memref<10240x128xf32, #tpu.memory_space<vmem_shared>>)
        %dma_wait3A_635 = arith.constant 0 : i32
        %dma_wait3A_636 = tpu.memref_slice %arg33[%dma_wait3A_635] : memref<10240xf32, #tpu.memory_space<vmem_shared>> -> memref<10240xf32, #tpu.memory_space<vmem_shared>>
        tpu.wait_indirect_dma semaphore(%arg50 : memref<!tpu.dma_semaphore, #tpu.memory_space<semaphore_mem>>) src(%arg30 : memref<80xf32, #tpu.memory_space<vmem>>) dst(%dma_wait3A_636 : memref<10240xf32, #tpu.memory_space<vmem_shared>>)
      } else {
      }
      %add3A_394 = arith.constant 6 : i32
      %add3A_395 = arith.addi %add3A_391, %add3A_394 : i32
      %lt3A = arith.constant 125 : i32
      %lt3A_396 = arith.cmpi slt, %add3A_395, %lt3A : i32
      %convert_element_type3A_397 = arith.extui %lt3A_396 : i1 to i32
      %cond3A_398 = arith.constant 0 : i32
      %cond3A_399 = arith.cmpi ne, %convert_element_type3A_397, %cond3A_398 : i32
      scf.if %cond3A_399 {
        %add3A_632 = arith.constant 6 : i32
        %add3A_633 = arith.addi %add3A_391, %add3A_632 : i32
        %mul3A_634 = arith.constant 80 : i32
        %mul3A_635 = arith.muli %add3A_633, %mul3A_634 : i32
        %add3A_636 = arith.addi %mul3A_4, %mul3A_635 : i32
        %multiple_of3A_637 = tpu.assume_multiple %add3A_636, 8 : i32
        %dma_start3A_638 = tpu.memref_slice %arg3[%multiple_of3A_637] : memref<320000xi32, #tpu.memory_space<hbm>> -> memref<80xi32, #tpu.memory_space<hbm>>
        %dma_start3A_639 = tpu.memref_slice %arg3[%multiple_of3A_637] : memref<320000xi32, #tpu.memory_space<hbm>> -> memref<80xi32, #tpu.memory_space<hbm>>
        tpu.enqueue_dma source(%dma_start3A_639 : memref<80xi32, #tpu.memory_space<hbm>>) target(%arg16 : memref<80xi32, #tpu.memory_space<vmem>>) target_semaphore(%arg40 : memref<!tpu.dma_semaphore, #tpu.memory_space<semaphore_mem>>)
        %mul3A_640 = arith.constant 80 : i32
        %mul3A_641 = arith.muli %add3A_633, %mul3A_640 : i32
        %add3A_642 = arith.addi %mul3A_4, %mul3A_641 : i32
        %multiple_of3A_643 = tpu.assume_multiple %add3A_642, 8 : i32
        %dma_start3A_644 = tpu.memref_slice %arg4[%multiple_of3A_643] : memref<320000xi32, #tpu.memory_space<hbm>> -> memref<80xi32, #tpu.memory_space<hbm>>
        %dma_start3A_645 = tpu.memref_slice %arg4[%multiple_of3A_643] : memref<320000xi32, #tpu.memory_space<hbm>> -> memref<80xi32, #tpu.memory_space<hbm>>
        tpu.enqueue_dma source(%dma_start3A_645 : memref<80xi32, #tpu.memory_space<hbm>>) target(%arg24 : memref<80xi32, #tpu.memory_space<vmem>>) target_semaphore(%arg40 : memref<!tpu.dma_semaphore, #tpu.memory_space<semaphore_mem>>)
      } else {
      }
      %dma_wait3A_400 = arith.constant 0 : i32
      %dma_wait3A_401 = arith.constant 0 : i32
      %dma_wait3A_402 = tpu.memref_slice %arg2[%dma_wait3A_400, %dma_wait3A_401] : memref<10000x128xf32, #tpu.memory_space<hbm>> -> memref<10000x128xf32, #tpu.memory_space<hbm>>
      tpu.wait_indirect_dma semaphore(%arg42 : memref<!tpu.dma_semaphore, #tpu.memory_space<semaphore_mem>>) src(%dma_wait3A_402 : memref<10000x128xf32, #tpu.memory_space<hbm>>) dst(%arg26 : memref<80x128xf32, #tpu.memory_space<vmem>>)
      %dma_start3A_403 = arith.constant 0 : i32
      %dma_start3A_404 = tpu.memref_slice %arg33[%dma_start3A_403] : memref<10240xf32, #tpu.memory_space<vmem_shared>> -> memref<10240xf32, #tpu.memory_space<vmem_shared>>
      tpu.enqueue_indirect_dma source(%arg30 : memref<80xf32, #tpu.memory_space<vmem>>) target(%dma_start3A_404 : memref<10240xf32, #tpu.memory_space<vmem_shared>>) offsets(%arg18 : memref<80xi32, #tpu.memory_space<vmem>>) semaphore(%arg50 : memref<!tpu.dma_semaphore, #tpu.memory_space<semaphore_mem>>) {add = true}
      %dma_start3A_405 = arith.constant 0 : i32
      %dma_start3A_406 = arith.constant 0 : i32
      %dma_start3A_407 = tpu.memref_slice %arg32[%dma_start3A_405, %dma_start3A_406] : memref<10240x128xf32, #tpu.memory_space<vmem_shared>> -> memref<10240x128xf32, #tpu.memory_space<vmem_shared>>
      tpu.enqueue_indirect_dma source(%arg26 : memref<80x128xf32, #tpu.memory_space<vmem>>) target(%dma_start3A_407 : memref<10240x128xf32, #tpu.memory_space<vmem_shared>>) offsets(%arg18 : memref<80xi32, #tpu.memory_space<vmem>>) semaphore(%arg46 : memref<!tpu.dma_semaphore, #tpu.memory_space<semaphore_mem>>) {add = true}
      %add3A_408 = arith.constant 2 : i32
      %add3A_409 = arith.addi %add3A_391, %add3A_408 : i32
      %lt3A_410 = arith.constant 125 : i32
      %lt3A_411 = arith.cmpi slt, %add3A_409, %lt3A_410 : i32
      %convert_element_type3A_412 = arith.extui %lt3A_411 : i1 to i32
      %cond3A_413 = arith.constant 0 : i32
      %cond3A_414 = arith.cmpi ne, %convert_element_type3A_412, %cond3A_413 : i32
      scf.if %cond3A_414 {
        %dma_wait3A_632 = arith.constant 0 : i32
        %dma_wait3A_633 = tpu.memref_slice %arg3[%dma_wait3A_632] : memref<320000xi32, #tpu.memory_space<hbm>> -> memref<160xi32, #tpu.memory_space<hbm>>
        %dma_wait3A_634 = arith.constant 0 : i32
        %dma_wait3A_635 = tpu.memref_slice %arg3[%dma_wait3A_634] : memref<320000xi32, #tpu.memory_space<hbm>> -> memref<160xi32, #tpu.memory_space<hbm>>
        tpu.wait_dma2 semaphore(%arg36 : memref<!tpu.dma_semaphore, #tpu.memory_space<semaphore_mem>>) src(%dma_wait3A_635 : memref<160xi32, #tpu.memory_space<hbm>>) dst(%arg31 : memref<160xi32, #tpu.memory_space<vmem>>)
        %dma_start3A_636 = arith.constant 0 : i32
        %dma_start3A_637 = arith.constant 0 : i32
        %dma_start3A_638 = tpu.memref_slice %arg2[%dma_start3A_636, %dma_start3A_637] : memref<10000x128xf32, #tpu.memory_space<hbm>> -> memref<10000x128xf32, #tpu.memory_space<hbm>>
        tpu.enqueue_indirect_dma source(%dma_start3A_638 : memref<10000x128xf32, #tpu.memory_space<hbm>>) target(%arg28 : memref<80x128xf32, #tpu.memory_space<vmem>>) offsets(%arg12 : memref<80xi32, #tpu.memory_space<vmem>>) semaphore(%arg44 : memref<!tpu.dma_semaphore, #tpu.memory_space<semaphore_mem>>)
      } else {
      }
      %mul3A_415 = arith.constant 8 : i32
      %mul3A_416 = arith.muli %scan3A_387, %mul3A_415 : i32
      %add3A_417 = arith.constant 1 : i32
      %add3A_418 = arith.addi %mul3A_416, %add3A_417 : i32
      %ge3A_419 = arith.constant 2 : i32
      %ge3A_420 = arith.cmpi sge, %add3A_418, %ge3A_419 : i32
      %convert_element_type3A_421 = arith.extui %ge3A_420 : i1 to i32
      %cond3A_422 = arith.constant 0 : i32
      %cond3A_423 = arith.cmpi ne, %convert_element_type3A_421, %cond3A_422 : i32
      scf.if %cond3A_423 {
        %dma_wait3A_632 = arith.constant 0 : i32
        %dma_wait3A_633 = arith.constant 0 : i32
        %dma_wait3A_634 = tpu.memref_slice %arg32[%dma_wait3A_632, %dma_wait3A_633] : memref<10240x128xf32, #tpu.memory_space<vmem_shared>> -> memref<10240x128xf32, #tpu.memory_space<vmem_shared>>
        tpu.wait_indirect_dma semaphore(%arg49 : memref<!tpu.dma_semaphore, #tpu.memory_space<semaphore_mem>>) src(%arg29 : memref<80x128xf32, #tpu.memory_space<vmem>>) dst(%dma_wait3A_634 : memref<10240x128xf32, #tpu.memory_space<vmem_shared>>)
        %dma_wait3A_635 = arith.constant 0 : i32
        %dma_wait3A_636 = tpu.memref_slice %arg33[%dma_wait3A_635] : memref<10240xf32, #tpu.memory_space<vmem_shared>> -> memref<10240xf32, #tpu.memory_space<vmem_shared>>
        tpu.wait_indirect_dma semaphore(%arg50 : memref<!tpu.dma_semaphore, #tpu.memory_space<semaphore_mem>>) src(%arg30 : memref<80xf32, #tpu.memory_space<vmem>>) dst(%dma_wait3A_636 : memref<10240xf32, #tpu.memory_space<vmem_shared>>)
      } else {
      }
      %add3A_424 = arith.constant 6 : i32
      %add3A_425 = arith.addi %add3A_418, %add3A_424 : i32
      %lt3A_426 = arith.constant 125 : i32
      %lt3A_427 = arith.cmpi slt, %add3A_425, %lt3A_426 : i32
      %convert_element_type3A_428 = arith.extui %lt3A_427 : i1 to i32
      %cond3A_429 = arith.constant 0 : i32
      %cond3A_430 = arith.cmpi ne, %convert_element_type3A_428, %cond3A_429 : i32
      scf.if %cond3A_430 {
        %add3A_632 = arith.constant 6 : i32
        %add3A_633 = arith.addi %add3A_418, %add3A_632 : i32
        %mul3A_634 = arith.constant 80 : i32
        %mul3A_635 = arith.muli %add3A_633, %mul3A_634 : i32
        %add3A_636 = arith.addi %mul3A_4, %mul3A_635 : i32
        %multiple_of3A_637 = tpu.assume_multiple %add3A_636, 8 : i32
        %dma_start3A_638 = tpu.memref_slice %arg3[%multiple_of3A_637] : memref<320000xi32, #tpu.memory_space<hbm>> -> memref<80xi32, #tpu.memory_space<hbm>>
        %dma_start3A_639 = tpu.memref_slice %arg3[%multiple_of3A_637] : memref<320000xi32, #tpu.memory_space<hbm>> -> memref<80xi32, #tpu.memory_space<hbm>>
        tpu.enqueue_dma source(%dma_start3A_639 : memref<80xi32, #tpu.memory_space<hbm>>) target(%arg17 : memref<80xi32, #tpu.memory_space<vmem>>) target_semaphore(%arg41 : memref<!tpu.dma_semaphore, #tpu.memory_space<semaphore_mem>>)
        %mul3A_640 = arith.constant 80 : i32
        %mul3A_641 = arith.muli %add3A_633, %mul3A_640 : i32
        %add3A_642 = arith.addi %mul3A_4, %mul3A_641 : i32
        %multiple_of3A_643 = tpu.assume_multiple %add3A_642, 8 : i32
        %dma_start3A_644 = tpu.memref_slice %arg4[%multiple_of3A_643] : memref<320000xi32, #tpu.memory_space<hbm>> -> memref<80xi32, #tpu.memory_space<hbm>>
        %dma_start3A_645 = tpu.memref_slice %arg4[%multiple_of3A_643] : memref<320000xi32, #tpu.memory_space<hbm>> -> memref<80xi32, #tpu.memory_space<hbm>>
        tpu.enqueue_dma source(%dma_start3A_645 : memref<80xi32, #tpu.memory_space<hbm>>) target(%arg25 : memref<80xi32, #tpu.memory_space<vmem>>) target_semaphore(%arg41 : memref<!tpu.dma_semaphore, #tpu.memory_space<semaphore_mem>>)
      } else {
      }
      %dma_wait3A_431 = arith.constant 0 : i32
      %dma_wait3A_432 = arith.constant 0 : i32
      %dma_wait3A_433 = tpu.memref_slice %arg2[%dma_wait3A_431, %dma_wait3A_432] : memref<10000x128xf32, #tpu.memory_space<hbm>> -> memref<10000x128xf32, #tpu.memory_space<hbm>>
      tpu.wait_indirect_dma semaphore(%arg43 : memref<!tpu.dma_semaphore, #tpu.memory_space<semaphore_mem>>) src(%dma_wait3A_433 : memref<10000x128xf32, #tpu.memory_space<hbm>>) dst(%arg27 : memref<80x128xf32, #tpu.memory_space<vmem>>)
      %dma_start3A_434 = arith.constant 0 : i32
      %dma_start3A_435 = tpu.memref_slice %arg33[%dma_start3A_434] : memref<10240xf32, #tpu.memory_space<vmem_shared>> -> memref<10240xf32, #tpu.memory_space<vmem_shared>>
      tpu.enqueue_indirect_dma source(%arg30 : memref<80xf32, #tpu.memory_space<vmem>>) target(%dma_start3A_435 : memref<10240xf32, #tpu.memory_space<vmem_shared>>) offsets(%arg19 : memref<80xi32, #tpu.memory_space<vmem>>) semaphore(%arg50 : memref<!tpu.dma_semaphore, #tpu.memory_space<semaphore_mem>>) {add = true}
      %dma_start3A_436 = arith.constant 0 : i32
      %dma_start3A_437 = arith.constant 0 : i32
      %dma_start3A_438 = tpu.memref_slice %arg32[%dma_start3A_436, %dma_start3A_437] : memref<10240x128xf32, #tpu.memory_space<vmem_shared>> -> memref<10240x128xf32, #tpu.memory_space<vmem_shared>>
      tpu.enqueue_indirect_dma source(%arg27 : memref<80x128xf32, #tpu.memory_space<vmem>>) target(%dma_start3A_438 : memref<10240x128xf32, #tpu.memory_space<vmem_shared>>) offsets(%arg19 : memref<80xi32, #tpu.memory_space<vmem>>) semaphore(%arg47 : memref<!tpu.dma_semaphore, #tpu.memory_space<semaphore_mem>>) {add = true}
      %add3A_439 = arith.constant 2 : i32
      %add3A_440 = arith.addi %add3A_418, %add3A_439 : i32
      %lt3A_441 = arith.constant 125 : i32
      %lt3A_442 = arith.cmpi slt, %add3A_440, %lt3A_441 : i32
      %convert_element_type3A_443 = arith.extui %lt3A_442 : i1 to i32
      %cond3A_444 = arith.constant 0 : i32
      %cond3A_445 = arith.cmpi ne, %convert_element_type3A_443, %cond3A_444 : i32
      scf.if %cond3A_445 {
        %dma_wait3A_632 = arith.constant 0 : i32
        %dma_wait3A_633 = tpu.memref_slice %arg3[%dma_wait3A_632] : memref<320000xi32, #tpu.memory_space<hbm>> -> memref<160xi32, #tpu.memory_space<hbm>>
        %dma_wait3A_634 = arith.constant 0 : i32
        %dma_wait3A_635 = tpu.memref_slice %arg3[%dma_wait3A_634] : memref<320000xi32, #tpu.memory_space<hbm>> -> memref<160xi32, #tpu.memory_space<hbm>>
        tpu.wait_dma2 semaphore(%arg37 : memref<!tpu.dma_semaphore, #tpu.memory_space<semaphore_mem>>) src(%dma_wait3A_635 : memref<160xi32, #tpu.memory_space<hbm>>) dst(%arg31 : memref<160xi32, #tpu.memory_space<vmem>>)
        %dma_start3A_636 = arith.constant 0 : i32
        %dma_start3A_637 = arith.constant 0 : i32
        %dma_start3A_638 = tpu.memref_slice %arg2[%dma_start3A_636, %dma_start3A_637] : memref<10000x128xf32, #tpu.memory_space<hbm>> -> memref<10000x128xf32, #tpu.memory_space<hbm>>
        tpu.enqueue_indirect_dma source(%dma_start3A_638 : memref<10000x128xf32, #tpu.memory_space<hbm>>) target(%arg29 : memref<80x128xf32, #tpu.memory_space<vmem>>) offsets(%arg13 : memref<80xi32, #tpu.memory_space<vmem>>) semaphore(%arg45 : memref<!tpu.dma_semaphore, #tpu.memory_space<semaphore_mem>>)
      } else {
      }
      %mul3A_446 = arith.constant 8 : i32
      %mul3A_447 = arith.muli %scan3A_387, %mul3A_446 : i32
      %add3A_448 = arith.constant 2 : i32
      %add3A_449 = arith.addi %mul3A_447, %add3A_448 : i32
      %ge3A_450 = arith.constant 2 : i32
      %ge3A_451 = arith.cmpi sge, %add3A_449, %ge3A_450 : i32
      %convert_element_type3A_452 = arith.extui %ge3A_451 : i1 to i32
      %cond3A_453 = arith.constant 0 : i32
      %cond3A_454 = arith.cmpi ne, %convert_element_type3A_452, %cond3A_453 : i32
      scf.if %cond3A_454 {
        %dma_wait3A_632 = arith.constant 0 : i32
        %dma_wait3A_633 = arith.constant 0 : i32
        %dma_wait3A_634 = tpu.memref_slice %arg32[%dma_wait3A_632, %dma_wait3A_633] : memref<10240x128xf32, #tpu.memory_space<vmem_shared>> -> memref<10240x128xf32, #tpu.memory_space<vmem_shared>>
        tpu.wait_indirect_dma semaphore(%arg46 : memref<!tpu.dma_semaphore, #tpu.memory_space<semaphore_mem>>) src(%arg26 : memref<80x128xf32, #tpu.memory_space<vmem>>) dst(%dma_wait3A_634 : memref<10240x128xf32, #tpu.memory_space<vmem_shared>>)
        %dma_wait3A_635 = arith.constant 0 : i32
        %dma_wait3A_636 = tpu.memref_slice %arg33[%dma_wait3A_635] : memref<10240xf32, #tpu.memory_space<vmem_shared>> -> memref<10240xf32, #tpu.memory_space<vmem_shared>>
        tpu.wait_indirect_dma semaphore(%arg50 : memref<!tpu.dma_semaphore, #tpu.memory_space<semaphore_mem>>) src(%arg30 : memref<80xf32, #tpu.memory_space<vmem>>) dst(%dma_wait3A_636 : memref<10240xf32, #tpu.memory_space<vmem_shared>>)
      } else {
      }
      %add3A_455 = arith.constant 6 : i32
      %add3A_456 = arith.addi %add3A_449, %add3A_455 : i32
      %lt3A_457 = arith.constant 125 : i32
      %lt3A_458 = arith.cmpi slt, %add3A_456, %lt3A_457 : i32
      %convert_element_type3A_459 = arith.extui %lt3A_458 : i1 to i32
      %cond3A_460 = arith.constant 0 : i32
      %cond3A_461 = arith.cmpi ne, %convert_element_type3A_459, %cond3A_460 : i32
      scf.if %cond3A_461 {
        %add3A_632 = arith.constant 6 : i32
        %add3A_633 = arith.addi %add3A_449, %add3A_632 : i32
        %mul3A_634 = arith.constant 80 : i32
        %mul3A_635 = arith.muli %add3A_633, %mul3A_634 : i32
        %add3A_636 = arith.addi %mul3A_4, %mul3A_635 : i32
        %multiple_of3A_637 = tpu.assume_multiple %add3A_636, 8 : i32
        %dma_start3A_638 = tpu.memref_slice %arg3[%multiple_of3A_637] : memref<320000xi32, #tpu.memory_space<hbm>> -> memref<80xi32, #tpu.memory_space<hbm>>
        %dma_start3A_639 = tpu.memref_slice %arg3[%multiple_of3A_637] : memref<320000xi32, #tpu.memory_space<hbm>> -> memref<80xi32, #tpu.memory_space<hbm>>
        tpu.enqueue_dma source(%dma_start3A_639 : memref<80xi32, #tpu.memory_space<hbm>>) target(%arg10 : memref<80xi32, #tpu.memory_space<vmem>>) target_semaphore(%arg34 : memref<!tpu.dma_semaphore, #tpu.memory_space<semaphore_mem>>)
        %mul3A_640 = arith.constant 80 : i32
        %mul3A_641 = arith.muli %add3A_633, %mul3A_640 : i32
        %add3A_642 = arith.addi %mul3A_4, %mul3A_641 : i32
        %multiple_of3A_643 = tpu.assume_multiple %add3A_642, 8 : i32
        %dma_start3A_644 = tpu.memref_slice %arg4[%multiple_of3A_643] : memref<320000xi32, #tpu.memory_space<hbm>> -> memref<80xi32, #tpu.memory_space<hbm>>
        %dma_start3A_645 = tpu.memref_slice %arg4[%multiple_of3A_643] : memref<320000xi32, #tpu.memory_space<hbm>> -> memref<80xi32, #tpu.memory_space<hbm>>
        tpu.enqueue_dma source(%dma_start3A_645 : memref<80xi32, #tpu.memory_space<hbm>>) target(%arg18 : memref<80xi32, #tpu.memory_space<vmem>>) target_semaphore(%arg34 : memref<!tpu.dma_semaphore, #tpu.memory_space<semaphore_mem>>)
      } else {
      }
      %dma_wait3A_462 = arith.constant 0 : i32
      %dma_wait3A_463 = arith.constant 0 : i32
      %dma_wait3A_464 = tpu.memref_slice %arg2[%dma_wait3A_462, %dma_wait3A_463] : memref<10000x128xf32, #tpu.memory_space<hbm>> -> memref<10000x128xf32, #tpu.memory_space<hbm>>
      tpu.wait_indirect_dma semaphore(%arg44 : memref<!tpu.dma_semaphore, #tpu.memory_space<semaphore_mem>>) src(%dma_wait3A_464 : memref<10000x128xf32, #tpu.memory_space<hbm>>) dst(%arg28 : memref<80x128xf32, #tpu.memory_space<vmem>>)
      %dma_start3A_465 = arith.constant 0 : i32
      %dma_start3A_466 = tpu.memref_slice %arg33[%dma_start3A_465] : memref<10240xf32, #tpu.memory_space<vmem_shared>> -> memref<10240xf32, #tpu.memory_space<vmem_shared>>
      tpu.enqueue_indirect_dma source(%arg30 : memref<80xf32, #tpu.memory_space<vmem>>) target(%dma_start3A_466 : memref<10240xf32, #tpu.memory_space<vmem_shared>>) offsets(%arg20 : memref<80xi32, #tpu.memory_space<vmem>>) semaphore(%arg50 : memref<!tpu.dma_semaphore, #tpu.memory_space<semaphore_mem>>) {add = true}
      %dma_start3A_467 = arith.constant 0 : i32
      %dma_start3A_468 = arith.constant 0 : i32
      %dma_start3A_469 = tpu.memref_slice %arg32[%dma_start3A_467, %dma_start3A_468] : memref<10240x128xf32, #tpu.memory_space<vmem_shared>> -> memref<10240x128xf32, #tpu.memory_space<vmem_shared>>
      tpu.enqueue_indirect_dma source(%arg28 : memref<80x128xf32, #tpu.memory_space<vmem>>) target(%dma_start3A_469 : memref<10240x128xf32, #tpu.memory_space<vmem_shared>>) offsets(%arg20 : memref<80xi32, #tpu.memory_space<vmem>>) semaphore(%arg48 : memref<!tpu.dma_semaphore, #tpu.memory_space<semaphore_mem>>) {add = true}
      %add3A_470 = arith.constant 2 : i32
      %add3A_471 = arith.addi %add3A_449, %add3A_470 : i32
      %lt3A_472 = arith.constant 125 : i32
      %lt3A_473 = arith.cmpi slt, %add3A_471, %lt3A_472 : i32
      %convert_element_type3A_474 = arith.extui %lt3A_473 : i1 to i32
      %cond3A_475 = arith.constant 0 : i32
      %cond3A_476 = arith.cmpi ne, %convert_element_type3A_474, %cond3A_475 : i32
      scf.if %cond3A_476 {
        %dma_wait3A_632 = arith.constant 0 : i32
        %dma_wait3A_633 = tpu.memref_slice %arg3[%dma_wait3A_632] : memref<320000xi32, #tpu.memory_space<hbm>> -> memref<160xi32, #tpu.memory_space<hbm>>
        %dma_wait3A_634 = arith.constant 0 : i32
        %dma_wait3A_635 = tpu.memref_slice %arg3[%dma_wait3A_634] : memref<320000xi32, #tpu.memory_space<hbm>> -> memref<160xi32, #tpu.memory_space<hbm>>
        tpu.wait_dma2 semaphore(%arg38 : memref<!tpu.dma_semaphore, #tpu.memory_space<semaphore_mem>>) src(%dma_wait3A_635 : memref<160xi32, #tpu.memory_space<hbm>>) dst(%arg31 : memref<160xi32, #tpu.memory_space<vmem>>)
        %dma_start3A_636 = arith.constant 0 : i32
        %dma_start3A_637 = arith.constant 0 : i32
        %dma_start3A_638 = tpu.memref_slice %arg2[%dma_start3A_636, %dma_start3A_637] : memref<10000x128xf32, #tpu.memory_space<hbm>> -> memref<10000x128xf32, #tpu.memory_space<hbm>>
        tpu.enqueue_indirect_dma source(%dma_start3A_638 : memref<10000x128xf32, #tpu.memory_space<hbm>>) target(%arg26 : memref<80x128xf32, #tpu.memory_space<vmem>>) offsets(%arg14 : memref<80xi32, #tpu.memory_space<vmem>>) semaphore(%arg42 : memref<!tpu.dma_semaphore, #tpu.memory_space<semaphore_mem>>)
      } else {
      }
      %mul3A_477 = arith.constant 8 : i32
      %mul3A_478 = arith.muli %scan3A_387, %mul3A_477 : i32
      %add3A_479 = arith.constant 3 : i32
      %add3A_480 = arith.addi %mul3A_478, %add3A_479 : i32
      %ge3A_481 = arith.constant 2 : i32
      %ge3A_482 = arith.cmpi sge, %add3A_480, %ge3A_481 : i32
      %convert_element_type3A_483 = arith.extui %ge3A_482 : i1 to i32
      %cond3A_484 = arith.constant 0 : i32
      %cond3A_485 = arith.cmpi ne, %convert_element_type3A_483, %cond3A_484 : i32
      scf.if %cond3A_485 {
        %dma_wait3A_632 = arith.constant 0 : i32
        %dma_wait3A_633 = arith.constant 0 : i32
        %dma_wait3A_634 = tpu.memref_slice %arg32[%dma_wait3A_632, %dma_wait3A_633] : memref<10240x128xf32, #tpu.memory_space<vmem_shared>> -> memref<10240x128xf32, #tpu.memory_space<vmem_shared>>
        tpu.wait_indirect_dma semaphore(%arg47 : memref<!tpu.dma_semaphore, #tpu.memory_space<semaphore_mem>>) src(%arg27 : memref<80x128xf32, #tpu.memory_space<vmem>>) dst(%dma_wait3A_634 : memref<10240x128xf32, #tpu.memory_space<vmem_shared>>)
        %dma_wait3A_635 = arith.constant 0 : i32
        %dma_wait3A_636 = tpu.memref_slice %arg33[%dma_wait3A_635] : memref<10240xf32, #tpu.memory_space<vmem_shared>> -> memref<10240xf32, #tpu.memory_space<vmem_shared>>
        tpu.wait_indirect_dma semaphore(%arg50 : memref<!tpu.dma_semaphore, #tpu.memory_space<semaphore_mem>>) src(%arg30 : memref<80xf32, #tpu.memory_space<vmem>>) dst(%dma_wait3A_636 : memref<10240xf32, #tpu.memory_space<vmem_shared>>)
      } else {
      }
      %add3A_486 = arith.constant 6 : i32
      %add3A_487 = arith.addi %add3A_480, %add3A_486 : i32
      %lt3A_488 = arith.constant 125 : i32
      %lt3A_489 = arith.cmpi slt, %add3A_487, %lt3A_488 : i32
      %convert_element_type3A_490 = arith.extui %lt3A_489 : i1 to i32
      %cond3A_491 = arith.constant 0 : i32
      %cond3A_492 = arith.cmpi ne, %convert_element_type3A_490, %cond3A_491 : i32
      scf.if %cond3A_492 {
        %add3A_632 = arith.constant 6 : i32
        %add3A_633 = arith.addi %add3A_480, %add3A_632 : i32
        %mul3A_634 = arith.constant 80 : i32
        %mul3A_635 = arith.muli %add3A_633, %mul3A_634 : i32
        %add3A_636 = arith.addi %mul3A_4, %mul3A_635 : i32
        %multiple_of3A_637 = tpu.assume_multiple %add3A_636, 8 : i32
        %dma_start3A_638 = tpu.memref_slice %arg3[%multiple_of3A_637] : memref<320000xi32, #tpu.memory_space<hbm>> -> memref<80xi32, #tpu.memory_space<hbm>>
        %dma_start3A_639 = tpu.memref_slice %arg3[%multiple_of3A_637] : memref<320000xi32, #tpu.memory_space<hbm>> -> memref<80xi32, #tpu.memory_space<hbm>>
        tpu.enqueue_dma source(%dma_start3A_639 : memref<80xi32, #tpu.memory_space<hbm>>) target(%arg11 : memref<80xi32, #tpu.memory_space<vmem>>) target_semaphore(%arg35 : memref<!tpu.dma_semaphore, #tpu.memory_space<semaphore_mem>>)
        %mul3A_640 = arith.constant 80 : i32
        %mul3A_641 = arith.muli %add3A_633, %mul3A_640 : i32
        %add3A_642 = arith.addi %mul3A_4, %mul3A_641 : i32
        %multiple_of3A_643 = tpu.assume_multiple %add3A_642, 8 : i32
        %dma_start3A_644 = tpu.memref_slice %arg4[%multiple_of3A_643] : memref<320000xi32, #tpu.memory_space<hbm>> -> memref<80xi32, #tpu.memory_space<hbm>>
        %dma_start3A_645 = tpu.memref_slice %arg4[%multiple_of3A_643] : memref<320000xi32, #tpu.memory_space<hbm>> -> memref<80xi32, #tpu.memory_space<hbm>>
        tpu.enqueue_dma source(%dma_start3A_645 : memref<80xi32, #tpu.memory_space<hbm>>) target(%arg19 : memref<80xi32, #tpu.memory_space<vmem>>) target_semaphore(%arg35 : memref<!tpu.dma_semaphore, #tpu.memory_space<semaphore_mem>>)
      } else {
      }
      %dma_wait3A_493 = arith.constant 0 : i32
      %dma_wait3A_494 = arith.constant 0 : i32
      %dma_wait3A_495 = tpu.memref_slice %arg2[%dma_wait3A_493, %dma_wait3A_494] : memref<10000x128xf32, #tpu.memory_space<hbm>> -> memref<10000x128xf32, #tpu.memory_space<hbm>>
      tpu.wait_indirect_dma semaphore(%arg45 : memref<!tpu.dma_semaphore, #tpu.memory_space<semaphore_mem>>) src(%dma_wait3A_495 : memref<10000x128xf32, #tpu.memory_space<hbm>>) dst(%arg29 : memref<80x128xf32, #tpu.memory_space<vmem>>)
      %dma_start3A_496 = arith.constant 0 : i32
      %dma_start3A_497 = tpu.memref_slice %arg33[%dma_start3A_496] : memref<10240xf32, #tpu.memory_space<vmem_shared>> -> memref<10240xf32, #tpu.memory_space<vmem_shared>>
      tpu.enqueue_indirect_dma source(%arg30 : memref<80xf32, #tpu.memory_space<vmem>>) target(%dma_start3A_497 : memref<10240xf32, #tpu.memory_space<vmem_shared>>) offsets(%arg21 : memref<80xi32, #tpu.memory_space<vmem>>) semaphore(%arg50 : memref<!tpu.dma_semaphore, #tpu.memory_space<semaphore_mem>>) {add = true}
      %dma_start3A_498 = arith.constant 0 : i32
      %dma_start3A_499 = arith.constant 0 : i32
      %dma_start3A_500 = tpu.memref_slice %arg32[%dma_start3A_498, %dma_start3A_499] : memref<10240x128xf32, #tpu.memory_space<vmem_shared>> -> memref<10240x128xf32, #tpu.memory_space<vmem_shared>>
      tpu.enqueue_indirect_dma source(%arg29 : memref<80x128xf32, #tpu.memory_space<vmem>>) target(%dma_start3A_500 : memref<10240x128xf32, #tpu.memory_space<vmem_shared>>) offsets(%arg21 : memref<80xi32, #tpu.memory_space<vmem>>) semaphore(%arg49 : memref<!tpu.dma_semaphore, #tpu.memory_space<semaphore_mem>>) {add = true}
      %add3A_501 = arith.constant 2 : i32
      %add3A_502 = arith.addi %add3A_480, %add3A_501 : i32
      %lt3A_503 = arith.constant 125 : i32
      %lt3A_504 = arith.cmpi slt, %add3A_502, %lt3A_503 : i32
      %convert_element_type3A_505 = arith.extui %lt3A_504 : i1 to i32
      %cond3A_506 = arith.constant 0 : i32
      %cond3A_507 = arith.cmpi ne, %convert_element_type3A_505, %cond3A_506 : i32
      scf.if %cond3A_507 {
        %dma_wait3A_632 = arith.constant 0 : i32
        %dma_wait3A_633 = tpu.memref_slice %arg3[%dma_wait3A_632] : memref<320000xi32, #tpu.memory_space<hbm>> -> memref<160xi32, #tpu.memory_space<hbm>>
        %dma_wait3A_634 = arith.constant 0 : i32
        %dma_wait3A_635 = tpu.memref_slice %arg3[%dma_wait3A_634] : memref<320000xi32, #tpu.memory_space<hbm>> -> memref<160xi32, #tpu.memory_space<hbm>>
        tpu.wait_dma2 semaphore(%arg39 : memref<!tpu.dma_semaphore, #tpu.memory_space<semaphore_mem>>) src(%dma_wait3A_635 : memref<160xi32, #tpu.memory_space<hbm>>) dst(%arg31 : memref<160xi32, #tpu.memory_space<vmem>>)
        %dma_start3A_636 = arith.constant 0 : i32
        %dma_start3A_637 = arith.constant 0 : i32
        %dma_start3A_638 = tpu.memref_slice %arg2[%dma_start3A_636, %dma_start3A_637] : memref<10000x128xf32, #tpu.memory_space<hbm>> -> memref<10000x128xf32, #tpu.memory_space<hbm>>
        tpu.enqueue_indirect_dma source(%dma_start3A_638 : memref<10000x128xf32, #tpu.memory_space<hbm>>) target(%arg27 : memref<80x128xf32, #tpu.memory_space<vmem>>) offsets(%arg15 : memref<80xi32, #tpu.memory_space<vmem>>) semaphore(%arg43 : memref<!tpu.dma_semaphore, #tpu.memory_space<semaphore_mem>>)
      } else {
      }
      %mul3A_508 = arith.constant 8 : i32
      %mul3A_509 = arith.muli %scan3A_387, %mul3A_508 : i32
      %add3A_510 = arith.constant 4 : i32
      %add3A_511 = arith.addi %mul3A_509, %add3A_510 : i32
      %ge3A_512 = arith.constant 2 : i32
      %ge3A_513 = arith.cmpi sge, %add3A_511, %ge3A_512 : i32
      %convert_element_type3A_514 = arith.extui %ge3A_513 : i1 to i32
      %cond3A_515 = arith.constant 0 : i32
      %cond3A_516 = arith.cmpi ne, %convert_element_type3A_514, %cond3A_515 : i32
      scf.if %cond3A_516 {
        %dma_wait3A_632 = arith.constant 0 : i32
        %dma_wait3A_633 = arith.constant 0 : i32
        %dma_wait3A_634 = tpu.memref_slice %arg32[%dma_wait3A_632, %dma_wait3A_633] : memref<10240x128xf32, #tpu.memory_space<vmem_shared>> -> memref<10240x128xf32, #tpu.memory_space<vmem_shared>>
        tpu.wait_indirect_dma semaphore(%arg48 : memref<!tpu.dma_semaphore, #tpu.memory_space<semaphore_mem>>) src(%arg28 : memref<80x128xf32, #tpu.memory_space<vmem>>) dst(%dma_wait3A_634 : memref<10240x128xf32, #tpu.memory_space<vmem_shared>>)
        %dma_wait3A_635 = arith.constant 0 : i32
        %dma_wait3A_636 = tpu.memref_slice %arg33[%dma_wait3A_635] : memref<10240xf32, #tpu.memory_space<vmem_shared>> -> memref<10240xf32, #tpu.memory_space<vmem_shared>>
        tpu.wait_indirect_dma semaphore(%arg50 : memref<!tpu.dma_semaphore, #tpu.memory_space<semaphore_mem>>) src(%arg30 : memref<80xf32, #tpu.memory_space<vmem>>) dst(%dma_wait3A_636 : memref<10240xf32, #tpu.memory_space<vmem_shared>>)
      } else {
      }
      %add3A_517 = arith.constant 6 : i32
      %add3A_518 = arith.addi %add3A_511, %add3A_517 : i32
      %lt3A_519 = arith.constant 125 : i32
      %lt3A_520 = arith.cmpi slt, %add3A_518, %lt3A_519 : i32
      %convert_element_type3A_521 = arith.extui %lt3A_520 : i1 to i32
      %cond3A_522 = arith.constant 0 : i32
      %cond3A_523 = arith.cmpi ne, %convert_element_type3A_521, %cond3A_522 : i32
      scf.if %cond3A_523 {
        %add3A_632 = arith.constant 6 : i32
        %add3A_633 = arith.addi %add3A_511, %add3A_632 : i32
        %mul3A_634 = arith.constant 80 : i32
        %mul3A_635 = arith.muli %add3A_633, %mul3A_634 : i32
        %add3A_636 = arith.addi %mul3A_4, %mul3A_635 : i32
        %multiple_of3A_637 = tpu.assume_multiple %add3A_636, 8 : i32
        %dma_start3A_638 = tpu.memref_slice %arg3[%multiple_of3A_637] : memref<320000xi32, #tpu.memory_space<hbm>> -> memref<80xi32, #tpu.memory_space<hbm>>
        %dma_start3A_639 = tpu.memref_slice %arg3[%multiple_of3A_637] : memref<320000xi32, #tpu.memory_space<hbm>> -> memref<80xi32, #tpu.memory_space<hbm>>
        tpu.enqueue_dma source(%dma_start3A_639 : memref<80xi32, #tpu.memory_space<hbm>>) target(%arg12 : memref<80xi32, #tpu.memory_space<vmem>>) target_semaphore(%arg36 : memref<!tpu.dma_semaphore, #tpu.memory_space<semaphore_mem>>)
        %mul3A_640 = arith.constant 80 : i32
        %mul3A_641 = arith.muli %add3A_633, %mul3A_640 : i32
        %add3A_642 = arith.addi %mul3A_4, %mul3A_641 : i32
        %multiple_of3A_643 = tpu.assume_multiple %add3A_642, 8 : i32
        %dma_start3A_644 = tpu.memref_slice %arg4[%multiple_of3A_643] : memref<320000xi32, #tpu.memory_space<hbm>> -> memref<80xi32, #tpu.memory_space<hbm>>
        %dma_start3A_645 = tpu.memref_slice %arg4[%multiple_of3A_643] : memref<320000xi32, #tpu.memory_space<hbm>> -> memref<80xi32, #tpu.memory_space<hbm>>
        tpu.enqueue_dma source(%dma_start3A_645 : memref<80xi32, #tpu.memory_space<hbm>>) target(%arg20 : memref<80xi32, #tpu.memory_space<vmem>>) target_semaphore(%arg36 : memref<!tpu.dma_semaphore, #tpu.memory_space<semaphore_mem>>)
      } else {
      }
      %dma_wait3A_524 = arith.constant 0 : i32
      %dma_wait3A_525 = arith.constant 0 : i32
      %dma_wait3A_526 = tpu.memref_slice %arg2[%dma_wait3A_524, %dma_wait3A_525] : memref<10000x128xf32, #tpu.memory_space<hbm>> -> memref<10000x128xf32, #tpu.memory_space<hbm>>
      tpu.wait_indirect_dma semaphore(%arg42 : memref<!tpu.dma_semaphore, #tpu.memory_space<semaphore_mem>>) src(%dma_wait3A_526 : memref<10000x128xf32, #tpu.memory_space<hbm>>) dst(%arg26 : memref<80x128xf32, #tpu.memory_space<vmem>>)
      %dma_start3A_527 = arith.constant 0 : i32
      %dma_start3A_528 = tpu.memref_slice %arg33[%dma_start3A_527] : memref<10240xf32, #tpu.memory_space<vmem_shared>> -> memref<10240xf32, #tpu.memory_space<vmem_shared>>
      tpu.enqueue_indirect_dma source(%arg30 : memref<80xf32, #tpu.memory_space<vmem>>) target(%dma_start3A_528 : memref<10240xf32, #tpu.memory_space<vmem_shared>>) offsets(%arg22 : memref<80xi32, #tpu.memory_space<vmem>>) semaphore(%arg50 : memref<!tpu.dma_semaphore, #tpu.memory_space<semaphore_mem>>) {add = true}
      %dma_start3A_529 = arith.constant 0 : i32
      %dma_start3A_530 = arith.constant 0 : i32
      %dma_start3A_531 = tpu.memref_slice %arg32[%dma_start3A_529, %dma_start3A_530] : memref<10240x128xf32, #tpu.memory_space<vmem_shared>> -> memref<10240x128xf32, #tpu.memory_space<vmem_shared>>
      tpu.enqueue_indirect_dma source(%arg26 : memref<80x128xf32, #tpu.memory_space<vmem>>) target(%dma_start3A_531 : memref<10240x128xf32, #tpu.memory_space<vmem_shared>>) offsets(%arg22 : memref<80xi32, #tpu.memory_space<vmem>>) semaphore(%arg46 : memref<!tpu.dma_semaphore, #tpu.memory_space<semaphore_mem>>) {add = true}
      %add3A_532 = arith.constant 2 : i32
      %add3A_533 = arith.addi %add3A_511, %add3A_532 : i32
      %lt3A_534 = arith.constant 125 : i32
      %lt3A_535 = arith.cmpi slt, %add3A_533, %lt3A_534 : i32
      %convert_element_type3A_536 = arith.extui %lt3A_535 : i1 to i32
      %cond3A_537 = arith.constant 0 : i32
      %cond3A_538 = arith.cmpi ne, %convert_element_type3A_536, %cond3A_537 : i32
      scf.if %cond3A_538 {
        %dma_wait3A_632 = arith.constant 0 : i32
        %dma_wait3A_633 = tpu.memref_slice %arg3[%dma_wait3A_632] : memref<320000xi32, #tpu.memory_space<hbm>> -> memref<160xi32, #tpu.memory_space<hbm>>
        %dma_wait3A_634 = arith.constant 0 : i32
        %dma_wait3A_635 = tpu.memref_slice %arg3[%dma_wait3A_634] : memref<320000xi32, #tpu.memory_space<hbm>> -> memref<160xi32, #tpu.memory_space<hbm>>
        tpu.wait_dma2 semaphore(%arg40 : memref<!tpu.dma_semaphore, #tpu.memory_space<semaphore_mem>>) src(%dma_wait3A_635 : memref<160xi32, #tpu.memory_space<hbm>>) dst(%arg31 : memref<160xi32, #tpu.memory_space<vmem>>)
        %dma_start3A_636 = arith.constant 0 : i32
        %dma_start3A_637 = arith.constant 0 : i32
        %dma_start3A_638 = tpu.memref_slice %arg2[%dma_start3A_636, %dma_start3A_637] : memref<10000x128xf32, #tpu.memory_space<hbm>> -> memref<10000x128xf32, #tpu.memory_space<hbm>>
        tpu.enqueue_indirect_dma source(%dma_start3A_638 : memref<10000x128xf32, #tpu.memory_space<hbm>>) target(%arg28 : memref<80x128xf32, #tpu.memory_space<vmem>>) offsets(%arg16 : memref<80xi32, #tpu.memory_space<vmem>>) semaphore(%arg44 : memref<!tpu.dma_semaphore, #tpu.memory_space<semaphore_mem>>)
      } else {
      }
      %mul3A_539 = arith.constant 8 : i32
      %mul3A_540 = arith.muli %scan3A_387, %mul3A_539 : i32
      %add3A_541 = arith.constant 5 : i32
      %add3A_542 = arith.addi %mul3A_540, %add3A_541 : i32
      %ge3A_543 = arith.constant 2 : i32
      %ge3A_544 = arith.cmpi sge, %add3A_542, %ge3A_543 : i32
      %convert_element_type3A_545 = arith.extui %ge3A_544 : i1 to i32
      %cond3A_546 = arith.constant 0 : i32
      %cond3A_547 = arith.cmpi ne, %convert_element_type3A_545, %cond3A_546 : i32
      scf.if %cond3A_547 {
        %dma_wait3A_632 = arith.constant 0 : i32
        %dma_wait3A_633 = arith.constant 0 : i32
        %dma_wait3A_634 = tpu.memref_slice %arg32[%dma_wait3A_632, %dma_wait3A_633] : memref<10240x128xf32, #tpu.memory_space<vmem_shared>> -> memref<10240x128xf32, #tpu.memory_space<vmem_shared>>
        tpu.wait_indirect_dma semaphore(%arg49 : memref<!tpu.dma_semaphore, #tpu.memory_space<semaphore_mem>>) src(%arg29 : memref<80x128xf32, #tpu.memory_space<vmem>>) dst(%dma_wait3A_634 : memref<10240x128xf32, #tpu.memory_space<vmem_shared>>)
        %dma_wait3A_635 = arith.constant 0 : i32
        %dma_wait3A_636 = tpu.memref_slice %arg33[%dma_wait3A_635] : memref<10240xf32, #tpu.memory_space<vmem_shared>> -> memref<10240xf32, #tpu.memory_space<vmem_shared>>
        tpu.wait_indirect_dma semaphore(%arg50 : memref<!tpu.dma_semaphore, #tpu.memory_space<semaphore_mem>>) src(%arg30 : memref<80xf32, #tpu.memory_space<vmem>>) dst(%dma_wait3A_636 : memref<10240xf32, #tpu.memory_space<vmem_shared>>)
      } else {
      }
      %add3A_548 = arith.constant 6 : i32
      %add3A_549 = arith.addi %add3A_542, %add3A_548 : i32
      %lt3A_550 = arith.constant 125 : i32
      %lt3A_551 = arith.cmpi slt, %add3A_549, %lt3A_550 : i32
      %convert_element_type3A_552 = arith.extui %lt3A_551 : i1 to i32
      %cond3A_553 = arith.constant 0 : i32
      %cond3A_554 = arith.cmpi ne, %convert_element_type3A_552, %cond3A_553 : i32
      scf.if %cond3A_554 {
        %add3A_632 = arith.constant 6 : i32
        %add3A_633 = arith.addi %add3A_542, %add3A_632 : i32
        %mul3A_634 = arith.constant 80 : i32
        %mul3A_635 = arith.muli %add3A_633, %mul3A_634 : i32
        %add3A_636 = arith.addi %mul3A_4, %mul3A_635 : i32
        %multiple_of3A_637 = tpu.assume_multiple %add3A_636, 8 : i32
        %dma_start3A_638 = tpu.memref_slice %arg3[%multiple_of3A_637] : memref<320000xi32, #tpu.memory_space<hbm>> -> memref<80xi32, #tpu.memory_space<hbm>>
        %dma_start3A_639 = tpu.memref_slice %arg3[%multiple_of3A_637] : memref<320000xi32, #tpu.memory_space<hbm>> -> memref<80xi32, #tpu.memory_space<hbm>>
        tpu.enqueue_dma source(%dma_start3A_639 : memref<80xi32, #tpu.memory_space<hbm>>) target(%arg13 : memref<80xi32, #tpu.memory_space<vmem>>) target_semaphore(%arg37 : memref<!tpu.dma_semaphore, #tpu.memory_space<semaphore_mem>>)
        %mul3A_640 = arith.constant 80 : i32
        %mul3A_641 = arith.muli %add3A_633, %mul3A_640 : i32
        %add3A_642 = arith.addi %mul3A_4, %mul3A_641 : i32
        %multiple_of3A_643 = tpu.assume_multiple %add3A_642, 8 : i32
        %dma_start3A_644 = tpu.memref_slice %arg4[%multiple_of3A_643] : memref<320000xi32, #tpu.memory_space<hbm>> -> memref<80xi32, #tpu.memory_space<hbm>>
        %dma_start3A_645 = tpu.memref_slice %arg4[%multiple_of3A_643] : memref<320000xi32, #tpu.memory_space<hbm>> -> memref<80xi32, #tpu.memory_space<hbm>>
        tpu.enqueue_dma source(%dma_start3A_645 : memref<80xi32, #tpu.memory_space<hbm>>) target(%arg21 : memref<80xi32, #tpu.memory_space<vmem>>) target_semaphore(%arg37 : memref<!tpu.dma_semaphore, #tpu.memory_space<semaphore_mem>>)
      } else {
      }
      %dma_wait3A_555 = arith.constant 0 : i32
      %dma_wait3A_556 = arith.constant 0 : i32
      %dma_wait3A_557 = tpu.memref_slice %arg2[%dma_wait3A_555, %dma_wait3A_556] : memref<10000x128xf32, #tpu.memory_space<hbm>> -> memref<10000x128xf32, #tpu.memory_space<hbm>>
      tpu.wait_indirect_dma semaphore(%arg43 : memref<!tpu.dma_semaphore, #tpu.memory_space<semaphore_mem>>) src(%dma_wait3A_557 : memref<10000x128xf32, #tpu.memory_space<hbm>>) dst(%arg27 : memref<80x128xf32, #tpu.memory_space<vmem>>)
      %dma_start3A_558 = arith.constant 0 : i32
      %dma_start3A_559 = tpu.memref_slice %arg33[%dma_start3A_558] : memref<10240xf32, #tpu.memory_space<vmem_shared>> -> memref<10240xf32, #tpu.memory_space<vmem_shared>>
      tpu.enqueue_indirect_dma source(%arg30 : memref<80xf32, #tpu.memory_space<vmem>>) target(%dma_start3A_559 : memref<10240xf32, #tpu.memory_space<vmem_shared>>) offsets(%arg23 : memref<80xi32, #tpu.memory_space<vmem>>) semaphore(%arg50 : memref<!tpu.dma_semaphore, #tpu.memory_space<semaphore_mem>>) {add = true}
      %dma_start3A_560 = arith.constant 0 : i32
      %dma_start3A_561 = arith.constant 0 : i32
      %dma_start3A_562 = tpu.memref_slice %arg32[%dma_start3A_560, %dma_start3A_561] : memref<10240x128xf32, #tpu.memory_space<vmem_shared>> -> memref<10240x128xf32, #tpu.memory_space<vmem_shared>>
      tpu.enqueue_indirect_dma source(%arg27 : memref<80x128xf32, #tpu.memory_space<vmem>>) target(%dma_start3A_562 : memref<10240x128xf32, #tpu.memory_space<vmem_shared>>) offsets(%arg23 : memref<80xi32, #tpu.memory_space<vmem>>) semaphore(%arg47 : memref<!tpu.dma_semaphore, #tpu.memory_space<semaphore_mem>>) {add = true}
      %add3A_563 = arith.constant 2 : i32
      %add3A_564 = arith.addi %add3A_542, %add3A_563 : i32
      %lt3A_565 = arith.constant 125 : i32
      %lt3A_566 = arith.cmpi slt, %add3A_564, %lt3A_565 : i32
      %convert_element_type3A_567 = arith.extui %lt3A_566 : i1 to i32
      %cond3A_568 = arith.constant 0 : i32
      %cond3A_569 = arith.cmpi ne, %convert_element_type3A_567, %cond3A_568 : i32
      scf.if %cond3A_569 {
        %dma_wait3A_632 = arith.constant 0 : i32
        %dma_wait3A_633 = tpu.memref_slice %arg3[%dma_wait3A_632] : memref<320000xi32, #tpu.memory_space<hbm>> -> memref<160xi32, #tpu.memory_space<hbm>>
        %dma_wait3A_634 = arith.constant 0 : i32
        %dma_wait3A_635 = tpu.memref_slice %arg3[%dma_wait3A_634] : memref<320000xi32, #tpu.memory_space<hbm>> -> memref<160xi32, #tpu.memory_space<hbm>>
        tpu.wait_dma2 semaphore(%arg41 : memref<!tpu.dma_semaphore, #tpu.memory_space<semaphore_mem>>) src(%dma_wait3A_635 : memref<160xi32, #tpu.memory_space<hbm>>) dst(%arg31 : memref<160xi32, #tpu.memory_space<vmem>>)
        %dma_start3A_636 = arith.constant 0 : i32
        %dma_start3A_637 = arith.constant 0 : i32
        %dma_start3A_638 = tpu.memref_slice %arg2[%dma_start3A_636, %dma_start3A_637] : memref<10000x128xf32, #tpu.memory_space<hbm>> -> memref<10000x128xf32, #tpu.memory_space<hbm>>
        tpu.enqueue_indirect_dma source(%dma_start3A_638 : memref<10000x128xf32, #tpu.memory_space<hbm>>) target(%arg29 : memref<80x128xf32, #tpu.memory_space<vmem>>) offsets(%arg17 : memref<80xi32, #tpu.memory_space<vmem>>) semaphore(%arg45 : memref<!tpu.dma_semaphore, #tpu.memory_space<semaphore_mem>>)
      } else {
      }
      %mul3A_570 = arith.constant 8 : i32
      %mul3A_571 = arith.muli %scan3A_387, %mul3A_570 : i32
      %add3A_572 = arith.constant 6 : i32
      %add3A_573 = arith.addi %mul3A_571, %add3A_572 : i32
      %ge3A_574 = arith.constant 2 : i32
      %ge3A_575 = arith.cmpi sge, %add3A_573, %ge3A_574 : i32
      %convert_element_type3A_576 = arith.extui %ge3A_575 : i1 to i32
      %cond3A_577 = arith.constant 0 : i32
      %cond3A_578 = arith.cmpi ne, %convert_element_type3A_576, %cond3A_577 : i32
      scf.if %cond3A_578 {
        %dma_wait3A_632 = arith.constant 0 : i32
        %dma_wait3A_633 = arith.constant 0 : i32
        %dma_wait3A_634 = tpu.memref_slice %arg32[%dma_wait3A_632, %dma_wait3A_633] : memref<10240x128xf32, #tpu.memory_space<vmem_shared>> -> memref<10240x128xf32, #tpu.memory_space<vmem_shared>>
        tpu.wait_indirect_dma semaphore(%arg46 : memref<!tpu.dma_semaphore, #tpu.memory_space<semaphore_mem>>) src(%arg26 : memref<80x128xf32, #tpu.memory_space<vmem>>) dst(%dma_wait3A_634 : memref<10240x128xf32, #tpu.memory_space<vmem_shared>>)
        %dma_wait3A_635 = arith.constant 0 : i32
        %dma_wait3A_636 = tpu.memref_slice %arg33[%dma_wait3A_635] : memref<10240xf32, #tpu.memory_space<vmem_shared>> -> memref<10240xf32, #tpu.memory_space<vmem_shared>>
        tpu.wait_indirect_dma semaphore(%arg50 : memref<!tpu.dma_semaphore, #tpu.memory_space<semaphore_mem>>) src(%arg30 : memref<80xf32, #tpu.memory_space<vmem>>) dst(%dma_wait3A_636 : memref<10240xf32, #tpu.memory_space<vmem_shared>>)
      } else {
      }
      %add3A_579 = arith.constant 6 : i32
      %add3A_580 = arith.addi %add3A_573, %add3A_579 : i32
      %lt3A_581 = arith.constant 125 : i32
      %lt3A_582 = arith.cmpi slt, %add3A_580, %lt3A_581 : i32
      %convert_element_type3A_583 = arith.extui %lt3A_582 : i1 to i32
      %cond3A_584 = arith.constant 0 : i32
      %cond3A_585 = arith.cmpi ne, %convert_element_type3A_583, %cond3A_584 : i32
      scf.if %cond3A_585 {
        %add3A_632 = arith.constant 6 : i32
        %add3A_633 = arith.addi %add3A_573, %add3A_632 : i32
        %mul3A_634 = arith.constant 80 : i32
        %mul3A_635 = arith.muli %add3A_633, %mul3A_634 : i32
        %add3A_636 = arith.addi %mul3A_4, %mul3A_635 : i32
        %multiple_of3A_637 = tpu.assume_multiple %add3A_636, 8 : i32
        %dma_start3A_638 = tpu.memref_slice %arg3[%multiple_of3A_637] : memref<320000xi32, #tpu.memory_space<hbm>> -> memref<80xi32, #tpu.memory_space<hbm>>
        %dma_start3A_639 = tpu.memref_slice %arg3[%multiple_of3A_637] : memref<320000xi32, #tpu.memory_space<hbm>> -> memref<80xi32, #tpu.memory_space<hbm>>
        tpu.enqueue_dma source(%dma_start3A_639 : memref<80xi32, #tpu.memory_space<hbm>>) target(%arg14 : memref<80xi32, #tpu.memory_space<vmem>>) target_semaphore(%arg38 : memref<!tpu.dma_semaphore, #tpu.memory_space<semaphore_mem>>)
        %mul3A_640 = arith.constant 80 : i32
        %mul3A_641 = arith.muli %add3A_633, %mul3A_640 : i32
        %add3A_642 = arith.addi %mul3A_4, %mul3A_641 : i32
        %multiple_of3A_643 = tpu.assume_multiple %add3A_642, 8 : i32
        %dma_start3A_644 = tpu.memref_slice %arg4[%multiple_of3A_643] : memref<320000xi32, #tpu.memory_space<hbm>> -> memref<80xi32, #tpu.memory_space<hbm>>
        %dma_start3A_645 = tpu.memref_slice %arg4[%multiple_of3A_643] : memref<320000xi32, #tpu.memory_space<hbm>> -> memref<80xi32, #tpu.memory_space<hbm>>
        tpu.enqueue_dma source(%dma_start3A_645 : memref<80xi32, #tpu.memory_space<hbm>>) target(%arg22 : memref<80xi32, #tpu.memory_space<vmem>>) target_semaphore(%arg38 : memref<!tpu.dma_semaphore, #tpu.memory_space<semaphore_mem>>)
      } else {
      }
      %dma_wait3A_586 = arith.constant 0 : i32
      %dma_wait3A_587 = arith.constant 0 : i32
      %dma_wait3A_588 = tpu.memref_slice %arg2[%dma_wait3A_586, %dma_wait3A_587] : memref<10000x128xf32, #tpu.memory_space<hbm>> -> memref<10000x128xf32, #tpu.memory_space<hbm>>
      tpu.wait_indirect_dma semaphore(%arg44 : memref<!tpu.dma_semaphore, #tpu.memory_space<semaphore_mem>>) src(%dma_wait3A_588 : memref<10000x128xf32, #tpu.memory_space<hbm>>) dst(%arg28 : memref<80x128xf32, #tpu.memory_space<vmem>>)
      %dma_start3A_589 = arith.constant 0 : i32
      %dma_start3A_590 = tpu.memref_slice %arg33[%dma_start3A_589] : memref<10240xf32, #tpu.memory_space<vmem_shared>> -> memref<10240xf32, #tpu.memory_space<vmem_shared>>
      tpu.enqueue_indirect_dma source(%arg30 : memref<80xf32, #tpu.memory_space<vmem>>) target(%dma_start3A_590 : memref<10240xf32, #tpu.memory_space<vmem_shared>>) offsets(%arg24 : memref<80xi32, #tpu.memory_space<vmem>>) semaphore(%arg50 : memref<!tpu.dma_semaphore, #tpu.memory_space<semaphore_mem>>) {add = true}
      %dma_start3A_591 = arith.constant 0 : i32
      %dma_start3A_592 = arith.constant 0 : i32
      %dma_start3A_593 = tpu.memref_slice %arg32[%dma_start3A_591, %dma_start3A_592] : memref<10240x128xf32, #tpu.memory_space<vmem_shared>> -> memref<10240x128xf32, #tpu.memory_space<vmem_shared>>
      tpu.enqueue_indirect_dma source(%arg28 : memref<80x128xf32, #tpu.memory_space<vmem>>) target(%dma_start3A_593 : memref<10240x128xf32, #tpu.memory_space<vmem_shared>>) offsets(%arg24 : memref<80xi32, #tpu.memory_space<vmem>>) semaphore(%arg48 : memref<!tpu.dma_semaphore, #tpu.memory_space<semaphore_mem>>) {add = true}
      %add3A_594 = arith.constant 2 : i32
      %add3A_595 = arith.addi %add3A_573, %add3A_594 : i32
      %lt3A_596 = arith.constant 125 : i32
      %lt3A_597 = arith.cmpi slt, %add3A_595, %lt3A_596 : i32
      %convert_element_type3A_598 = arith.extui %lt3A_597 : i1 to i32
      %cond3A_599 = arith.constant 0 : i32
      %cond3A_600 = arith.cmpi ne, %convert_element_type3A_598, %cond3A_599 : i32
      scf.if %cond3A_600 {
        %dma_wait3A_632 = arith.constant 0 : i32
        %dma_wait3A_633 = tpu.memref_slice %arg3[%dma_wait3A_632] : memref<320000xi32, #tpu.memory_space<hbm>> -> memref<160xi32, #tpu.memory_space<hbm>>
        %dma_wait3A_634 = arith.constant 0 : i32
        %dma_wait3A_635 = tpu.memref_slice %arg3[%dma_wait3A_634] : memref<320000xi32, #tpu.memory_space<hbm>> -> memref<160xi32, #tpu.memory_space<hbm>>
        tpu.wait_dma2 semaphore(%arg34 : memref<!tpu.dma_semaphore, #tpu.memory_space<semaphore_mem>>) src(%dma_wait3A_635 : memref<160xi32, #tpu.memory_space<hbm>>) dst(%arg31 : memref<160xi32, #tpu.memory_space<vmem>>)
        %dma_start3A_636 = arith.constant 0 : i32
        %dma_start3A_637 = arith.constant 0 : i32
        %dma_start3A_638 = tpu.memref_slice %arg2[%dma_start3A_636, %dma_start3A_637] : memref<10000x128xf32, #tpu.memory_space<hbm>> -> memref<10000x128xf32, #tpu.memory_space<hbm>>
        tpu.enqueue_indirect_dma source(%dma_start3A_638 : memref<10000x128xf32, #tpu.memory_space<hbm>>) target(%arg26 : memref<80x128xf32, #tpu.memory_space<vmem>>) offsets(%arg10 : memref<80xi32, #tpu.memory_space<vmem>>) semaphore(%arg42 : memref<!tpu.dma_semaphore, #tpu.memory_space<semaphore_mem>>)
      } else {
      }
      %mul3A_601 = arith.constant 8 : i32
      %mul3A_602 = arith.muli %scan3A_387, %mul3A_601 : i32
      %add3A_603 = arith.constant 7 : i32
      %add3A_604 = arith.addi %mul3A_602, %add3A_603 : i32
      %ge3A_605 = arith.constant 2 : i32
      %ge3A_606 = arith.cmpi sge, %add3A_604, %ge3A_605 : i32
      %convert_element_type3A_607 = arith.extui %ge3A_606 : i1 to i32
      %cond3A_608 = arith.constant 0 : i32
      %cond3A_609 = arith.cmpi ne, %convert_element_type3A_607, %cond3A_608 : i32
      scf.if %cond3A_609 {
        %dma_wait3A_632 = arith.constant 0 : i32
        %dma_wait3A_633 = arith.constant 0 : i32
        %dma_wait3A_634 = tpu.memref_slice %arg32[%dma_wait3A_632, %dma_wait3A_633] : memref<10240x128xf32, #tpu.memory_space<vmem_shared>> -> memref<10240x128xf32, #tpu.memory_space<vmem_shared>>
        tpu.wait_indirect_dma semaphore(%arg47 : memref<!tpu.dma_semaphore, #tpu.memory_space<semaphore_mem>>) src(%arg27 : memref<80x128xf32, #tpu.memory_space<vmem>>) dst(%dma_wait3A_634 : memref<10240x128xf32, #tpu.memory_space<vmem_shared>>)
        %dma_wait3A_635 = arith.constant 0 : i32
        %dma_wait3A_636 = tpu.memref_slice %arg33[%dma_wait3A_635] : memref<10240xf32, #tpu.memory_space<vmem_shared>> -> memref<10240xf32, #tpu.memory_space<vmem_shared>>
        tpu.wait_indirect_dma semaphore(%arg50 : memref<!tpu.dma_semaphore, #tpu.memory_space<semaphore_mem>>) src(%arg30 : memref<80xf32, #tpu.memory_space<vmem>>) dst(%dma_wait3A_636 : memref<10240xf32, #tpu.memory_space<vmem_shared>>)
      } else {
      }
      %add3A_610 = arith.constant 6 : i32
      %add3A_611 = arith.addi %add3A_604, %add3A_610 : i32
      %lt3A_612 = arith.constant 125 : i32
      %lt3A_613 = arith.cmpi slt, %add3A_611, %lt3A_612 : i32
      %convert_element_type3A_614 = arith.extui %lt3A_613 : i1 to i32
      %cond3A_615 = arith.constant 0 : i32
      %cond3A_616 = arith.cmpi ne, %convert_element_type3A_614, %cond3A_615 : i32
      scf.if %cond3A_616 {
        %add3A_632 = arith.constant 6 : i32
        %add3A_633 = arith.addi %add3A_604, %add3A_632 : i32
        %mul3A_634 = arith.constant 80 : i32
        %mul3A_635 = arith.muli %add3A_633, %mul3A_634 : i32
        %add3A_636 = arith.addi %mul3A_4, %mul3A_635 : i32
        %multiple_of3A_637 = tpu.assume_multiple %add3A_636, 8 : i32
        %dma_start3A_638 = tpu.memref_slice %arg3[%multiple_of3A_637] : memref<320000xi32, #tpu.memory_space<hbm>> -> memref<80xi32, #tpu.memory_space<hbm>>
        %dma_start3A_639 = tpu.memref_slice %arg3[%multiple_of3A_637] : memref<320000xi32, #tpu.memory_space<hbm>> -> memref<80xi32, #tpu.memory_space<hbm>>
        tpu.enqueue_dma source(%dma_start3A_639 : memref<80xi32, #tpu.memory_space<hbm>>) target(%arg15 : memref<80xi32, #tpu.memory_space<vmem>>) target_semaphore(%arg39 : memref<!tpu.dma_semaphore, #tpu.memory_space<semaphore_mem>>)
        %mul3A_640 = arith.constant 80 : i32
        %mul3A_641 = arith.muli %add3A_633, %mul3A_640 : i32
        %add3A_642 = arith.addi %mul3A_4, %mul3A_641 : i32
        %multiple_of3A_643 = tpu.assume_multiple %add3A_642, 8 : i32
        %dma_start3A_644 = tpu.memref_slice %arg4[%multiple_of3A_643] : memref<320000xi32, #tpu.memory_space<hbm>> -> memref<80xi32, #tpu.memory_space<hbm>>
        %dma_start3A_645 = tpu.memref_slice %arg4[%multiple_of3A_643] : memref<320000xi32, #tpu.memory_space<hbm>> -> memref<80xi32, #tpu.memory_space<hbm>>
        tpu.enqueue_dma source(%dma_start3A_645 : memref<80xi32, #tpu.memory_space<hbm>>) target(%arg23 : memref<80xi32, #tpu.memory_space<vmem>>) target_semaphore(%arg39 : memref<!tpu.dma_semaphore, #tpu.memory_space<semaphore_mem>>)
      } else {
      }
      %dma_wait3A_617 = arith.constant 0 : i32
      %dma_wait3A_618 = arith.constant 0 : i32
      %dma_wait3A_619 = tpu.memref_slice %arg2[%dma_wait3A_617, %dma_wait3A_618] : memref<10000x128xf32, #tpu.memory_space<hbm>> -> memref<10000x128xf32, #tpu.memory_space<hbm>>
      tpu.wait_indirect_dma semaphore(%arg45 : memref<!tpu.dma_semaphore, #tpu.memory_space<semaphore_mem>>) src(%dma_wait3A_619 : memref<10000x128xf32, #tpu.memory_space<hbm>>) dst(%arg29 : memref<80x128xf32, #tpu.memory_space<vmem>>)
      %dma_start3A_620 = arith.constant 0 : i32
      %dma_start3A_621 = tpu.memref_slice %arg33[%dma_start3A_620] : memref<10240xf32, #tpu.memory_space<vmem_shared>> -> memref<10240xf32, #tpu.memory_space<vmem_shared>>
      tpu.enqueue_indirect_dma source(%arg30 : memref<80xf32, #tpu.memory_space<vmem>>) target(%dma_start3A_621 : memref<10240xf32, #tpu.memory_space<vmem_shared>>) offsets(%arg25 : memref<80xi32, #tpu.memory_space<vmem>>) semaphore(%arg50 : memref<!tpu.dma_semaphore, #tpu.memory_space<semaphore_mem>>) {add = true}
      %dma_start3A_622 = arith.constant 0 : i32
      %dma_start3A_623 = arith.constant 0 : i32
      %dma_start3A_624 = tpu.memref_slice %arg32[%dma_start3A_622, %dma_start3A_623] : memref<10240x128xf32, #tpu.memory_space<vmem_shared>> -> memref<10240x128xf32, #tpu.memory_space<vmem_shared>>
      tpu.enqueue_indirect_dma source(%arg29 : memref<80x128xf32, #tpu.memory_space<vmem>>) target(%dma_start3A_624 : memref<10240x128xf32, #tpu.memory_space<vmem_shared>>) offsets(%arg25 : memref<80xi32, #tpu.memory_space<vmem>>) semaphore(%arg49 : memref<!tpu.dma_semaphore, #tpu.memory_space<semaphore_mem>>) {add = true}
      %add3A_625 = arith.constant 2 : i32
      %add3A_626 = arith.addi %add3A_604, %add3A_625 : i32
      %lt3A_627 = arith.constant 125 : i32
      %lt3A_628 = arith.cmpi slt, %add3A_626, %lt3A_627 : i32
      %convert_element_type3A_629 = arith.extui %lt3A_628 : i1 to i32
      %cond3A_630 = arith.constant 0 : i32
      %cond3A_631 = arith.cmpi ne, %convert_element_type3A_629, %cond3A_630 : i32
      scf.if %cond3A_631 {
        %dma_wait3A_632 = arith.constant 0 : i32
        %dma_wait3A_633 = tpu.memref_slice %arg3[%dma_wait3A_632] : memref<320000xi32, #tpu.memory_space<hbm>> -> memref<160xi32, #tpu.memory_space<hbm>>
        %dma_wait3A_634 = arith.constant 0 : i32
        %dma_wait3A_635 = tpu.memref_slice %arg3[%dma_wait3A_634] : memref<320000xi32, #tpu.memory_space<hbm>> -> memref<160xi32, #tpu.memory_space<hbm>>
        tpu.wait_dma2 semaphore(%arg35 : memref<!tpu.dma_semaphore, #tpu.memory_space<semaphore_mem>>) src(%dma_wait3A_635 : memref<160xi32, #tpu.memory_space<hbm>>) dst(%arg31 : memref<160xi32, #tpu.memory_space<vmem>>)
        %dma_start3A_636 = arith.constant 0 : i32
        %dma_start3A_637 = arith.constant 0 : i32
        %dma_start3A_638 = tpu.memref_slice %arg2[%dma_start3A_636, %dma_start3A_637] : memref<10000x128xf32, #tpu.memory_space<hbm>> -> memref<10000x128xf32, #tpu.memory_space<hbm>>
        tpu.enqueue_indirect_dma source(%dma_start3A_638 : memref<10000x128xf32, #tpu.memory_space<hbm>>) target(%arg27 : memref<80x128xf32, #tpu.memory_space<vmem>>) offsets(%arg11 : memref<80xi32, #tpu.memory_space<vmem>>) semaphore(%arg43 : memref<!tpu.dma_semaphore, #tpu.memory_space<semaphore_mem>>)
      } else {
      }
    }
    %scan3A_177 = arith.constant 15 : i32
    %dma_wait3A_178 = arith.constant 0 : i32
    %dma_wait3A_179 = arith.constant 0 : i32
    %dma_wait3A_180 = tpu.memref_slice %arg32[%dma_wait3A_178, %dma_wait3A_179] : memref<10240x128xf32, #tpu.memory_space<vmem_shared>> -> memref<10240x128xf32, #tpu.memory_space<vmem_shared>>
    tpu.wait_indirect_dma semaphore(%arg48 : memref<!tpu.dma_semaphore, #tpu.memory_space<semaphore_mem>>) src(%arg28 : memref<80x128xf32, #tpu.memory_space<vmem>>) dst(%dma_wait3A_180 : memref<10240x128xf32, #tpu.memory_space<vmem_shared>>)
    %dma_wait3A_181 = arith.constant 0 : i32
    %dma_wait3A_182 = tpu.memref_slice %arg33[%dma_wait3A_181] : memref<10240xf32, #tpu.memory_space<vmem_shared>> -> memref<10240xf32, #tpu.memory_space<vmem_shared>>
    tpu.wait_indirect_dma semaphore(%arg50 : memref<!tpu.dma_semaphore, #tpu.memory_space<semaphore_mem>>) src(%arg30 : memref<80xf32, #tpu.memory_space<vmem>>) dst(%dma_wait3A_182 : memref<10240xf32, #tpu.memory_space<vmem_shared>>)
    %dma_wait3A_183 = arith.constant 0 : i32
    %dma_wait3A_184 = arith.constant 0 : i32
    %dma_wait3A_185 = tpu.memref_slice %arg2[%dma_wait3A_183, %dma_wait3A_184] : memref<10000x128xf32, #tpu.memory_space<hbm>> -> memref<10000x128xf32, #tpu.memory_space<hbm>>
    tpu.wait_indirect_dma semaphore(%arg42 : memref<!tpu.dma_semaphore, #tpu.memory_space<semaphore_mem>>) src(%dma_wait3A_185 : memref<10000x128xf32, #tpu.memory_space<hbm>>) dst(%arg26 : memref<80x128xf32, #tpu.memory_space<vmem>>)
    %dma_start3A_186 = arith.constant 0 : i32
    %dma_start3A_187 = tpu.memref_slice %arg33[%dma_start3A_186] : memref<10240xf32, #tpu.memory_space<vmem_shared>> -> memref<10240xf32, #tpu.memory_space<vmem_shared>>
    tpu.enqueue_indirect_dma source(%arg30 : memref<80xf32, #tpu.memory_space<vmem>>) target(%dma_start3A_187 : memref<10240xf32, #tpu.memory_space<vmem_shared>>) offsets(%arg18 : memref<80xi32, #tpu.memory_space<vmem>>) semaphore(%arg50 : memref<!tpu.dma_semaphore, #tpu.memory_space<semaphore_mem>>) {add = true}
    %dma_start3A_188 = arith.constant 0 : i32
    %dma_start3A_189 = arith.constant 0 : i32
    %dma_start3A_190 = tpu.memref_slice %arg32[%dma_start3A_188, %dma_start3A_189] : memref<10240x128xf32, #tpu.memory_space<vmem_shared>> -> memref<10240x128xf32, #tpu.memory_space<vmem_shared>>
    tpu.enqueue_indirect_dma source(%arg26 : memref<80x128xf32, #tpu.memory_space<vmem>>) target(%dma_start3A_190 : memref<10240x128xf32, #tpu.memory_space<vmem_shared>>) offsets(%arg18 : memref<80xi32, #tpu.memory_space<vmem>>) semaphore(%arg46 : memref<!tpu.dma_semaphore, #tpu.memory_space<semaphore_mem>>) {add = true}
    %dma_wait3A_191 = arith.constant 0 : i32
    %dma_wait3A_192 = tpu.memref_slice %arg3[%dma_wait3A_191] : memref<320000xi32, #tpu.memory_space<hbm>> -> memref<160xi32, #tpu.memory_space<hbm>>
    %dma_wait3A_193 = arith.constant 0 : i32
    %dma_wait3A_194 = tpu.memref_slice %arg3[%dma_wait3A_193] : memref<320000xi32, #tpu.memory_space<hbm>> -> memref<160xi32, #tpu.memory_space<hbm>>
    tpu.wait_dma2 semaphore(%arg36 : memref<!tpu.dma_semaphore, #tpu.memory_space<semaphore_mem>>) src(%dma_wait3A_194 : memref<160xi32, #tpu.memory_space<hbm>>) dst(%arg31 : memref<160xi32, #tpu.memory_space<vmem>>)
    %dma_start3A_195 = arith.constant 0 : i32
    %dma_start3A_196 = arith.constant 0 : i32
    %dma_start3A_197 = tpu.memref_slice %arg2[%dma_start3A_195, %dma_start3A_196] : memref<10000x128xf32, #tpu.memory_space<hbm>> -> memref<10000x128xf32, #tpu.memory_space<hbm>>
    tpu.enqueue_indirect_dma source(%dma_start3A_197 : memref<10000x128xf32, #tpu.memory_space<hbm>>) target(%arg28 : memref<80x128xf32, #tpu.memory_space<vmem>>) offsets(%arg12 : memref<80xi32, #tpu.memory_space<vmem>>) semaphore(%arg44 : memref<!tpu.dma_semaphore, #tpu.memory_space<semaphore_mem>>)
    %dma_wait3A_198 = arith.constant 0 : i32
    %dma_wait3A_199 = arith.constant 0 : i32
    %dma_wait3A_200 = tpu.memref_slice %arg32[%dma_wait3A_198, %dma_wait3A_199] : memref<10240x128xf32, #tpu.memory_space<vmem_shared>> -> memref<10240x128xf32, #tpu.memory_space<vmem_shared>>
    tpu.wait_indirect_dma semaphore(%arg49 : memref<!tpu.dma_semaphore, #tpu.memory_space<semaphore_mem>>) src(%arg29 : memref<80x128xf32, #tpu.memory_space<vmem>>) dst(%dma_wait3A_200 : memref<10240x128xf32, #tpu.memory_space<vmem_shared>>)
    %dma_wait3A_201 = arith.constant 0 : i32
    %dma_wait3A_202 = tpu.memref_slice %arg33[%dma_wait3A_201] : memref<10240xf32, #tpu.memory_space<vmem_shared>> -> memref<10240xf32, #tpu.memory_space<vmem_shared>>
    tpu.wait_indirect_dma semaphore(%arg50 : memref<!tpu.dma_semaphore, #tpu.memory_space<semaphore_mem>>) src(%arg30 : memref<80xf32, #tpu.memory_space<vmem>>) dst(%dma_wait3A_202 : memref<10240xf32, #tpu.memory_space<vmem_shared>>)
    %dma_wait3A_203 = arith.constant 0 : i32
    %dma_wait3A_204 = arith.constant 0 : i32
    %dma_wait3A_205 = tpu.memref_slice %arg2[%dma_wait3A_203, %dma_wait3A_204] : memref<10000x128xf32, #tpu.memory_space<hbm>> -> memref<10000x128xf32, #tpu.memory_space<hbm>>
    tpu.wait_indirect_dma semaphore(%arg43 : memref<!tpu.dma_semaphore, #tpu.memory_space<semaphore_mem>>) src(%dma_wait3A_205 : memref<10000x128xf32, #tpu.memory_space<hbm>>) dst(%arg27 : memref<80x128xf32, #tpu.memory_space<vmem>>)
    %dma_start3A_206 = arith.constant 0 : i32
    %dma_start3A_207 = tpu.memref_slice %arg33[%dma_start3A_206] : memref<10240xf32, #tpu.memory_space<vmem_shared>> -> memref<10240xf32, #tpu.memory_space<vmem_shared>>
    tpu.enqueue_indirect_dma source(%arg30 : memref<80xf32, #tpu.memory_space<vmem>>) target(%dma_start3A_207 : memref<10240xf32, #tpu.memory_space<vmem_shared>>) offsets(%arg19 : memref<80xi32, #tpu.memory_space<vmem>>) semaphore(%arg50 : memref<!tpu.dma_semaphore, #tpu.memory_space<semaphore_mem>>) {add = true}
    %dma_start3A_208 = arith.constant 0 : i32
    %dma_start3A_209 = arith.constant 0 : i32
    %dma_start3A_210 = tpu.memref_slice %arg32[%dma_start3A_208, %dma_start3A_209] : memref<10240x128xf32, #tpu.memory_space<vmem_shared>> -> memref<10240x128xf32, #tpu.memory_space<vmem_shared>>
    tpu.enqueue_indirect_dma source(%arg27 : memref<80x128xf32, #tpu.memory_space<vmem>>) target(%dma_start3A_210 : memref<10240x128xf32, #tpu.memory_space<vmem_shared>>) offsets(%arg19 : memref<80xi32, #tpu.memory_space<vmem>>) semaphore(%arg47 : memref<!tpu.dma_semaphore, #tpu.memory_space<semaphore_mem>>) {add = true}
    %dma_wait3A_211 = arith.constant 0 : i32
    %dma_wait3A_212 = tpu.memref_slice %arg3[%dma_wait3A_211] : memref<320000xi32, #tpu.memory_space<hbm>> -> memref<160xi32, #tpu.memory_space<hbm>>
    %dma_wait3A_213 = arith.constant 0 : i32
    %dma_wait3A_214 = tpu.memref_slice %arg3[%dma_wait3A_213] : memref<320000xi32, #tpu.memory_space<hbm>> -> memref<160xi32, #tpu.memory_space<hbm>>
    tpu.wait_dma2 semaphore(%arg37 : memref<!tpu.dma_semaphore, #tpu.memory_space<semaphore_mem>>) src(%dma_wait3A_214 : memref<160xi32, #tpu.memory_space<hbm>>) dst(%arg31 : memref<160xi32, #tpu.memory_space<vmem>>)
    %dma_start3A_215 = arith.constant 0 : i32
    %dma_start3A_216 = arith.constant 0 : i32
    %dma_start3A_217 = tpu.memref_slice %arg2[%dma_start3A_215, %dma_start3A_216] : memref<10000x128xf32, #tpu.memory_space<hbm>> -> memref<10000x128xf32, #tpu.memory_space<hbm>>
    tpu.enqueue_indirect_dma source(%dma_start3A_217 : memref<10000x128xf32, #tpu.memory_space<hbm>>) target(%arg29 : memref<80x128xf32, #tpu.memory_space<vmem>>) offsets(%arg13 : memref<80xi32, #tpu.memory_space<vmem>>) semaphore(%arg45 : memref<!tpu.dma_semaphore, #tpu.memory_space<semaphore_mem>>)
    %dma_wait3A_218 = arith.constant 0 : i32
    %dma_wait3A_219 = arith.constant 0 : i32
    %dma_wait3A_220 = tpu.memref_slice %arg32[%dma_wait3A_218, %dma_wait3A_219] : memref<10240x128xf32, #tpu.memory_space<vmem_shared>> -> memref<10240x128xf32, #tpu.memory_space<vmem_shared>>
    tpu.wait_indirect_dma semaphore(%arg46 : memref<!tpu.dma_semaphore, #tpu.memory_space<semaphore_mem>>) src(%arg26 : memref<80x128xf32, #tpu.memory_space<vmem>>) dst(%dma_wait3A_220 : memref<10240x128xf32, #tpu.memory_space<vmem_shared>>)
    %dma_wait3A_221 = arith.constant 0 : i32
    %dma_wait3A_222 = tpu.memref_slice %arg33[%dma_wait3A_221] : memref<10240xf32, #tpu.memory_space<vmem_shared>> -> memref<10240xf32, #tpu.memory_space<vmem_shared>>
    tpu.wait_indirect_dma semaphore(%arg50 : memref<!tpu.dma_semaphore, #tpu.memory_space<semaphore_mem>>) src(%arg30 : memref<80xf32, #tpu.memory_space<vmem>>) dst(%dma_wait3A_222 : memref<10240xf32, #tpu.memory_space<vmem_shared>>)
    %dma_wait3A_223 = arith.constant 0 : i32
    %dma_wait3A_224 = arith.constant 0 : i32
    %dma_wait3A_225 = tpu.memref_slice %arg2[%dma_wait3A_223, %dma_wait3A_224] : memref<10000x128xf32, #tpu.memory_space<hbm>> -> memref<10000x128xf32, #tpu.memory_space<hbm>>
    tpu.wait_indirect_dma semaphore(%arg44 : memref<!tpu.dma_semaphore, #tpu.memory_space<semaphore_mem>>) src(%dma_wait3A_225 : memref<10000x128xf32, #tpu.memory_space<hbm>>) dst(%arg28 : memref<80x128xf32, #tpu.memory_space<vmem>>)
    %dma_start3A_226 = arith.constant 0 : i32
    %dma_start3A_227 = tpu.memref_slice %arg33[%dma_start3A_226] : memref<10240xf32, #tpu.memory_space<vmem_shared>> -> memref<10240xf32, #tpu.memory_space<vmem_shared>>
    tpu.enqueue_indirect_dma source(%arg30 : memref<80xf32, #tpu.memory_space<vmem>>) target(%dma_start3A_227 : memref<10240xf32, #tpu.memory_space<vmem_shared>>) offsets(%arg20 : memref<80xi32, #tpu.memory_space<vmem>>) semaphore(%arg50 : memref<!tpu.dma_semaphore, #tpu.memory_space<semaphore_mem>>) {add = true}
    %dma_start3A_228 = arith.constant 0 : i32
    %dma_start3A_229 = arith.constant 0 : i32
    %dma_start3A_230 = tpu.memref_slice %arg32[%dma_start3A_228, %dma_start3A_229] : memref<10240x128xf32, #tpu.memory_space<vmem_shared>> -> memref<10240x128xf32, #tpu.memory_space<vmem_shared>>
    tpu.enqueue_indirect_dma source(%arg28 : memref<80x128xf32, #tpu.memory_space<vmem>>) target(%dma_start3A_230 : memref<10240x128xf32, #tpu.memory_space<vmem_shared>>) offsets(%arg20 : memref<80xi32, #tpu.memory_space<vmem>>) semaphore(%arg48 : memref<!tpu.dma_semaphore, #tpu.memory_space<semaphore_mem>>) {add = true}
    %dma_wait3A_231 = arith.constant 0 : i32
    %dma_wait3A_232 = tpu.memref_slice %arg3[%dma_wait3A_231] : memref<320000xi32, #tpu.memory_space<hbm>> -> memref<160xi32, #tpu.memory_space<hbm>>
    %dma_wait3A_233 = arith.constant 0 : i32
    %dma_wait3A_234 = tpu.memref_slice %arg3[%dma_wait3A_233] : memref<320000xi32, #tpu.memory_space<hbm>> -> memref<160xi32, #tpu.memory_space<hbm>>
    tpu.wait_dma2 semaphore(%arg38 : memref<!tpu.dma_semaphore, #tpu.memory_space<semaphore_mem>>) src(%dma_wait3A_234 : memref<160xi32, #tpu.memory_space<hbm>>) dst(%arg31 : memref<160xi32, #tpu.memory_space<vmem>>)
    %dma_start3A_235 = arith.constant 0 : i32
    %dma_start3A_236 = arith.constant 0 : i32
    %dma_start3A_237 = tpu.memref_slice %arg2[%dma_start3A_235, %dma_start3A_236] : memref<10000x128xf32, #tpu.memory_space<hbm>> -> memref<10000x128xf32, #tpu.memory_space<hbm>>
    tpu.enqueue_indirect_dma source(%dma_start3A_237 : memref<10000x128xf32, #tpu.memory_space<hbm>>) target(%arg26 : memref<80x128xf32, #tpu.memory_space<vmem>>) offsets(%arg14 : memref<80xi32, #tpu.memory_space<vmem>>) semaphore(%arg42 : memref<!tpu.dma_semaphore, #tpu.memory_space<semaphore_mem>>)
    %dma_wait3A_238 = arith.constant 0 : i32
    %dma_wait3A_239 = arith.constant 0 : i32
    %dma_wait3A_240 = tpu.memref_slice %arg32[%dma_wait3A_238, %dma_wait3A_239] : memref<10240x128xf32, #tpu.memory_space<vmem_shared>> -> memref<10240x128xf32, #tpu.memory_space<vmem_shared>>
    tpu.wait_indirect_dma semaphore(%arg47 : memref<!tpu.dma_semaphore, #tpu.memory_space<semaphore_mem>>) src(%arg27 : memref<80x128xf32, #tpu.memory_space<vmem>>) dst(%dma_wait3A_240 : memref<10240x128xf32, #tpu.memory_space<vmem_shared>>)
    %dma_wait3A_241 = arith.constant 0 : i32
    %dma_wait3A_242 = tpu.memref_slice %arg33[%dma_wait3A_241] : memref<10240xf32, #tpu.memory_space<vmem_shared>> -> memref<10240xf32, #tpu.memory_space<vmem_shared>>
    tpu.wait_indirect_dma semaphore(%arg50 : memref<!tpu.dma_semaphore, #tpu.memory_space<semaphore_mem>>) src(%arg30 : memref<80xf32, #tpu.memory_space<vmem>>) dst(%dma_wait3A_242 : memref<10240xf32, #tpu.memory_space<vmem_shared>>)
    %dma_wait3A_243 = arith.constant 0 : i32
    %dma_wait3A_244 = arith.constant 0 : i32
    %dma_wait3A_245 = tpu.memref_slice %arg2[%dma_wait3A_243, %dma_wait3A_244] : memref<10000x128xf32, #tpu.memory_space<hbm>> -> memref<10000x128xf32, #tpu.memory_space<hbm>>
    tpu.wait_indirect_dma semaphore(%arg45 : memref<!tpu.dma_semaphore, #tpu.memory_space<semaphore_mem>>) src(%dma_wait3A_245 : memref<10000x128xf32, #tpu.memory_space<hbm>>) dst(%arg29 : memref<80x128xf32, #tpu.memory_space<vmem>>)
    %dma_start3A_246 = arith.constant 0 : i32
    %dma_start3A_247 = tpu.memref_slice %arg33[%dma_start3A_246] : memref<10240xf32, #tpu.memory_space<vmem_shared>> -> memref<10240xf32, #tpu.memory_space<vmem_shared>>
    tpu.enqueue_indirect_dma source(%arg30 : memref<80xf32, #tpu.memory_space<vmem>>) target(%dma_start3A_247 : memref<10240xf32, #tpu.memory_space<vmem_shared>>) offsets(%arg21 : memref<80xi32, #tpu.memory_space<vmem>>) semaphore(%arg50 : memref<!tpu.dma_semaphore, #tpu.memory_space<semaphore_mem>>) {add = true}
    %dma_start3A_248 = arith.constant 0 : i32
    %dma_start3A_249 = arith.constant 0 : i32
    %dma_start3A_250 = tpu.memref_slice %arg32[%dma_start3A_248, %dma_start3A_249] : memref<10240x128xf32, #tpu.memory_space<vmem_shared>> -> memref<10240x128xf32, #tpu.memory_space<vmem_shared>>
    tpu.enqueue_indirect_dma source(%arg29 : memref<80x128xf32, #tpu.memory_space<vmem>>) target(%dma_start3A_250 : memref<10240x128xf32, #tpu.memory_space<vmem_shared>>) offsets(%arg21 : memref<80xi32, #tpu.memory_space<vmem>>) semaphore(%arg49 : memref<!tpu.dma_semaphore, #tpu.memory_space<semaphore_mem>>) {add = true}
    %dma_wait3A_251 = arith.constant 0 : i32
    %dma_wait3A_252 = arith.constant 0 : i32
    %dma_wait3A_253 = tpu.memref_slice %arg32[%dma_wait3A_251, %dma_wait3A_252] : memref<10240x128xf32, #tpu.memory_space<vmem_shared>> -> memref<10240x128xf32, #tpu.memory_space<vmem_shared>>
    tpu.wait_indirect_dma semaphore(%arg48 : memref<!tpu.dma_semaphore, #tpu.memory_space<semaphore_mem>>) src(%arg28 : memref<80x128xf32, #tpu.memory_space<vmem>>) dst(%dma_wait3A_253 : memref<10240x128xf32, #tpu.memory_space<vmem_shared>>)
    %dma_wait3A_254 = arith.constant 0 : i32
    %dma_wait3A_255 = tpu.memref_slice %arg33[%dma_wait3A_254] : memref<10240xf32, #tpu.memory_space<vmem_shared>> -> memref<10240xf32, #tpu.memory_space<vmem_shared>>
    tpu.wait_indirect_dma semaphore(%arg50 : memref<!tpu.dma_semaphore, #tpu.memory_space<semaphore_mem>>) src(%arg30 : memref<80xf32, #tpu.memory_space<vmem>>) dst(%dma_wait3A_255 : memref<10240xf32, #tpu.memory_space<vmem_shared>>)
    %dma_wait3A_256 = arith.constant 0 : i32
    %dma_wait3A_257 = arith.constant 0 : i32
    %dma_wait3A_258 = tpu.memref_slice %arg2[%dma_wait3A_256, %dma_wait3A_257] : memref<10000x128xf32, #tpu.memory_space<hbm>> -> memref<10000x128xf32, #tpu.memory_space<hbm>>
    tpu.wait_indirect_dma semaphore(%arg42 : memref<!tpu.dma_semaphore, #tpu.memory_space<semaphore_mem>>) src(%dma_wait3A_258 : memref<10000x128xf32, #tpu.memory_space<hbm>>) dst(%arg26 : memref<80x128xf32, #tpu.memory_space<vmem>>)
    %dma_start3A_259 = arith.constant 0 : i32
    %dma_start3A_260 = tpu.memref_slice %arg33[%dma_start3A_259] : memref<10240xf32, #tpu.memory_space<vmem_shared>> -> memref<10240xf32, #tpu.memory_space<vmem_shared>>
    tpu.enqueue_indirect_dma source(%arg30 : memref<80xf32, #tpu.memory_space<vmem>>) target(%dma_start3A_260 : memref<10240xf32, #tpu.memory_space<vmem_shared>>) offsets(%arg22 : memref<80xi32, #tpu.memory_space<vmem>>) semaphore(%arg50 : memref<!tpu.dma_semaphore, #tpu.memory_space<semaphore_mem>>) {add = true}
    %dma_start3A_261 = arith.constant 0 : i32
    %dma_start3A_262 = arith.constant 0 : i32
    %dma_start3A_263 = tpu.memref_slice %arg32[%dma_start3A_261, %dma_start3A_262] : memref<10240x128xf32, #tpu.memory_space<vmem_shared>> -> memref<10240x128xf32, #tpu.memory_space<vmem_shared>>
    tpu.enqueue_indirect_dma source(%arg26 : memref<80x128xf32, #tpu.memory_space<vmem>>) target(%dma_start3A_263 : memref<10240x128xf32, #tpu.memory_space<vmem_shared>>) offsets(%arg22 : memref<80xi32, #tpu.memory_space<vmem>>) semaphore(%arg46 : memref<!tpu.dma_semaphore, #tpu.memory_space<semaphore_mem>>) {add = true}
    %dma_wait3A_264 = arith.constant 0 : i32
    %dma_wait3A_265 = arith.constant 0 : i32
    %dma_wait3A_266 = tpu.memref_slice %arg32[%dma_wait3A_264, %dma_wait3A_265] : memref<10240x128xf32, #tpu.memory_space<vmem_shared>> -> memref<10240x128xf32, #tpu.memory_space<vmem_shared>>
    tpu.wait_indirect_dma semaphore(%arg49 : memref<!tpu.dma_semaphore, #tpu.memory_space<semaphore_mem>>) src(%arg29 : memref<80x128xf32, #tpu.memory_space<vmem>>) dst(%dma_wait3A_266 : memref<10240x128xf32, #tpu.memory_space<vmem_shared>>)
    %dma_wait3A_267 = arith.constant 0 : i32
    %dma_wait3A_268 = tpu.memref_slice %arg33[%dma_wait3A_267] : memref<10240xf32, #tpu.memory_space<vmem_shared>> -> memref<10240xf32, #tpu.memory_space<vmem_shared>>
    tpu.wait_indirect_dma semaphore(%arg50 : memref<!tpu.dma_semaphore, #tpu.memory_space<semaphore_mem>>) src(%arg30 : memref<80xf32, #tpu.memory_space<vmem>>) dst(%dma_wait3A_268 : memref<10240xf32, #tpu.memory_space<vmem_shared>>)
    %dma_wait3A_269 = arith.constant 0 : i32
    %dma_wait3A_270 = arith.constant 0 : i32
    %dma_wait3A_271 = tpu.memref_slice %arg32[%dma_wait3A_269, %dma_wait3A_270] : memref<10240x128xf32, #tpu.memory_space<vmem_shared>> -> memref<10240x128xf32, #tpu.memory_space<vmem_shared>>
    tpu.wait_indirect_dma semaphore(%arg46 : memref<!tpu.dma_semaphore, #tpu.memory_space<semaphore_mem>>) src(%arg26 : memref<80x128xf32, #tpu.memory_space<vmem>>) dst(%dma_wait3A_271 : memref<10240x128xf32, #tpu.memory_space<vmem_shared>>)
    %dma_wait3A_272 = arith.constant 0 : i32
    %dma_wait3A_273 = tpu.memref_slice %arg33[%dma_wait3A_272] : memref<10240xf32, #tpu.memory_space<vmem_shared>> -> memref<10240xf32, #tpu.memory_space<vmem_shared>>
    tpu.wait_indirect_dma semaphore(%arg50 : memref<!tpu.dma_semaphore, #tpu.memory_space<semaphore_mem>>) src(%arg30 : memref<80xf32, #tpu.memory_space<vmem>>) dst(%dma_wait3A_273 : memref<10240xf32, #tpu.memory_space<vmem_shared>>)
    %barrier3A_274 = arith.constant 0 : index
    tpu.barrier barrier_id(%barrier3A_274)
    %add3A_275 = arith.constant 0 : i32
    %add3A_276 = arith.addi %multiple_of3A, %add3A_275 : i32
    "tpu.region"() ({
      %run_scoped3A = tpu.sem_alloc : memref<!tpu.dma_semaphore, #tpu.memory_space<semaphore_mem>>
      %dma_start3A_387 = arith.constant 0 : i32
      %dma_start3A_388 = tpu.memref_slice %arg32[%add3A_276, %dma_start3A_387] : memref<10240x128xf32, #tpu.memory_space<vmem_shared>> -> memref<80x128xf32, #tpu.memory_space<vmem_shared>>
      %dma_start3A_389 = arith.constant 0 : i32
      %dma_start3A_390 = tpu.memref_slice %arg32[%add3A_276, %dma_start3A_389] : memref<10240x128xf32, #tpu.memory_space<vmem_shared>> -> memref<80x128xf32, #tpu.memory_space<vmem_shared>>
      tpu.enqueue_dma source(%dma_start3A_390 : memref<80x128xf32, #tpu.memory_space<vmem_shared>>) target(%arg26 : memref<80x128xf32, #tpu.memory_space<vmem>>) target_semaphore(%run_scoped3A : memref<!tpu.dma_semaphore, #tpu.memory_space<semaphore_mem>>)
      %dma_wait3A_391 = arith.constant 0 : i32
      %dma_wait3A_392 = tpu.memref_slice %arg32[%add3A_276, %dma_wait3A_391] : memref<10240x128xf32, #tpu.memory_space<vmem_shared>> -> memref<80x128xf32, #tpu.memory_space<vmem_shared>>
      %dma_wait3A_393 = arith.constant 0 : i32
      %dma_wait3A_394 = tpu.memref_slice %arg32[%add3A_276, %dma_wait3A_393] : memref<10240x128xf32, #tpu.memory_space<vmem_shared>> -> memref<80x128xf32, #tpu.memory_space<vmem_shared>>
      tpu.wait_dma2 semaphore(%run_scoped3A : memref<!tpu.dma_semaphore, #tpu.memory_space<semaphore_mem>>) src(%dma_wait3A_394 : memref<80x128xf32, #tpu.memory_space<vmem_shared>>) dst(%arg26 : memref<80x128xf32, #tpu.memory_space<vmem>>)
      tpu.yield
    }) : () -> ()
    %dma_start3A_277 = arith.constant 0 : i32
    %dma_start3A_278 = tpu.memref_slice %arg8[%arg0, %add3A_276, %dma_start3A_277] : memref<2x10240x128xf32, #tpu.memory_space<hbm>> -> memref<1x80x128xf32, #tpu.memory_space<hbm>>
    %dma_start3A_279 = tpu.memref_squeeze %dma_start3A_278 : memref<1x80x128xf32, #tpu.memory_space<hbm>> -> memref<80x128xf32, #tpu.memory_space<hbm>>
    %dma_start3A_280 = arith.constant 0 : i32
    %dma_start3A_281 = tpu.memref_slice %arg8[%arg0, %add3A_276, %dma_start3A_280] : memref<2x10240x128xf32, #tpu.memory_space<hbm>> -> memref<1x80x128xf32, #tpu.memory_space<hbm>>
    %dma_start3A_282 = tpu.memref_squeeze %dma_start3A_281 : memref<1x80x128xf32, #tpu.memory_space<hbm>> -> memref<80x128xf32, #tpu.memory_space<hbm>>
    tpu.enqueue_dma source(%arg26 : memref<80x128xf32, #tpu.memory_space<vmem>>) target(%dma_start3A_282 : memref<80x128xf32, #tpu.memory_space<hbm>>) target_semaphore(%arg46 : memref<!tpu.dma_semaphore, #tpu.memory_space<semaphore_mem>>)
    %add3A_283 = arith.constant 80 : i32
    %add3A_284 = arith.addi %multiple_of3A, %add3A_283 : i32
    "tpu.region"() ({
      %run_scoped3A = tpu.sem_alloc : memref<!tpu.dma_semaphore, #tpu.memory_space<semaphore_mem>>
      %dma_start3A_387 = arith.constant 0 : i32
      %dma_start3A_388 = tpu.memref_slice %arg32[%add3A_284, %dma_start3A_387] : memref<10240x128xf32, #tpu.memory_space<vmem_shared>> -> memref<80x128xf32, #tpu.memory_space<vmem_shared>>
      %dma_start3A_389 = arith.constant 0 : i32
      %dma_start3A_390 = tpu.memref_slice %arg32[%add3A_284, %dma_start3A_389] : memref<10240x128xf32, #tpu.memory_space<vmem_shared>> -> memref<80x128xf32, #tpu.memory_space<vmem_shared>>
      tpu.enqueue_dma source(%dma_start3A_390 : memref<80x128xf32, #tpu.memory_space<vmem_shared>>) target(%arg27 : memref<80x128xf32, #tpu.memory_space<vmem>>) target_semaphore(%run_scoped3A : memref<!tpu.dma_semaphore, #tpu.memory_space<semaphore_mem>>)
      %dma_wait3A_391 = arith.constant 0 : i32
      %dma_wait3A_392 = tpu.memref_slice %arg32[%add3A_284, %dma_wait3A_391] : memref<10240x128xf32, #tpu.memory_space<vmem_shared>> -> memref<80x128xf32, #tpu.memory_space<vmem_shared>>
      %dma_wait3A_393 = arith.constant 0 : i32
      %dma_wait3A_394 = tpu.memref_slice %arg32[%add3A_284, %dma_wait3A_393] : memref<10240x128xf32, #tpu.memory_space<vmem_shared>> -> memref<80x128xf32, #tpu.memory_space<vmem_shared>>
      tpu.wait_dma2 semaphore(%run_scoped3A : memref<!tpu.dma_semaphore, #tpu.memory_space<semaphore_mem>>) src(%dma_wait3A_394 : memref<80x128xf32, #tpu.memory_space<vmem_shared>>) dst(%arg27 : memref<80x128xf32, #tpu.memory_space<vmem>>)
      tpu.yield
    }) : () -> ()
    %dma_start3A_285 = arith.constant 0 : i32
    %dma_start3A_286 = tpu.memref_slice %arg8[%arg0, %add3A_284, %dma_start3A_285] : memref<2x10240x128xf32, #tpu.memory_space<hbm>> -> memref<1x80x128xf32, #tpu.memory_space<hbm>>
    %dma_start3A_287 = tpu.memref_squeeze %dma_start3A_286 : memref<1x80x128xf32, #tpu.memory_space<hbm>> -> memref<80x128xf32, #tpu.memory_space<hbm>>
    %dma_start3A_288 = arith.constant 0 : i32
    %dma_start3A_289 = tpu.memref_slice %arg8[%arg0, %add3A_284, %dma_start3A_288] : memref<2x10240x128xf32, #tpu.memory_space<hbm>> -> memref<1x80x128xf32, #tpu.memory_space<hbm>>
    %dma_start3A_290 = tpu.memref_squeeze %dma_start3A_289 : memref<1x80x128xf32, #tpu.memory_space<hbm>> -> memref<80x128xf32, #tpu.memory_space<hbm>>
    tpu.enqueue_dma source(%arg27 : memref<80x128xf32, #tpu.memory_space<vmem>>) target(%dma_start3A_290 : memref<80x128xf32, #tpu.memory_space<hbm>>) target_semaphore(%arg47 : memref<!tpu.dma_semaphore, #tpu.memory_space<semaphore_mem>>)
    %add3A_291 = arith.constant 160 : i32
    %add3A_292 = arith.addi %multiple_of3A, %add3A_291 : i32
    "tpu.region"() ({
      %run_scoped3A = tpu.sem_alloc : memref<!tpu.dma_semaphore, #tpu.memory_space<semaphore_mem>>
      %dma_start3A_387 = arith.constant 0 : i32
      %dma_start3A_388 = tpu.memref_slice %arg32[%add3A_292, %dma_start3A_387] : memref<10240x128xf32, #tpu.memory_space<vmem_shared>> -> memref<80x128xf32, #tpu.memory_space<vmem_shared>>
      %dma_start3A_389 = arith.constant 0 : i32
      %dma_start3A_390 = tpu.memref_slice %arg32[%add3A_292, %dma_start3A_389] : memref<10240x128xf32, #tpu.memory_space<vmem_shared>> -> memref<80x128xf32, #tpu.memory_space<vmem_shared>>
      tpu.enqueue_dma source(%dma_start3A_390 : memref<80x128xf32, #tpu.memory_space<vmem_shared>>) target(%arg28 : memref<80x128xf32, #tpu.memory_space<vmem>>) target_semaphore(%run_scoped3A : memref<!tpu.dma_semaphore, #tpu.memory_space<semaphore_mem>>)
      %dma_wait3A_391 = arith.constant 0 : i32
      %dma_wait3A_392 = tpu.memref_slice %arg32[%add3A_292, %dma_wait3A_391] : memref<10240x128xf32, #tpu.memory_space<vmem_shared>> -> memref<80x128xf32, #tpu.memory_space<vmem_shared>>
      %dma_wait3A_393 = arith.constant 0 : i32
      %dma_wait3A_394 = tpu.memref_slice %arg32[%add3A_292, %dma_wait3A_393] : memref<10240x128xf32, #tpu.memory_space<vmem_shared>> -> memref<80x128xf32, #tpu.memory_space<vmem_shared>>
      tpu.wait_dma2 semaphore(%run_scoped3A : memref<!tpu.dma_semaphore, #tpu.memory_space<semaphore_mem>>) src(%dma_wait3A_394 : memref<80x128xf32, #tpu.memory_space<vmem_shared>>) dst(%arg28 : memref<80x128xf32, #tpu.memory_space<vmem>>)
      tpu.yield
    }) : () -> ()
    %dma_start3A_293 = arith.constant 0 : i32
    %dma_start3A_294 = tpu.memref_slice %arg8[%arg0, %add3A_292, %dma_start3A_293] : memref<2x10240x128xf32, #tpu.memory_space<hbm>> -> memref<1x80x128xf32, #tpu.memory_space<hbm>>
    %dma_start3A_295 = tpu.memref_squeeze %dma_start3A_294 : memref<1x80x128xf32, #tpu.memory_space<hbm>> -> memref<80x128xf32, #tpu.memory_space<hbm>>
    %dma_start3A_296 = arith.constant 0 : i32
    %dma_start3A_297 = tpu.memref_slice %arg8[%arg0, %add3A_292, %dma_start3A_296] : memref<2x10240x128xf32, #tpu.memory_space<hbm>> -> memref<1x80x128xf32, #tpu.memory_space<hbm>>
    %dma_start3A_298 = tpu.memref_squeeze %dma_start3A_297 : memref<1x80x128xf32, #tpu.memory_space<hbm>> -> memref<80x128xf32, #tpu.memory_space<hbm>>
    tpu.enqueue_dma source(%arg28 : memref<80x128xf32, #tpu.memory_space<vmem>>) target(%dma_start3A_298 : memref<80x128xf32, #tpu.memory_space<hbm>>) target_semaphore(%arg48 : memref<!tpu.dma_semaphore, #tpu.memory_space<semaphore_mem>>)
    %add3A_299 = arith.constant 240 : i32
    %add3A_300 = arith.addi %multiple_of3A, %add3A_299 : i32
    "tpu.region"() ({
      %run_scoped3A = tpu.sem_alloc : memref<!tpu.dma_semaphore, #tpu.memory_space<semaphore_mem>>
      %dma_start3A_387 = arith.constant 0 : i32
      %dma_start3A_388 = tpu.memref_slice %arg32[%add3A_300, %dma_start3A_387] : memref<10240x128xf32, #tpu.memory_space<vmem_shared>> -> memref<80x128xf32, #tpu.memory_space<vmem_shared>>
      %dma_start3A_389 = arith.constant 0 : i32
      %dma_start3A_390 = tpu.memref_slice %arg32[%add3A_300, %dma_start3A_389] : memref<10240x128xf32, #tpu.memory_space<vmem_shared>> -> memref<80x128xf32, #tpu.memory_space<vmem_shared>>
      tpu.enqueue_dma source(%dma_start3A_390 : memref<80x128xf32, #tpu.memory_space<vmem_shared>>) target(%arg29 : memref<80x128xf32, #tpu.memory_space<vmem>>) target_semaphore(%run_scoped3A : memref<!tpu.dma_semaphore, #tpu.memory_space<semaphore_mem>>)
      %dma_wait3A_391 = arith.constant 0 : i32
      %dma_wait3A_392 = tpu.memref_slice %arg32[%add3A_300, %dma_wait3A_391] : memref<10240x128xf32, #tpu.memory_space<vmem_shared>> -> memref<80x128xf32, #tpu.memory_space<vmem_shared>>
      %dma_wait3A_393 = arith.constant 0 : i32
      %dma_wait3A_394 = tpu.memref_slice %arg32[%add3A_300, %dma_wait3A_393] : memref<10240x128xf32, #tpu.memory_space<vmem_shared>> -> memref<80x128xf32, #tpu.memory_space<vmem_shared>>
      tpu.wait_dma2 semaphore(%run_scoped3A : memref<!tpu.dma_semaphore, #tpu.memory_space<semaphore_mem>>) src(%dma_wait3A_394 : memref<80x128xf32, #tpu.memory_space<vmem_shared>>) dst(%arg29 : memref<80x128xf32, #tpu.memory_space<vmem>>)
      tpu.yield
    }) : () -> ()
    %dma_start3A_301 = arith.constant 0 : i32
    %dma_start3A_302 = tpu.memref_slice %arg8[%arg0, %add3A_300, %dma_start3A_301] : memref<2x10240x128xf32, #tpu.memory_space<hbm>> -> memref<1x80x128xf32, #tpu.memory_space<hbm>>
    %dma_start3A_303 = tpu.memref_squeeze %dma_start3A_302 : memref<1x80x128xf32, #tpu.memory_space<hbm>> -> memref<80x128xf32, #tpu.memory_space<hbm>>
    %dma_start3A_304 = arith.constant 0 : i32
    %dma_start3A_305 = tpu.memref_slice %arg8[%arg0, %add3A_300, %dma_start3A_304] : memref<2x10240x128xf32, #tpu.memory_space<hbm>> -> memref<1x80x128xf32, #tpu.memory_space<hbm>>
    %dma_start3A_306 = tpu.memref_squeeze %dma_start3A_305 : memref<1x80x128xf32, #tpu.memory_space<hbm>> -> memref<80x128xf32, #tpu.memory_space<hbm>>
    tpu.enqueue_dma source(%arg29 : memref<80x128xf32, #tpu.memory_space<vmem>>) target(%dma_start3A_306 : memref<80x128xf32, #tpu.memory_space<hbm>>) target_semaphore(%arg49 : memref<!tpu.dma_semaphore, #tpu.memory_space<semaphore_mem>>)
    %add3A_307 = arith.constant 320 : i32
    %add3A_308 = arith.addi %multiple_of3A, %add3A_307 : i32
    %dma_wait3A_309 = arith.constant 0 : i32
    %dma_wait3A_310 = tpu.memref_slice %arg8[%arg0, %add3A_308, %dma_wait3A_309] : memref<2x10240x128xf32, #tpu.memory_space<hbm>> -> memref<1x80x128xf32, #tpu.memory_space<hbm>>
    %dma_wait3A_311 = tpu.memref_squeeze %dma_wait3A_310 : memref<1x80x128xf32, #tpu.memory_space<hbm>> -> memref<80x128xf32, #tpu.memory_space<hbm>>
    %dma_wait3A_312 = arith.constant 0 : i32
    %dma_wait3A_313 = tpu.memref_slice %arg8[%arg0, %add3A_308, %dma_wait3A_312] : memref<2x10240x128xf32, #tpu.memory_space<hbm>> -> memref<1x80x128xf32, #tpu.memory_space<hbm>>
    %dma_wait3A_314 = tpu.memref_squeeze %dma_wait3A_313 : memref<1x80x128xf32, #tpu.memory_space<hbm>> -> memref<80x128xf32, #tpu.memory_space<hbm>>
    tpu.wait_dma2 semaphore(%arg46 : memref<!tpu.dma_semaphore, #tpu.memory_space<semaphore_mem>>) src(%arg26 : memref<80x128xf32, #tpu.memory_space<vmem>>) dst(%dma_wait3A_314 : memref<80x128xf32, #tpu.memory_space<hbm>>)
    "tpu.region"() ({
      %run_scoped3A = tpu.sem_alloc : memref<!tpu.dma_semaphore, #tpu.memory_space<semaphore_mem>>
      %dma_start3A_387 = arith.constant 0 : i32
      %dma_start3A_388 = tpu.memref_slice %arg32[%add3A_308, %dma_start3A_387] : memref<10240x128xf32, #tpu.memory_space<vmem_shared>> -> memref<80x128xf32, #tpu.memory_space<vmem_shared>>
      %dma_start3A_389 = arith.constant 0 : i32
      %dma_start3A_390 = tpu.memref_slice %arg32[%add3A_308, %dma_start3A_389] : memref<10240x128xf32, #tpu.memory_space<vmem_shared>> -> memref<80x128xf32, #tpu.memory_space<vmem_shared>>
      tpu.enqueue_dma source(%dma_start3A_390 : memref<80x128xf32, #tpu.memory_space<vmem_shared>>) target(%arg26 : memref<80x128xf32, #tpu.memory_space<vmem>>) target_semaphore(%run_scoped3A : memref<!tpu.dma_semaphore, #tpu.memory_space<semaphore_mem>>)
      %dma_wait3A_391 = arith.constant 0 : i32
      %dma_wait3A_392 = tpu.memref_slice %arg32[%add3A_308, %dma_wait3A_391] : memref<10240x128xf32, #tpu.memory_space<vmem_shared>> -> memref<80x128xf32, #tpu.memory_space<vmem_shared>>
      %dma_wait3A_393 = arith.constant 0 : i32
      %dma_wait3A_394 = tpu.memref_slice %arg32[%add3A_308, %dma_wait3A_393] : memref<10240x128xf32, #tpu.memory_space<vmem_shared>> -> memref<80x128xf32, #tpu.memory_space<vmem_shared>>
      tpu.wait_dma2 semaphore(%run_scoped3A : memref<!tpu.dma_semaphore, #tpu.memory_space<semaphore_mem>>) src(%dma_wait3A_394 : memref<80x128xf32, #tpu.memory_space<vmem_shared>>) dst(%arg26 : memref<80x128xf32, #tpu.memory_space<vmem>>)
      tpu.yield
    }) : () -> ()
    %dma_start3A_315 = arith.constant 0 : i32
    %dma_start3A_316 = tpu.memref_slice %arg8[%arg0, %add3A_308, %dma_start3A_315] : memref<2x10240x128xf32, #tpu.memory_space<hbm>> -> memref<1x80x128xf32, #tpu.memory_space<hbm>>
    %dma_start3A_317 = tpu.memref_squeeze %dma_start3A_316 : memref<1x80x128xf32, #tpu.memory_space<hbm>> -> memref<80x128xf32, #tpu.memory_space<hbm>>
    %dma_start3A_318 = arith.constant 0 : i32
    %dma_start3A_319 = tpu.memref_slice %arg8[%arg0, %add3A_308, %dma_start3A_318] : memref<2x10240x128xf32, #tpu.memory_space<hbm>> -> memref<1x80x128xf32, #tpu.memory_space<hbm>>
    %dma_start3A_320 = tpu.memref_squeeze %dma_start3A_319 : memref<1x80x128xf32, #tpu.memory_space<hbm>> -> memref<80x128xf32, #tpu.memory_space<hbm>>
    tpu.enqueue_dma source(%arg26 : memref<80x128xf32, #tpu.memory_space<vmem>>) target(%dma_start3A_320 : memref<80x128xf32, #tpu.memory_space<hbm>>) target_semaphore(%arg46 : memref<!tpu.dma_semaphore, #tpu.memory_space<semaphore_mem>>)
    %add3A_321 = arith.constant 400 : i32
    %add3A_322 = arith.addi %multiple_of3A, %add3A_321 : i32
    %dma_wait3A_323 = arith.constant 0 : i32
    %dma_wait3A_324 = tpu.memref_slice %arg8[%arg0, %add3A_322, %dma_wait3A_323] : memref<2x10240x128xf32, #tpu.memory_space<hbm>> -> memref<1x80x128xf32, #tpu.memory_space<hbm>>
    %dma_wait3A_325 = tpu.memref_squeeze %dma_wait3A_324 : memref<1x80x128xf32, #tpu.memory_space<hbm>> -> memref<80x128xf32, #tpu.memory_space<hbm>>
    %dma_wait3A_326 = arith.constant 0 : i32
    %dma_wait3A_327 = tpu.memref_slice %arg8[%arg0, %add3A_322, %dma_wait3A_326] : memref<2x10240x128xf32, #tpu.memory_space<hbm>> -> memref<1x80x128xf32, #tpu.memory_space<hbm>>
    %dma_wait3A_328 = tpu.memref_squeeze %dma_wait3A_327 : memref<1x80x128xf32, #tpu.memory_space<hbm>> -> memref<80x128xf32, #tpu.memory_space<hbm>>
    tpu.wait_dma2 semaphore(%arg47 : memref<!tpu.dma_semaphore, #tpu.memory_space<semaphore_mem>>) src(%arg27 : memref<80x128xf32, #tpu.memory_space<vmem>>) dst(%dma_wait3A_328 : memref<80x128xf32, #tpu.memory_space<hbm>>)
    "tpu.region"() ({
      %run_scoped3A = tpu.sem_alloc : memref<!tpu.dma_semaphore, #tpu.memory_space<semaphore_mem>>
      %dma_start3A_387 = arith.constant 0 : i32
      %dma_start3A_388 = tpu.memref_slice %arg32[%add3A_322, %dma_start3A_387] : memref<10240x128xf32, #tpu.memory_space<vmem_shared>> -> memref<80x128xf32, #tpu.memory_space<vmem_shared>>
      %dma_start3A_389 = arith.constant 0 : i32
      %dma_start3A_390 = tpu.memref_slice %arg32[%add3A_322, %dma_start3A_389] : memref<10240x128xf32, #tpu.memory_space<vmem_shared>> -> memref<80x128xf32, #tpu.memory_space<vmem_shared>>
      tpu.enqueue_dma source(%dma_start3A_390 : memref<80x128xf32, #tpu.memory_space<vmem_shared>>) target(%arg27 : memref<80x128xf32, #tpu.memory_space<vmem>>) target_semaphore(%run_scoped3A : memref<!tpu.dma_semaphore, #tpu.memory_space<semaphore_mem>>)
      %dma_wait3A_391 = arith.constant 0 : i32
      %dma_wait3A_392 = tpu.memref_slice %arg32[%add3A_322, %dma_wait3A_391] : memref<10240x128xf32, #tpu.memory_space<vmem_shared>> -> memref<80x128xf32, #tpu.memory_space<vmem_shared>>
      %dma_wait3A_393 = arith.constant 0 : i32
      %dma_wait3A_394 = tpu.memref_slice %arg32[%add3A_322, %dma_wait3A_393] : memref<10240x128xf32, #tpu.memory_space<vmem_shared>> -> memref<80x128xf32, #tpu.memory_space<vmem_shared>>
      tpu.wait_dma2 semaphore(%run_scoped3A : memref<!tpu.dma_semaphore, #tpu.memory_space<semaphore_mem>>) src(%dma_wait3A_394 : memref<80x128xf32, #tpu.memory_space<vmem_shared>>) dst(%arg27 : memref<80x128xf32, #tpu.memory_space<vmem>>)
      tpu.yield
    }) : () -> ()
    %dma_start3A_329 = arith.constant 0 : i32
    %dma_start3A_330 = tpu.memref_slice %arg8[%arg0, %add3A_322, %dma_start3A_329] : memref<2x10240x128xf32, #tpu.memory_space<hbm>> -> memref<1x80x128xf32, #tpu.memory_space<hbm>>
    %dma_start3A_331 = tpu.memref_squeeze %dma_start3A_330 : memref<1x80x128xf32, #tpu.memory_space<hbm>> -> memref<80x128xf32, #tpu.memory_space<hbm>>
    %dma_start3A_332 = arith.constant 0 : i32
    %dma_start3A_333 = tpu.memref_slice %arg8[%arg0, %add3A_322, %dma_start3A_332] : memref<2x10240x128xf32, #tpu.memory_space<hbm>> -> memref<1x80x128xf32, #tpu.memory_space<hbm>>
    %dma_start3A_334 = tpu.memref_squeeze %dma_start3A_333 : memref<1x80x128xf32, #tpu.memory_space<hbm>> -> memref<80x128xf32, #tpu.memory_space<hbm>>
    tpu.enqueue_dma source(%arg27 : memref<80x128xf32, #tpu.memory_space<vmem>>) target(%dma_start3A_334 : memref<80x128xf32, #tpu.memory_space<hbm>>) target_semaphore(%arg47 : memref<!tpu.dma_semaphore, #tpu.memory_space<semaphore_mem>>)
    %add3A_335 = arith.constant 480 : i32
    %add3A_336 = arith.addi %multiple_of3A, %add3A_335 : i32
    %dma_wait3A_337 = arith.constant 0 : i32
    %dma_wait3A_338 = tpu.memref_slice %arg8[%arg0, %add3A_336, %dma_wait3A_337] : memref<2x10240x128xf32, #tpu.memory_space<hbm>> -> memref<1x80x128xf32, #tpu.memory_space<hbm>>
    %dma_wait3A_339 = tpu.memref_squeeze %dma_wait3A_338 : memref<1x80x128xf32, #tpu.memory_space<hbm>> -> memref<80x128xf32, #tpu.memory_space<hbm>>
    %dma_wait3A_340 = arith.constant 0 : i32
    %dma_wait3A_341 = tpu.memref_slice %arg8[%arg0, %add3A_336, %dma_wait3A_340] : memref<2x10240x128xf32, #tpu.memory_space<hbm>> -> memref<1x80x128xf32, #tpu.memory_space<hbm>>
    %dma_wait3A_342 = tpu.memref_squeeze %dma_wait3A_341 : memref<1x80x128xf32, #tpu.memory_space<hbm>> -> memref<80x128xf32, #tpu.memory_space<hbm>>
    tpu.wait_dma2 semaphore(%arg48 : memref<!tpu.dma_semaphore, #tpu.memory_space<semaphore_mem>>) src(%arg28 : memref<80x128xf32, #tpu.memory_space<vmem>>) dst(%dma_wait3A_342 : memref<80x128xf32, #tpu.memory_space<hbm>>)
    "tpu.region"() ({
      %run_scoped3A = tpu.sem_alloc : memref<!tpu.dma_semaphore, #tpu.memory_space<semaphore_mem>>
      %dma_start3A_387 = arith.constant 0 : i32
      %dma_start3A_388 = tpu.memref_slice %arg32[%add3A_336, %dma_start3A_387] : memref<10240x128xf32, #tpu.memory_space<vmem_shared>> -> memref<80x128xf32, #tpu.memory_space<vmem_shared>>
      %dma_start3A_389 = arith.constant 0 : i32
      %dma_start3A_390 = tpu.memref_slice %arg32[%add3A_336, %dma_start3A_389] : memref<10240x128xf32, #tpu.memory_space<vmem_shared>> -> memref<80x128xf32, #tpu.memory_space<vmem_shared>>
      tpu.enqueue_dma source(%dma_start3A_390 : memref<80x128xf32, #tpu.memory_space<vmem_shared>>) target(%arg28 : memref<80x128xf32, #tpu.memory_space<vmem>>) target_semaphore(%run_scoped3A : memref<!tpu.dma_semaphore, #tpu.memory_space<semaphore_mem>>)
      %dma_wait3A_391 = arith.constant 0 : i32
      %dma_wait3A_392 = tpu.memref_slice %arg32[%add3A_336, %dma_wait3A_391] : memref<10240x128xf32, #tpu.memory_space<vmem_shared>> -> memref<80x128xf32, #tpu.memory_space<vmem_shared>>
      %dma_wait3A_393 = arith.constant 0 : i32
      %dma_wait3A_394 = tpu.memref_slice %arg32[%add3A_336, %dma_wait3A_393] : memref<10240x128xf32, #tpu.memory_space<vmem_shared>> -> memref<80x128xf32, #tpu.memory_space<vmem_shared>>
      tpu.wait_dma2 semaphore(%run_scoped3A : memref<!tpu.dma_semaphore, #tpu.memory_space<semaphore_mem>>) src(%dma_wait3A_394 : memref<80x128xf32, #tpu.memory_space<vmem_shared>>) dst(%arg28 : memref<80x128xf32, #tpu.memory_space<vmem>>)
      tpu.yield
    }) : () -> ()
    %dma_start3A_343 = arith.constant 0 : i32
    %dma_start3A_344 = tpu.memref_slice %arg8[%arg0, %add3A_336, %dma_start3A_343] : memref<2x10240x128xf32, #tpu.memory_space<hbm>> -> memref<1x80x128xf32, #tpu.memory_space<hbm>>
    %dma_start3A_345 = tpu.memref_squeeze %dma_start3A_344 : memref<1x80x128xf32, #tpu.memory_space<hbm>> -> memref<80x128xf32, #tpu.memory_space<hbm>>
    %dma_start3A_346 = arith.constant 0 : i32
    %dma_start3A_347 = tpu.memref_slice %arg8[%arg0, %add3A_336, %dma_start3A_346] : memref<2x10240x128xf32, #tpu.memory_space<hbm>> -> memref<1x80x128xf32, #tpu.memory_space<hbm>>
    %dma_start3A_348 = tpu.memref_squeeze %dma_start3A_347 : memref<1x80x128xf32, #tpu.memory_space<hbm>> -> memref<80x128xf32, #tpu.memory_space<hbm>>
    tpu.enqueue_dma source(%arg28 : memref<80x128xf32, #tpu.memory_space<vmem>>) target(%dma_start3A_348 : memref<80x128xf32, #tpu.memory_space<hbm>>) target_semaphore(%arg48 : memref<!tpu.dma_semaphore, #tpu.memory_space<semaphore_mem>>)
    %add3A_349 = arith.constant 560 : i32
    %add3A_350 = arith.addi %multiple_of3A, %add3A_349 : i32
    %dma_wait3A_351 = arith.constant 0 : i32
    %dma_wait3A_352 = tpu.memref_slice %arg8[%arg0, %add3A_350, %dma_wait3A_351] : memref<2x10240x128xf32, #tpu.memory_space<hbm>> -> memref<1x80x128xf32, #tpu.memory_space<hbm>>
    %dma_wait3A_353 = tpu.memref_squeeze %dma_wait3A_352 : memref<1x80x128xf32, #tpu.memory_space<hbm>> -> memref<80x128xf32, #tpu.memory_space<hbm>>
    %dma_wait3A_354 = arith.constant 0 : i32
    %dma_wait3A_355 = tpu.memref_slice %arg8[%arg0, %add3A_350, %dma_wait3A_354] : memref<2x10240x128xf32, #tpu.memory_space<hbm>> -> memref<1x80x128xf32, #tpu.memory_space<hbm>>
    %dma_wait3A_356 = tpu.memref_squeeze %dma_wait3A_355 : memref<1x80x128xf32, #tpu.memory_space<hbm>> -> memref<80x128xf32, #tpu.memory_space<hbm>>
    tpu.wait_dma2 semaphore(%arg49 : memref<!tpu.dma_semaphore, #tpu.memory_space<semaphore_mem>>) src(%arg29 : memref<80x128xf32, #tpu.memory_space<vmem>>) dst(%dma_wait3A_356 : memref<80x128xf32, #tpu.memory_space<hbm>>)
    "tpu.region"() ({
      %run_scoped3A = tpu.sem_alloc : memref<!tpu.dma_semaphore, #tpu.memory_space<semaphore_mem>>
      %dma_start3A_387 = arith.constant 0 : i32
      %dma_start3A_388 = tpu.memref_slice %arg32[%add3A_350, %dma_start3A_387] : memref<10240x128xf32, #tpu.memory_space<vmem_shared>> -> memref<80x128xf32, #tpu.memory_space<vmem_shared>>
      %dma_start3A_389 = arith.constant 0 : i32
      %dma_start3A_390 = tpu.memref_slice %arg32[%add3A_350, %dma_start3A_389] : memref<10240x128xf32, #tpu.memory_space<vmem_shared>> -> memref<80x128xf32, #tpu.memory_space<vmem_shared>>
      tpu.enqueue_dma source(%dma_start3A_390 : memref<80x128xf32, #tpu.memory_space<vmem_shared>>) target(%arg29 : memref<80x128xf32, #tpu.memory_space<vmem>>) target_semaphore(%run_scoped3A : memref<!tpu.dma_semaphore, #tpu.memory_space<semaphore_mem>>)
      %dma_wait3A_391 = arith.constant 0 : i32
      %dma_wait3A_392 = tpu.memref_slice %arg32[%add3A_350, %dma_wait3A_391] : memref<10240x128xf32, #tpu.memory_space<vmem_shared>> -> memref<80x128xf32, #tpu.memory_space<vmem_shared>>
      %dma_wait3A_393 = arith.constant 0 : i32
      %dma_wait3A_394 = tpu.memref_slice %arg32[%add3A_350, %dma_wait3A_393] : memref<10240x128xf32, #tpu.memory_space<vmem_shared>> -> memref<80x128xf32, #tpu.memory_space<vmem_shared>>
      tpu.wait_dma2 semaphore(%run_scoped3A : memref<!tpu.dma_semaphore, #tpu.memory_space<semaphore_mem>>) src(%dma_wait3A_394 : memref<80x128xf32, #tpu.memory_space<vmem_shared>>) dst(%arg29 : memref<80x128xf32, #tpu.memory_space<vmem>>)
      tpu.yield
    }) : () -> ()
    %dma_start3A_357 = arith.constant 0 : i32
    %dma_start3A_358 = tpu.memref_slice %arg8[%arg0, %add3A_350, %dma_start3A_357] : memref<2x10240x128xf32, #tpu.memory_space<hbm>> -> memref<1x80x128xf32, #tpu.memory_space<hbm>>
    %dma_start3A_359 = tpu.memref_squeeze %dma_start3A_358 : memref<1x80x128xf32, #tpu.memory_space<hbm>> -> memref<80x128xf32, #tpu.memory_space<hbm>>
    %dma_start3A_360 = arith.constant 0 : i32
    %dma_start3A_361 = tpu.memref_slice %arg8[%arg0, %add3A_350, %dma_start3A_360] : memref<2x10240x128xf32, #tpu.memory_space<hbm>> -> memref<1x80x128xf32, #tpu.memory_space<hbm>>
    %dma_start3A_362 = tpu.memref_squeeze %dma_start3A_361 : memref<1x80x128xf32, #tpu.memory_space<hbm>> -> memref<80x128xf32, #tpu.memory_space<hbm>>
    tpu.enqueue_dma source(%arg29 : memref<80x128xf32, #tpu.memory_space<vmem>>) target(%dma_start3A_362 : memref<80x128xf32, #tpu.memory_space<hbm>>) target_semaphore(%arg49 : memref<!tpu.dma_semaphore, #tpu.memory_space<semaphore_mem>>)
    %dma_wait3A_363 = arith.constant 0 : i32
    %dma_wait3A_364 = tpu.memref_slice %arg8[%arg0, %multiple_of3A, %dma_wait3A_363] : memref<2x10240x128xf32, #tpu.memory_space<hbm>> -> memref<1x80x128xf32, #tpu.memory_space<hbm>>
    %dma_wait3A_365 = tpu.memref_squeeze %dma_wait3A_364 : memref<1x80x128xf32, #tpu.memory_space<hbm>> -> memref<80x128xf32, #tpu.memory_space<hbm>>
    %dma_wait3A_366 = arith.constant 0 : i32
    %dma_wait3A_367 = tpu.memref_slice %arg8[%arg0, %multiple_of3A, %dma_wait3A_366] : memref<2x10240x128xf32, #tpu.memory_space<hbm>> -> memref<1x80x128xf32, #tpu.memory_space<hbm>>
    %dma_wait3A_368 = tpu.memref_squeeze %dma_wait3A_367 : memref<1x80x128xf32, #tpu.memory_space<hbm>> -> memref<80x128xf32, #tpu.memory_space<hbm>>
    tpu.wait_dma2 semaphore(%arg46 : memref<!tpu.dma_semaphore, #tpu.memory_space<semaphore_mem>>) src(%arg26 : memref<80x128xf32, #tpu.memory_space<vmem>>) dst(%dma_wait3A_368 : memref<80x128xf32, #tpu.memory_space<hbm>>)
    %dma_wait3A_369 = arith.constant 0 : i32
    %dma_wait3A_370 = tpu.memref_slice %arg8[%arg0, %multiple_of3A, %dma_wait3A_369] : memref<2x10240x128xf32, #tpu.memory_space<hbm>> -> memref<1x80x128xf32, #tpu.memory_space<hbm>>
    %dma_wait3A_371 = tpu.memref_squeeze %dma_wait3A_370 : memref<1x80x128xf32, #tpu.memory_space<hbm>> -> memref<80x128xf32, #tpu.memory_space<hbm>>
    %dma_wait3A_372 = arith.constant 0 : i32
    %dma_wait3A_373 = tpu.memref_slice %arg8[%arg0, %multiple_of3A, %dma_wait3A_372] : memref<2x10240x128xf32, #tpu.memory_space<hbm>> -> memref<1x80x128xf32, #tpu.memory_space<hbm>>
    %dma_wait3A_374 = tpu.memref_squeeze %dma_wait3A_373 : memref<1x80x128xf32, #tpu.memory_space<hbm>> -> memref<80x128xf32, #tpu.memory_space<hbm>>
    tpu.wait_dma2 semaphore(%arg47 : memref<!tpu.dma_semaphore, #tpu.memory_space<semaphore_mem>>) src(%arg27 : memref<80x128xf32, #tpu.memory_space<vmem>>) dst(%dma_wait3A_374 : memref<80x128xf32, #tpu.memory_space<hbm>>)
    %dma_wait3A_375 = arith.constant 0 : i32
    %dma_wait3A_376 = tpu.memref_slice %arg8[%arg0, %multiple_of3A, %dma_wait3A_375] : memref<2x10240x128xf32, #tpu.memory_space<hbm>> -> memref<1x80x128xf32, #tpu.memory_space<hbm>>
    %dma_wait3A_377 = tpu.memref_squeeze %dma_wait3A_376 : memref<1x80x128xf32, #tpu.memory_space<hbm>> -> memref<80x128xf32, #tpu.memory_space<hbm>>
    %dma_wait3A_378 = arith.constant 0 : i32
    %dma_wait3A_379 = tpu.memref_slice %arg8[%arg0, %multiple_of3A, %dma_wait3A_378] : memref<2x10240x128xf32, #tpu.memory_space<hbm>> -> memref<1x80x128xf32, #tpu.memory_space<hbm>>
    %dma_wait3A_380 = tpu.memref_squeeze %dma_wait3A_379 : memref<1x80x128xf32, #tpu.memory_space<hbm>> -> memref<80x128xf32, #tpu.memory_space<hbm>>
    tpu.wait_dma2 semaphore(%arg48 : memref<!tpu.dma_semaphore, #tpu.memory_space<semaphore_mem>>) src(%arg28 : memref<80x128xf32, #tpu.memory_space<vmem>>) dst(%dma_wait3A_380 : memref<80x128xf32, #tpu.memory_space<hbm>>)
    %dma_wait3A_381 = arith.constant 0 : i32
    %dma_wait3A_382 = tpu.memref_slice %arg8[%arg0, %multiple_of3A, %dma_wait3A_381] : memref<2x10240x128xf32, #tpu.memory_space<hbm>> -> memref<1x80x128xf32, #tpu.memory_space<hbm>>
    %dma_wait3A_383 = tpu.memref_squeeze %dma_wait3A_382 : memref<1x80x128xf32, #tpu.memory_space<hbm>> -> memref<80x128xf32, #tpu.memory_space<hbm>>
    %dma_wait3A_384 = arith.constant 0 : i32
    %dma_wait3A_385 = tpu.memref_slice %arg8[%arg0, %multiple_of3A, %dma_wait3A_384] : memref<2x10240x128xf32, #tpu.memory_space<hbm>> -> memref<1x80x128xf32, #tpu.memory_space<hbm>>
    %dma_wait3A_386 = tpu.memref_squeeze %dma_wait3A_385 : memref<1x80x128xf32, #tpu.memory_space<hbm>> -> memref<80x128xf32, #tpu.memory_space<hbm>>
    tpu.wait_dma2 semaphore(%arg49 : memref<!tpu.dma_semaphore, #tpu.memory_space<semaphore_mem>>) src(%arg29 : memref<80x128xf32, #tpu.memory_space<vmem>>) dst(%dma_wait3A_386 : memref<80x128xf32, #tpu.memory_space<hbm>>)
    "tpu.region"() ({
      %run_scoped3A = tpu.sem_alloc : memref<!tpu.dma_semaphore, #tpu.memory_space<semaphore_mem>>
      %dma_start3A_387 = tpu.memref_slice %arg9[%arg0, %multiple_of3A] : memref<2x10240xf32, #tpu.memory_space<hbm>> -> memref<1x640xf32, #tpu.memory_space<hbm>>
      %dma_start3A_388 = tpu.memref_squeeze %dma_start3A_387 : memref<1x640xf32, #tpu.memory_space<hbm>> -> memref<640xf32, #tpu.memory_space<hbm>>
      %dma_start3A_389 = tpu.memref_slice %arg33[%multiple_of3A] : memref<10240xf32, #tpu.memory_space<vmem_shared>> -> memref<640xf32, #tpu.memory_space<vmem_shared>>
      tpu.enqueue_dma source(%dma_start3A_389 : memref<640xf32, #tpu.memory_space<vmem_shared>>) target(%dma_start3A_388 : memref<640xf32, #tpu.memory_space<hbm>>) target_semaphore(%run_scoped3A : memref<!tpu.dma_semaphore, #tpu.memory_space<semaphore_mem>>)
      %dma_wait3A_390 = tpu.memref_slice %arg9[%arg0, %multiple_of3A] : memref<2x10240xf32, #tpu.memory_space<hbm>> -> memref<1x640xf32, #tpu.memory_space<hbm>>
      %dma_wait3A_391 = tpu.memref_squeeze %dma_wait3A_390 : memref<1x640xf32, #tpu.memory_space<hbm>> -> memref<640xf32, #tpu.memory_space<hbm>>
      %dma_wait3A_392 = tpu.memref_slice %arg33[%multiple_of3A] : memref<10240xf32, #tpu.memory_space<vmem_shared>> -> memref<640xf32, #tpu.memory_space<vmem_shared>>
      tpu.wait_dma2 semaphore(%run_scoped3A : memref<!tpu.dma_semaphore, #tpu.memory_space<semaphore_mem>>) src(%dma_wait3A_392 : memref<640xf32, #tpu.memory_space<vmem_shared>>) dst(%dma_wait3A_391 : memref<640xf32, #tpu.memory_space<hbm>>)
      tpu.yield
    }) : () -> ()
    return
  }
}

</mosaic_0001>

<sc_bundles>
// kernel: _sc_aggregate.3.cloned.1.call-start
scs
__scs_entry_jumppad:
0x0: {  	(pc) =	sbr.rel $0x88, $3  }
0x1: {  	(tag) =	ssettag $0x0;
	lr =	simm.s32 $0x1  }
0x2: {  	[smem:$0x3F9B] =	sst lr;
	_ =	strace $0xD0000000  }
0x3: {  	_ = 	snop  }
0x4: {  	_ = 	snop  }
0x5: {  	_ = 	snop  }
0x6: {  	_ = 	snop  }
0x7: {  	_ = 	snop  }
__scs_overlays_trampoline_lowered:
0x8: {  	[smem:$0x3FAA] =	sst s0  }
0x9: {  	[smem:$0x3FAB] =	sst s1  }
0xa: {  	[smem:$0x3FAC] =	sst s2  }
0xb: {  	[smem:$0x3FAD] =	sst s3  }
0xc: {  	[smem:$0x3FAE] =	sst s4  }
0xd: {  	[smem:$0x3FAF] =	sst s5  }
0xe: {  	[smem:$0x3FB0] =	sst s6  }
0xf: {  	[smem:$0x3FB1] =	sst s7  }
0x10: {  	[smem:$0x3FB2] =	sst s8  }
0x11: {  	[smem:$0x3FB3] =	sst s9;
	s0 =	simm.s32 @!p0 $0x0  }
0x12: {  	s1 =	sld [smem:$0x3F99];
	s0 =	simm.s32 @p0 $0x1  }
0x13: {  	[smem:$0x3FB4] =	sst s0;
	s0 =	simm.s32 @!p1 $0x0  }
0x14: {  	s2 =	sld [smem:$0x3F98];
	s0 =	simm.s32 @p1 $0x1  }
0x15: {  	[smem:$0x3FB5] =	sst s0;
	s0 =	simm.s32 @!p2 $0x0  }
0x16: {  	s3 =	sld [smem:$0x3FDB];
	s0 =	simm.s32 @p2 $0x1  }
0x17: {  	s4 =	simm.s32 $0x1BF5;
	[smem:$0x3FB7] =	sst s0  }
0x18: {  	s0 =	sld [smem:$0x3F9A];
	_ =	swait.ge [sflag:s4], $0x0  }
0x19: {  	s7 =	sld [smem:$0x3F9B]  }
0x1a: {  	s8 =	sadd.s32 $0xFFFFE003, lr  }
0x1b: {  	s9 =	sadd.s32 $0xFFFFFEF7, lr;
	s5 =	simm.s32 $0xFFFFFFFF;
	p2 =	slt.u32 s8, $0xFFFFF086  }
0x1c: {  	p1 =	slt.u32 s9, $0xF7A;
	s5 =	simm.s32 @!p2 $0x0  }
0x1d: {  	s5 =	simm.s32 @p1 $0x1;
	p0 =	seq.s32 s7, s2  }
0x1e: {  	s7 =	smul.u32 @!p0 $0xF7A, s2;
	p2 =	seq.s32 @!p0 s5, $0x0  }
0x1f: {  	s9 =	smul.u32 $0xF7A, s1;
	s8 =	simm.s32 @!p0 $0x1BF5;
	p2 =	por !p2, p0  }
0x20: {  	[sflag:s8] =	ssyncset.s32 @!p0 $0xFFFFF086;
	s6 =	sadd.s32 @!p0 s3, s7;
	s7 =	simm.s32 @!p0 $0x108  }
0x21: {  	s3 =	sadd.s32 s3, s9;
	s6 =	sadd.s32 @!p0 $0x88, s6;
	s7 =	simm.s32 @p2 $0x1082  }
0x22: {  	[simem:s7], [sflag:s8] =	dma.local @!p0 [hbm:s6], $0xF7A  }
0x23: {  	s9 =	sor.u32 $0xD0000000, s2;
	s6 =	simm.s32 $0x108;
	_ =	swait.ge @!p0 [sflag:s8], $0x0  }
0x24: {  	s3 =	sadd.s32 $0x88, s3;
	s6 =	simm.s32 @!p1 $0x1082;
	[sflag:s4] =	ssyncset.s32 $0xFFFFF086  }
0x25: {  	[simem:s6], [sflag:s4] =	dma.local [hbm:s3], $0xF7A  }
0x26: {  	[smem:$0x3F9B] =	sst s1;
	(tag) =	ssettag s2;
	_ =	strace s9  }
0x27: {  	s1 =	sld [smem:$0x3FAB]  }
0x28: {  	s2 =	sld [smem:$0x3FAC]  }
0x29: {  	s4 =	sld [smem:$0x3FAE]  }
0x2a: {  	p0 =	seq.s32 s5, $0x0;
	s5 =	sld [smem:$0x3FAF]  }
0x2b: {  	s6 =	sld [smem:$0x3FB0]  }
0x2c: {  	s7 =	sld [smem:$0x3FB1]  }
0x2d: {  	s3 =	simm.s32 $0x108;
	s8 =	sld [smem:$0x3FB2]  }
0x2e: {  	s3 =	simm.s32 @!p0 $0x1082;
	s9 =	sld [smem:$0x3FB3]  }
0x2f: {  	lr =	sadd.s32 s0, s3;
	s0 =	sld [smem:$0x3FAA]  }
0x30: {  	s3 =	sld [smem:$0x3FAD]  }
0x31: {  	[smem:$0x3FB6] =	sst s10  }
0x32: {  	s10 =	sld [smem:$0x3FB4];
	_ =	sdelay $0x3  }
0x33: {  	p0 =	seq.s32 s10, $0x1;
	s10 =	sld [smem:$0x3FB6];
	_ =	sdelay $0x3  }
0x34: {  	[smem:$0x3FB6] =	sst s10  }
0x35: {  	s10 =	sld [smem:$0x3FB5];
	_ =	sdelay $0x3  }
0x36: {  	p1 =	seq.s32 s10, $0x1;
	s10 =	sld [smem:$0x3FB6];
	_ =	sdelay $0x3  }
0x37: {  	[smem:$0x3FB6] =	sst s10  }
0x38: {  	s10 =	sld [smem:$0x3FB7]  }
0x39: {  	_ = 	snop;
	(pc) =	sbr.ind lr, $3  }
0x3a: {  	_ = 	snop  }
0x3b: {  	_ = 	snop  }
0x3c: {  	p2 =	seq.s32 s10, $0x1;
	s10 =	sld [smem:$0x3FB6]  }
0x3d: {  	_ =	shalt  }
0x3e: {  	_ =	shalt  }
0x3f: {  	_ =	shalt  }
0x40: {  	_ =	shalt  }
0x41: {  	_ =	shalt  }
0x42: {  	_ =	shalt  }
0x43: {  	_ =	shalt  }
0x44: {  	_ =	shalt  }
0x45: {  	_ =	shalt  }
0x46: {  	_ =	shalt  }
0x47: {  	_ =	shalt  }
0x48: {  	_ =	shalt  }
0x49: {  	_ =	shalt  }
0x4a: {  	_ =	shalt  }
0x4b: {  	_ =	shalt  }
0x4c: {  	_ =	shalt  }
0x4d: {  	_ =	shalt  }
0x4e: {  	_ =	shalt  }
0x4f: {  	_ =	shalt  }
0x50: {  	_ =	shalt  }
0x51: {  	_ =	shalt  }
0x52: {  	_ =	shalt  }
0x53: {  	_ =	shalt  }
0x54: {  	_ =	shalt  }
0x55: {  	_ =	shalt  }
0x56: {  	_ =	shalt  }
0x57: {  	_ =	shalt  }
0x58: {  	_ =	shalt  }
0x59: {  	_ =	shalt  }
0x5a: {  	_ =	shalt  }
0x5b: {  	_ =	shalt  }
0x5c: {  	_ =	shalt  }
0x5d: {  	_ =	shalt  }
0x5e: {  	_ =	shalt  }
0x5f: {  	_ =	shalt  }
0x60: {  	_ =	shalt  }
0x61: {  	_ =	shalt  }
0x62: {  	_ =	shalt  }
0x63: {  	_ =	shalt  }
0x64: {  	_ =	shalt  }
0x65: {  	_ =	shalt  }
0x66: {  	_ =	shalt  }
0x67: {  	_ =	shalt  }
0x68: {  	_ =	shalt  }
0x69: {  	_ =	shalt  }
0x6a: {  	_ =	shalt  }
0x6b: {  	_ =	shalt  }
0x6c: {  	_ =	shalt  }
0x6d: {  	_ =	shalt  }
0x6e: {  	_ =	shalt  }
0x6f: {  	_ =	shalt  }
0x70: {  	_ =	shalt  }
0x71: {  	_ =	shalt  }
0x72: {  	_ =	shalt  }
0x73: {  	_ =	shalt  }
0x74: {  	_ =	shalt  }
0x75: {  	_ =	shalt  }
0x76: {  	_ =	shalt  }
0x77: {  	_ =	shalt  }
0x78: {  	_ =	shalt  }
0x79: {  	_ =	shalt  }
0x7a: {  	_ =	shalt  }
0x7b: {  	_ =	shalt  }
0x7c: {  	_ =	shalt  }
0x7d: {  	_ =	shalt  }
0x7e: {  	_ =	shalt  }
0x7f: {  	_ =	shalt  }
0x80: {  	_ =	shalt  }
0x81: {  	_ =	shalt  }
0x82: {  	_ =	shalt  }
0x83: {  	_ =	shalt  }
0x84: {  	_ =	shalt  }
0x85: {  	_ =	shalt  }
0x86: {  	_ =	shalt  }
0x87: {  	_ =	shalt  }
.Lfunc_end0:
.L_simem_size_0:
called_computation_lowered:
.L_overlay_start_0:
0x88: {  	s2 =	sld [smem:$0x3FD9]  }
0x89: {  	s3 =	sld [smem:$0x3FFE];
	_ =	sdelay $0x1  }
0x8a: {  	s1 =	srdreg.scid  }
0x8b: {  	s0 =	sand.u32 $0x1, s1  }
0x8c: {  	s15 =	sshll.u32 s0, $0xA;
	s2 =	sadd.s32 s3, s2  }
0x8d: {  	s2 =	sadd.s32 s2, s15  }
0x8e: {  	[smem:$0x3FC2] =	sst s2  }
0x8f: {  	_ = 	snop  }
0x90: {  	s2 =	sld [smem:$0x3FC9]  }
0x91: {  	s16 =	sld [smem:$0x3FC8]  }
0x92: {  	s4 =	sld [smem:$0x3FC7]  }
0x93: {  	s5 =	sld [smem:$0x3FD0]  }
0x94: {  	s6 =	sld [smem:$0x3FC6]  }
0x95: {  	s7 =	sld [smem:$0x3FC5]  }
0x96: {  	s9 =	simm.s32 $0xA;
	s10 =	simm.s32 $0x10;
	s8 =	sld [smem:$0x3FC4]  }
0x97: {  	[smem:s10], [sflag:s9] =	dma.local [hbm:s5], $0x1  }
0x98: {  	_ =	swait.eq [sflag:s9], $0x1  }
0x99: {  	[sflag:s9] =	ssyncset.done $0x0  }
0x9a: {  	s17 =	sld [smem:$0x10];
	[sflag:s9] =	ssyncadd.s32 $0xFFFFFFFF  }
0x9b: {  	s18 =	sld [smem:$0x11];
	(tm) =	ssettm $0x1  }
0x9c: {  	s19 =	sld [smem:$0x3FFB];
	_ =	sdelay $0x3  }
0x9d: {  	_ =	strace s19  }
0x9e: {  	s10 =	sld [smem:$0x3FFC];
	_ =	sdelay $0x3  }
0x9f: {  	_ =	strace s10  }
0xa0: {  	s10 =	sld [smem:$0x3FFD];
	_ =	sdelay $0x3  }
0xa1: {  	_ =	strace s10  }
0xa2: {  	_ =	strace $0x8FFFFFFF  }
0xa3: {  	s20 =	sld [smem:$0x3FDB];
	_ =	sdelay $0x1  }
0xa4: {  	s11 =	simm.s32 $_scs_section_size  }
0xa5: {  	s12 =	simm.s32 $_size__tile_overlayer_lowered;
	s13 =	simm.s32 $_tile_overlayer_lowered  }
0xa6: {  	s23 =	simm.s32 $0x1BFF;
	s22 =	sshll.u32 s13, $0x1;
	s10 =	sadd.s32 s11, s20  }
0xa7: {  	s14 =	simm.s32 $0x0;
	s21 =	sshll.u32 s12, $0x1;
	s12 =	sadd.s32 s22, s10  }
0xa8: {  	[timem:s14], [sflag:s23] =	dma.local [hbm:s12], s21  }
0xa9: {  	_ =	swait.ge [sflag:s23], s21  }
0xaa: {  	s11 =	ssub.s32 $0x0, s21;
	[sflag:s23] =	ssyncset.done $0x0  }
0xab: {  	[sflag:s23] =	ssyncadd.s32 s11;
	_ =	sdelay $0x1  }
0xac: {  	s24 =	simm.s32 $0x1B8B  }
0xad: {  	_ =	swait.ge [sflag:s24], $0x1  }
0xae: {  	[sflag:s24] =	ssyncset.done $0x0  }
0xaf: {  	s25 =	simm.s32 $0x1B8E;
	[sflag:s24] =	ssyncadd.s32 $0xFFFFFFFF  }
0xb0: {  	s26 =	simm.s32 $execute0_lowered;
	[smem:$0x3FD2] =	sst s25  }
0xb1: {  	s11 =	sshll.u32 s26, $0x1;
	_ =	strace $0x80000046;
	[dreg:$0x1] =	wrdreg $0xFFFFFFFF  }
0xb2: {  	s28 =	simm.s32 $_size_execute0_lowered;
	s10 =	sadd.s32 s10, s11;
	[dreg:$0x0] =	wrdreg $0x0  }
0xb3: {  	s11 =	sshll.u32 s28, $0x1;
	[dreg:$0x2] =	wrdreg s10  }
0xb4: {  	[dreg:$0x3] =	wrdreg s11  }
0xb5: {  	[dreg:$0x4] =	wrdreg $0xC0  }
0xb6: {  	_ =	task [dreg:s14], $0x5FFFF  }
0xb7: {  	[dreg:$0x1] =	wrdreg $0xFFFFFFFF  }
0xb8: {  	[dreg:$0x0] =	wrdreg $0x60  }
0xb9: {  	[dreg:$0x2] =	wrdreg s2  }
0xba: {  	[dreg:$0x3] =	wrdreg s16  }
0xbb: {  	[dreg:$0x4] =	wrdreg s4  }
0xbc: {  	[dreg:$0x5] =	wrdreg s6  }
0xbd: {  	[dreg:$0x6] =	wrdreg s7  }
0xbe: {  	[dreg:$0x7] =	wrdreg s8  }
0xbf: {  	[dreg:$0x8] =	wrdreg s17  }
0xc0: {  	[dreg:$0x9] =	wrdreg s18  }
0xc1: {  	[dreg:$0xa] =	wrdreg $0xA8800  }
0xc2: {  	[dreg:$0xb] =	wrdreg $0x1E8800  }
0xc3: {  	[dreg:$0xc] =	wrdreg $0x9  }
0xc4: {  	_ =	task.clear_ibuf [dreg:s14], $0xDFFFF;
	_ =	strace $0x90000046  }
0xc5: {  	s29 =	simm.s32 $0x9;
	_ =	strace $0x80000048  }
0xc6: {  	_ =	swait.ge [sflag:s29], $0x1  }
0xc7: {  	[sflag:s29] =	ssyncadd.s32 $0xFFFFFFFF  }
0xc8: {  	_ =	strace $0x90000048  }
0xc9: {  	_ =	sfence  }
0xca: {  	s30 =	sld [smem:$0x0];
	_ =	sdelay $0x2  }
0xcb: {  	s31 =	sshll.u32 s1, $0xD;
	s1 =	sshrl.u32 s1, $0x2  }
0xcc: {  	s3 =	sand.u32 $0x4000, s31;
	s1 =	sadd.s32 s1, s30  }
0xcd: {  	s0 =	sor.u32 s3, s0;
	s1 =	sshll.u32 s1, $0x11  }
0xce: {  	s0 =	sor.u32 s1, s0  }
0xcf: {  	s0 =	sadd.s32 $0x8F2B, s0  }
0xd0: {  	[sflag:s0] =	ssyncadd.remote.s32 $0x1  }
0xd1: {  	_ =	sfence.sel $0xFFFF  }
0xd2: {  	[dreg:$0x0] =	wrdreg $0xFFFFFFFF;
	(pc) =	sbr.abs _section_cstart, $3  }
0xd3: {  	[dreg:$0x1] =	wrdreg $0xFFFFFFFF  }
0xd4: {  	_ =	task.clear_ibuf [dreg:s14], $0x2FFFF;
	_ =	strace $0x9FFFFFFF  }
0xd5: {  	(tm) =	ssettm $0x7FFFFFFF  }
tec
execute0_lowered:
.L_overlay_start_1:
0x0: {  	(tag) =	ssettag $0x1  }
0x1: {  	s0 =	rddreg [dreg:$0x1]  }
0x2: {  	s1 =	rddreg [dreg:$0x2]  }
0x3: {  	s15 =	rddreg [dreg:$0x5]  }
0x4: {  	s12 =	rddreg [dreg:$0x6]  }
0x5: {  	s13 =	rddreg [dreg:$0x7]  }
0x6: {  	s2 =	rddreg [dreg:$0x8]  }
0x7: {  	s6 =	rddreg [dreg:$0x9]  }
0x8: {  	s3 =	srdreg.scid;
	s7 =	simm.s32 $0x0;
	s23 =	stileid.u32  }
0x9: {  	s16 =	sand.u32 $0x1, s3;
	[smem:$0x7FF] =	sst s7;
	s21 =	smul.u32 $0x14000, s23  }
0xa: {  	s3 =	sshll.u32 s16, $0x4;
	s4 =	ssub.s32 $0x2, s16;
	s20 =	smul.u32 $0x140000, s16  }
0xb: {  	_ =	strace $0x80000047;
	s5 =	sor.u32 s23, s3;
	s3 =	smul.u32 $0x280, s23  }
0xc: {  	s16 =	sshll.u32 s16, $0x7;
	s8 =	sshrl.u32 s4, $0x1;
	s10 =	smul.u32 $0x2710, s5  }
0xd: {  	s17 =	sshll.u32 s3, $0x7;
	s19 =	sshrl.u32 s3, $0x3;
	s3 =	sadd.s32 s3, s6  }
0xe: {  	s4 =	ssub.s32 s4, s8;
	s14 =	sadd.s32 $0x280, s10;
	[smem:$0x7F4] =	sst s3  }
0xf: {  	s21 =	sadd.s32 s21, s20;
	s18 =	sadd.s32 $0x2D0, s10;
	[dreg:$0xb] =	wrdreg s14  }
0x10: {  	s5 =	sor.u32 $0x2800, s17;
	s28 =	sadd.s32 $0x320, s10;
	[dreg:$0xc] =	wrdreg s18  }
0x11: {  	s8 =	sadd.s32 $0x5000, s17;
	s31 =	sadd.s32 $0x370, s10;
	[dreg:$0xd] =	wrdreg s28  }
0x12: {  	s11 =	sadd.s32 $0x7800, s17;
	s7 =	sadd.s32 $0x3C0, s10;
	[dreg:$0xe] =	wrdreg s31  }
0x13: {  	s9 =	sadd.s32 $0x410, s10;
	s15 =	sadd.s32 s15, s19;
	[dreg:$0xf] =	wrdreg s7  }
0x14: {  	s19 =	smul.u32 $0x500, s23;
	s14 =	sadd.s32 $0xA000, s17;
	[dreg:$0x11] =	wrdreg s15  }
0x15: {  	[dreg:$0x10] =	wrdreg s9;
	s18 =	sadd.s32 $0xC800, s17;
	s22 =	sadd.s32 s20, s5  }
0x16: {  	s24 =	sadd.s32 s20, s8;
	s8 =	sadd.s32 s8, s2;
	s15 =	sor.u32 s16, s19  }
0x17: {  	s16 =	sadd.s32 $0xF000, s17;
	s19 =	sshrl.u32 s21, $0x3;
	s17 =	sadd.s32 $0x11800, s17  }
0x18: {  	s25 =	sshrl.u32 s24, $0x3;
	s31 =	sadd.s32 s20, s14;
	s7 =	sadd.s32 s20, s18  }
0x19: {  	s29 =	sadd.s32 s18, s2;
	[smem:$0x7F8] =	sst s8;
	s19 =	sadd.s32 s12, s19  }
0x1a: {  	s9 =	sadd.s32 s20, s16;
	s21 =	sshrl.u32 s7, $0x3;
	[smem:$0x7FB] =	sst s29  }
0x1b: {  	s15 =	sshrl.u32 s15, $0x3;
	s16 =	sadd.s32 s16, s2;
	[dreg:$0x12] =	wrdreg s19  }
0x1c: {  	s30 =	sadd.s32 s17, s2;
	s19 =	sshrl.u32 s22, $0x3;
	[smem:$0x7FC] =	sst s16  }
0x1d: {  	s22 =	sadd.s32 s20, s11;
	[smem:$0x7FD] =	sst s30;
	s19 =	sadd.s32 s12, s19  }
0x1e: {  	s26 =	sshrl.u32 s22, $0x3;
	[dreg:$0x13] =	wrdreg s19;
	s19 =	sadd.s32 s12, s25  }
0x1f: {  	s22 =	sshrl.u32 s9, $0x3;
	s28 =	sadd.s32 s12, s26;
	[dreg:$0x14] =	wrdreg s19  }
0x20: {  	s24 =	sadd.s32 s12, s22;
	s25 =	sadd.s32 s20, s17;
	[dreg:$0x15] =	wrdreg s28  }
0x21: {  	s20 =	sshrl.u32 s10, $0x3;
	s26 =	sadd.s32 s13, s15;
	[dreg:$0x18] =	wrdreg s24  }
0x22: {  	s19 =	sshrl.u32 s31, $0x3;
	[dreg:$0x1a] =	wrdreg s26;
	s24 =	sadd.s32 s0, s20  }
0x23: {  	s28 =	sadd.s32 $0xA, s20;
	s19 =	sadd.s32 s12, s19;
	[smem:$0x7F0] =	sst s24  }
0x24: {  	s7 =	sadd.s32 $0x14, s20;
	s31 =	sadd.s32 s0, s28;
	[dreg:$0x16] =	wrdreg s19  }
0x25: {  	s26 =	sadd.s32 $0x32, s20;
	s9 =	sadd.s32 s0, s7;
	[dreg:$0x1b] =	wrdreg s31  }
0x26: {  	s13 =	sadd.s32 s1, s26;
	[dreg:$0x1d] =	wrdreg s9  }
0x27: {  	s24 =	sadd.s32 s11, s2;
	[smem:$0x7F3] =	sst s13  }
0x28: {  	s19 =	sadd.s32 s12, s21;
	[smem:$0x7F9] =	sst s24  }
0x29: {  	s21 =	sadd.s32 $0x28, s20;
	s31 =	smax.u32 s4, $0x1;
	[dreg:$0x17] =	wrdreg s19  }
0x2a: {  	s22 =	sadd.s32 s0, s21;
	[smem:$0x7F5] =	sst s31  }
0x2b: {  	s19 =	sshrl.u32 s25, $0x3;
	s25 =	sadd.s32 s1, s20;
	[smem:$0x7EE] =	sst s22  }
0x2c: {  	s15 =	sadd.s32 $0x1E, s20;
	s12 =	sadd.s32 s12, s19;
	[smem:$0x7F1] =	sst s25  }
0x2d: {  	s19 =	sadd.s32 s0, s15;
	[dreg:$0x19] =	wrdreg s12  }
0x2e: {  	s25 =	sadd.s32 s14, s2;
	[dreg:$0x1f] =	wrdreg s19  }
0x2f: {  	s12 =	sadd.s32 s1, s28;
	[smem:$0x7FA] =	sst s25  }
0x30: {  	s28 =	sadd.s32 s0, s26;
	[dreg:$0x1c] =	wrdreg s12  }
0x31: {  	s12 =	sadd.s32 s1, s7;
	[smem:$0x7F2] =	sst s28  }
0x32: {  	s23 =	smul.u32 $0x50000, s23;
	[dreg:$0x1e] =	wrdreg s12;
	s12 =	sadd.s32 s1, s15  }
0x33: {  	[smem:$0x7ED] =	sst s12;
	s12 =	sadd.s32 s1, s21  }
0x34: {  	s21 =	sadd.s32 s5, s2;
	[smem:$0x7EF] =	sst s12;
	s12 =	sshrl.u32 s23, $0x2  }
0x35: {  	s22 =	simm.s32 $0x11;
	[smem:$0x7F7] =	sst s21;
	s20 =	sadd.s32 s12, s2  }
0x36: {  	s0 =	simm.s32 $0x0;
	s12 =	simm.s32 $0x50;
	[smem:$0x7F6] =	sst s20  }
.LBB2_1:
0x37: {  	s4 =	sld [smem:$0x7F0]  }
0x38: {  	[smem:$0x7EA] =	sst s0  }
0x39: {  	s0 =	simm.s32 $0x0;
	s14 =	sld [smem:$0x7F1]  }
0x3a: {  	[tilespmem:s0], [sflag:$0x1] =	stream.linear.gather [hbm4b:s4+s0], $0x50, $0x38;
	[tilespmem:$0x1EB00] =	vst v63  }
0x3b: {  	s1 =	simm.s32 $0x400;
	s15 =	rddreg [dreg:$0x1b]  }
0x3c: {  	[tilespmem:s1], [sflag:$0x1] =	stream.linear.gather [hbm4b:s14+s0], $0x50, $0x38;
	[tilespmem:$0x1EB00] =	vst v63  }
0x3d: {  	s17 =	simm.s32 $0x80;
	s18 =	rddreg [dreg:$0x1c]  }
0x3e: {  	[tilespmem:s17], [sflag:$0x2] =	stream.linear.gather [hbm4b:s15+s0], $0x50, $0x38;
	[tilespmem:$0x1EB00] =	vst v63  }
0x3f: {  	s28 =	simm.s32 $0x480;
	s19 =	rddreg [dreg:$0x1d]  }
0x40: {  	[tilespmem:s28], [sflag:$0x2] =	stream.linear.gather [hbm4b:s18+s0], $0x50, $0x38;
	[tilespmem:$0x1EB00] =	vst v63  }
0x41: {  	s23 =	simm.s32 $0x100;
	s26 =	rddreg [dreg:$0x1e]  }
0x42: {  	[tilespmem:s23], [sflag:$0x3] =	stream.linear.gather [hbm4b:s19+s0], $0x50, $0x38;
	[tilespmem:$0x1EB00] =	vst v63  }
0x43: {  	s31 =	simm.s32 $0x500;
	s3 =	sld [smem:$0x7ED]  }
0x44: {  	[tilespmem:s31], [sflag:$0x3] =	stream.linear.gather [hbm4b:s26+s0], $0x50, $0x38;
	[tilespmem:$0x1EB00] =	vst v63  }
0x45: {  	s2 =	simm.s32 $0x180;
	s1 =	rddreg [dreg:$0x1f]  }
0x46: {  	[tilespmem:s2], [sflag:$0x4] =	stream.linear.gather [hbm4b:s1+s0], $0x50, $0x38;
	[tilespmem:$0x1EB00] =	vst v63  }
0x47: {  	s5 =	simm.s32 $0x580;
	s6 =	sld [smem:$0x7EE]  }
0x48: {  	[tilespmem:s5], [sflag:$0x4] =	stream.linear.gather [hbm4b:s3+s0], $0x50, $0x38;
	[tilespmem:$0x1EB00] =	vst v63  }
0x49: {  	s7 =	simm.s32 $0x200;
	s9 =	sld [smem:$0x7EF]  }
0x4a: {  	[tilespmem:s7], [sflag:$0x5] =	stream.linear.gather [hbm4b:s6+s0], $0x50, $0x38;
	[tilespmem:$0x1EB00] =	vst v63  }
0x4b: {  	s11 =	simm.s32 $0x600;
	s15 =	sld [smem:$0x7F2]  }
0x4c: {  	[tilespmem:s11], [sflag:$0x5] =	stream.linear.gather [hbm4b:s9+s0], $0x50, $0x38;
	[tilespmem:$0x1EB00] =	vst v63  }
0x4d: {  	s17 =	simm.s32 $0x280;
	s18 =	sld [smem:$0x7F3]  }
0x4e: {  	[tilespmem:s17], [sflag:$0x6] =	stream.linear.gather [hbm4b:s15+s0], $0x50, $0x38;
	[tilespmem:$0x1EB00] =	vst v63  }
0x4f: {  	s23 =	simm.s32 $0x680  }
0x50: {  	[tilespmem:s23], [sflag:$0x6] =	stream.linear.gather [hbm4b:s18+s0], $0x50, $0x38;
	[tilespmem:$0x1EB00] =	vst v63  }
0x51: {  	s13 =	simm.s32 $0x12;
	s26 =	rddreg [dreg:$0x4];
	s15 =	simm.s32 $0x800  }
0x52: {  	[tilespmem:s15], [sflag:$0x12] =	stream.linear.gather [hbm4b:s26+s0], $0x2800, $0x38;
	[tilespmem:$0x1EB00] =	vst v63  }
0x53: {  	_ =	swait.ge [sflag:s13], $0x2800  }
0x54: {  	[sflag:s13] =	ssyncset.done $0x0  }
0x55: {  	[sflag:s13] =	ssyncadd.s32 $0xFFFFD800  }
0x56: {  	[spmem:s20] =	stream.linear.scatter [tilespmem:s15], [sflag:$0xD], $0x2800, $0x38;
	[tilespmem:$0x1EB00] =	vst v63  }
0x57: {  	_ = 	snop  }
0x58: {  	[spmem:s21] =	stream.linear.scatter [tilespmem:s15], [sflag:$0xE], $0x2800, $0x38;
	[tilespmem:$0x1EB00] =	vst v63  }
0x59: {  	_ = 	snop  }
0x5a: {  	[spmem:s8] =	stream.linear.scatter [tilespmem:s15], [sflag:$0xF], $0x2800, $0x38;
	[tilespmem:$0x1EB00] =	vst v63  }
0x5b: {  	_ = 	snop  }
0x5c: {  	[spmem:s24] =	stream.linear.scatter [tilespmem:s15], [sflag:$0x10], $0x2800, $0x38;
	[tilespmem:$0x1EB00] =	vst v63  }
0x5d: {  	_ = 	snop  }
0x5e: {  	[spmem:s25] =	stream.linear.scatter [tilespmem:s15], [sflag:$0xD], $0x2800, $0x38;
	[tilespmem:$0x1EB00] =	vst v63  }
0x5f: {  	s2 =	sld [smem:$0x7F4]  }
0x60: {  	[spmem:s29] =	stream.linear.scatter [tilespmem:s15], [sflag:$0xE], $0x2800, $0x38;
	[tilespmem:$0x1EB00] =	vst v63  }
0x61: {  	s29 =	stileid.u32  }
0x62: {  	[spmem:s16] =	stream.linear.scatter [tilespmem:s15], [sflag:$0xF], $0x2800, $0x38;
	[tilespmem:$0x1EB00] =	vst v63  }
0x63: {  	s3 =	rddreg [dreg:$0x11];
	s2 =	sshrl.u32 s2, $0x3;
	s4 =	sshll.u32 s29, $0x6  }
0x64: {  	[spmem:s30] =	stream.linear.scatter [tilespmem:s15], [sflag:$0x10], $0x2800, $0x38;
	[tilespmem:$0x1EB00] =	vst v63  }
0x65: {  	[smem:$0x7EC] =	sst s2;
	s30 =	sor.u32 $0x1C12, s4  }
0x66: {  	[smem:$0x7EB] =	sst s30  }
0x67: {  	[spmem:s2], [sflag:s30] =	dma.local [hbm:s3], $0x50  }
0x68: {  	_ =	swait.ge [sflag:s13], $0x50  }
0x69: {  	[sflag:s13] =	ssyncset.done $0x0  }
0x6a: {  	[sflag:s13] =	ssyncadd.s32 $0xFFFFFFB0  }
0x6b: {  	s9 =	simm.s32 $0xA800;
	s5 =	rddreg [dreg:$0x3]  }
0x6c: {  	[tilespmem:s9], [sflag:$0x12] =	stream.linear.gather [hbm4b:s5+s0], $0x80, $0x38;
	[tilespmem:$0x1EB00] =	vst v63  }
0x6d: {  	_ =	swait.ge [sflag:s13], $0x80  }
0x6e: {  	[sflag:s13] =	ssyncset.done $0x0  }
0x6f: {  	s18 =	simm.s32 $0xD;
	[sflag:s13] =	ssyncadd.s32 $0xFFFFFF80  }
0x70: {  	_ =	swait.ge [sflag:s18], $0x2800  }
0x71: {  	[sflag:s18] =	ssyncset.done $0x0  }
0x72: {  	s24 =	simm.s32 $0xE;
	[sflag:s18] =	ssyncadd.s32 $0xFFFFD800  }
0x73: {  	_ =	swait.ge [sflag:s24], $0x2800  }
0x74: {  	[sflag:s24] =	ssyncset.done $0x0  }
0x75: {  	s16 =	simm.s32 $0xF;
	[sflag:s24] =	ssyncadd.s32 $0xFFFFD800  }
0x76: {  	_ =	swait.ge [sflag:s16], $0x2800  }
0x77: {  	[sflag:s16] =	ssyncset.done $0x0  }
0x78: {  	s20 =	simm.s32 $0x10;
	[sflag:s16] =	ssyncadd.s32 $0xFFFFD800  }
0x79: {  	_ =	swait.ge [sflag:s20], $0x2800  }
0x7a: {  	[sflag:s20] =	ssyncset.done $0x0  }
0x7b: {  	[sflag:s20] =	ssyncadd.s32 $0xFFFFD800  }
0x7c: {  	_ =	swait.ge [sflag:s18], $0x2800  }
0x7d: {  	[sflag:s18] =	ssyncset.done $0x0  }
0x7e: {  	[sflag:s18] =	ssyncadd.s32 $0xFFFFD800  }
0x7f: {  	_ =	swait.ge [sflag:s24], $0x2800  }
0x80: {  	[sflag:s24] =	ssyncset.done $0x0  }
0x81: {  	[sflag:s24] =	ssyncadd.s32 $0xFFFFD800  }
0x82: {  	_ =	swait.ge [sflag:s16], $0x2800  }
0x83: {  	[sflag:s16] =	ssyncset.done $0x0  }
0x84: {  	[sflag:s16] =	ssyncadd.s32 $0xFFFFD800  }
0x85: {  	_ =	swait.ge [sflag:s20], $0x2800  }
0x86: {  	[sflag:s20] =	ssyncset.done $0x0  }
0x87: {  	s21 =	simm.s32 $0x1;
	[sflag:s20] =	ssyncadd.s32 $0xFFFFD800  }
0x88: {  	_ =	swait.ge [sflag:s21], $0xA0  }
0x89: {  	[sflag:s21] =	ssyncset.done $0x0  }
0x8a: {  	[sflag:s21] =	ssyncadd.s32 $0xFFFFFF60  }
0x8b: {  	s25 =	simm.s32 $0x2;
	s5 =	rddreg [dreg:$0x0]  }
0x8c: {  	[tilespmem:s15], [sflag:$0x9] =	stream.indirect.gather [hbm4b:s5+s12], $0x80, s0, s12, $0xb8;
	[tilespmem:$0x1EB00] =	vst v63  }
0x8d: {  	p1 =	por $0x1, $0x1;
	_ =	swait.ge [sflag:s25], $0xA0  }
0x8e: {  	p0 =	por p1, p1;
	[sflag:s25] =	ssyncset.done $0x0  }
0x8f: {  	s14 =	simm.s32 $0x80;
	s17 =	simm.s32 $0x3000;
	[sflag:s25] =	ssyncadd.s32 $0xFFFFFF60  }
0x90: {  	[tilespmem:s17], [sflag:$0xA] =	stream.indirect.gather [hbm4b:s5+s12], $0x80, s14, s12, $0xb8;
	[tilespmem:$0x1EB00] =	vst v63  }
0x91: {  	s4 =	simm.s32 @!p0 $0xF;
	[bflag:$0x0] =	sbarrier.arrive $0xFFFF  }
0x92: {  	_ =	swait.ge @!p0 [sflag:s4], $0x2800  }
0x93: {  	[sflag:s4] =	ssyncset.done @!p0 $0x0  }
0x94: {  	[sflag:s4] =	ssyncadd.s32 @!p0 $0xFFFFD800;
	s4 =	simm.s32 @!p0 $0x11  }
0x95: {  	s8 =	simm.s32 @!p1 $0x1E0;
	_ =	swait.ge @!p0 [sflag:s4], $0x50  }
0x96: {  	s8 =	simm.s32 @p1 $0x1E0;
	[sflag:s4] =	ssyncset.done @!p0 $0x0  }
0x97: {  	s8 =	sadd.s32 s10, s8;
	[sflag:s4] =	ssyncadd.s32 @!p0 $0xFFFFFFB0  }
0x98: {  	s8 =	sshrl.u32 s8, $0x3;
	s2 =	rddreg [dreg:$0x1]  }
0x99: {  	s7 =	simm.s32 $0x300;
	s6 =	sadd.s32 s2, s8  }
0x9a: {  	[tilespmem:s7], [sflag:$0x7] =	stream.linear.gather [hbm4b:s6+s0], $0x50, $0x38;
	[tilespmem:$0x1EB00] =	vst v63  }
0x9b: {  	s6 =	rddreg [dreg:$0x2]  }
0x9c: {  	s23 =	simm.s32 $0x9;
	s30 =	simm.s32 $0x700;
	s8 =	sadd.s32 s6, s8  }
0x9d: {  	[tilespmem:s30], [sflag:$0x7] =	stream.linear.gather [hbm4b:s8+s0], $0x50, $0x38;
	[tilespmem:$0x1EB00] =	vst v63  }
0x9e: {  	_ =	swait.ge [sflag:s23], $0x2800  }
0x9f: {  	[sflag:s23] =	ssyncset.done $0x0  }
0xa0: {  	[sflag:s23] =	ssyncadd.s32 $0xFFFFD800  }
0xa1: {  	s11 =	simm.s32 $0x400;
	s3 =	rddreg [dreg:$0x9]  }
0xa2: {  	[spmem:s3] =	stream.indirect.scatter.add.f32 [tilespmem:s9], [sflag:$0x11], $0x1, s11, s12, $0xb8;
	[tilespmem:$0x1EB00] =	vst v63  }
0xa3: {  	s13 =	simm.s32 $0x3;
	s7 =	rddreg [dreg:$0x8]  }
0xa4: {  	[spmem:s7] =	stream.indirect.scatter.add.f32 [tilespmem:s15], [sflag:$0xD], $0x80, s11, s12, $0xb8;
	[tilespmem:$0x1EB00] =	vst v63  }
0xa5: {  	_ =	swait.ge [sflag:s13], $0xA0  }
0xa6: {  	s19 =	simm.s32 $0x100;
	[sflag:s13] =	ssyncset.done $0x0  }
0xa7: {  	s8 =	simm.s32 @!p0 $0x10;
	s11 =	simm.s32 $0x5800;
	[sflag:s13] =	ssyncadd.s32 $0xFFFFFF60  }
0xa8: {  	[tilespmem:s11], [sflag:$0xB] =	stream.indirect.gather [hbm4b:s5+s12], $0x80, s19, s12, $0xb8;
	[tilespmem:$0x1EB00] =	vst v63  }
0xa9: {  	_ =	swait.ge @!p0 [sflag:s8], $0x2800  }
0xaa: {  	s13 =	simm.s32 @!p1 $0x230;
	[sflag:s8] =	ssyncset.done @!p0 $0x0  }
0xab: {  	s13 =	simm.s32 @p1 $0x230;
	[sflag:s8] =	ssyncadd.s32 @!p0 $0xFFFFD800  }
0xac: {  	s26 =	sadd.s32 s10, s13;
	_ =	swait.ge @!p0 [sflag:s4], $0x50  }
0xad: {  	s8 =	sshrl.u32 s26, $0x3;
	[sflag:s4] =	ssyncset.done @!p0 $0x0  }
0xae: {  	s13 =	simm.s32 $0x380;
	s1 =	sadd.s32 s2, s8;
	[sflag:s4] =	ssyncadd.s32 @!p0 $0xFFFFFFB0  }
0xaf: {  	[tilespmem:s13], [sflag:$0x8] =	stream.linear.gather [hbm4b:s1+s0], $0x50, $0x38;
	[tilespmem:$0x1EB00] =	vst v63  }
0xb0: {  	s26 =	simm.s32 $0x780;
	s19 =	sadd.s32 s6, s8  }
0xb1: {  	[tilespmem:s26], [sflag:$0x8] =	stream.linear.gather [hbm4b:s19+s0], $0x50, $0x38;
	[tilespmem:$0x1EB00] =	vst v63  }
0xb2: {  	s26 =	simm.s32 $0xA  }
0xb3: {  	_ =	swait.ge [sflag:s26], $0x2800  }
0xb4: {  	[sflag:s26] =	ssyncset.done $0x0  }
0xb5: {  	[sflag:s26] =	ssyncadd.s32 $0xFFFFD800  }
0xb6: {  	[spmem:s3] =	stream.indirect.scatter.add.f32 [tilespmem:s9], [sflag:$0x11], $0x1, s28, s12, $0xb8;
	[tilespmem:$0x1EB00] =	vst v63  }
0xb7: {  	s1 =	simm.s32 $0x4  }
0xb8: {  	[spmem:s7] =	stream.indirect.scatter.add.f32 [tilespmem:s17], [sflag:$0xE], $0x80, s28, s12, $0xb8;
	[tilespmem:$0x1EB00] =	vst v63  }
0xb9: {  	_ =	swait.ge [sflag:s1], $0xA0  }
0xba: {  	[sflag:s1] =	ssyncset.done $0x0  }
0xbb: {  	s8 =	simm.s32 $0x180;
	s19 =	simm.s32 $0x8000;
	[sflag:s1] =	ssyncadd.s32 $0xFFFFFF60  }
0xbc: {  	[tilespmem:s19], [sflag:$0xC] =	stream.indirect.gather [hbm4b:s5+s12], $0x80, s8, s12, $0xb8;
	[tilespmem:$0x1EB00] =	vst v63  }
0xbd: {  	_ =	swait.ge [sflag:s18], $0x2800  }
0xbe: {  	[sflag:s18] =	ssyncset.done $0x0  }
0xbf: {  	[sflag:s18] =	ssyncadd.s32 $0xFFFFD800  }
0xc0: {  	s4 =	simm.s32 $0x0;
	_ =	swait.ge [sflag:s22], $0x50  }
0xc1: {  	s4 =	simm.s32 @p0 $0x0;
	s13 =	rddreg [dreg:$0xb]  }
0xc2: {  	s8 =	sadd.s32 s4, s13  }
0xc3: {  	[sflag:s22] =	ssyncset.done $0x0;
	s8 =	sshrl.u32 s8, $0x3  }
0xc4: {  	[sflag:s22] =	ssyncadd.s32 $0xFFFFFFB0;
	s1 =	sadd.s32 s2, s8  }
0xc5: {  	[tilespmem:s0], [sflag:$0x1] =	stream.linear.gather [hbm4b:s1+s0], $0x50, $0x38;
	[tilespmem:$0x1EB00] =	vst v63  }
0xc6: {  	s29 =	simm.s32 $0x400;
	s8 =	sadd.s32 s6, s8;
	s1 =	simm.s32 $0xB  }
0xc7: {  	[tilespmem:s29], [sflag:$0x1] =	stream.linear.gather [hbm4b:s8+s0], $0x50, $0x38;
	[tilespmem:$0x1EB00] =	vst v63  }
0xc8: {  	_ =	swait.ge [sflag:s1], $0x2800  }
0xc9: {  	[sflag:s1] =	ssyncset.done $0x0  }
0xca: {  	[sflag:s1] =	ssyncadd.s32 $0xFFFFD800  }
0xcb: {  	[spmem:s3] =	stream.indirect.scatter.add.f32 [tilespmem:s9], [sflag:$0x11], $0x1, s31, s12, $0xb8;
	[tilespmem:$0x1EB00] =	vst v63  }
0xcc: {  	s29 =	simm.s32 $0x5  }
0xcd: {  	[spmem:s7] =	stream.indirect.scatter.add.f32 [tilespmem:s11], [sflag:$0xF], $0x80, s31, s12, $0xb8;
	[tilespmem:$0x1EB00] =	vst v63  }
0xce: {  	_ =	swait.ge [sflag:s29], $0xA0  }
0xcf: {  	[sflag:s29] =	ssyncset.done $0x0  }
0xd0: {  	[sflag:s29] =	ssyncadd.s32 $0xFFFFFF60;
	s29 =	simm.s32 $0x200  }
0xd1: {  	[tilespmem:s15], [sflag:$0x9] =	stream.indirect.gather [hbm4b:s5+s12], $0x80, s29, s12, $0xb8;
	[tilespmem:$0x1EB00] =	vst v63  }
0xd2: {  	_ =	swait.ge [sflag:s24], $0x2800  }
0xd3: {  	[sflag:s24] =	ssyncset.done $0x0  }
0xd4: {  	[sflag:s24] =	ssyncadd.s32 $0xFFFFD800  }
0xd5: {  	_ =	swait.ge [sflag:s22], $0x50  }
0xd6: {  	s13 =	rddreg [dreg:$0xc]  }
0xd7: {  	s8 =	sadd.s32 s4, s13  }
0xd8: {  	[sflag:s22] =	ssyncset.done $0x0;
	s8 =	sshrl.u32 s8, $0x3  }
0xd9: {  	[sflag:s22] =	ssyncadd.s32 $0xFFFFFFB0;
	s13 =	sadd.s32 s2, s8  }
0xda: {  	[tilespmem:s14], [sflag:$0x2] =	stream.linear.gather [hbm4b:s13+s0], $0x50, $0x38;
	[tilespmem:$0x1EB00] =	vst v63  }
0xdb: {  	s8 =	sadd.s32 s6, s8  }
0xdc: {  	[tilespmem:s28], [sflag:$0x2] =	stream.linear.gather [hbm4b:s8+s0], $0x50, $0x38;
	[tilespmem:$0x1EB00] =	vst v63  }
0xdd: {  	s28 =	simm.s32 $0xC  }
0xde: {  	_ =	swait.ge [sflag:s28], $0x2800  }
0xdf: {  	[sflag:s28] =	ssyncset.done $0x0  }
0xe0: {  	s14 =	simm.s32 $0x580;
	[sflag:s28] =	ssyncadd.s32 $0xFFFFD800  }
0xe1: {  	[spmem:s3] =	stream.indirect.scatter.add.f32 [tilespmem:s9], [sflag:$0x11], $0x1, s14, s12, $0xb8;
	[tilespmem:$0x1EB00] =	vst v63  }
0xe2: {  	s13 =	simm.s32 $0x6  }
0xe3: {  	[spmem:s7] =	stream.indirect.scatter.add.f32 [tilespmem:s19], [sflag:$0x10], $0x80, s14, s12, $0xb8;
	[tilespmem:$0x1EB00] =	vst v63  }
0xe4: {  	_ =	swait.ge [sflag:s13], $0xA0  }
0xe5: {  	[sflag:s13] =	ssyncset.done $0x0  }
0xe6: {  	[sflag:s13] =	ssyncadd.s32 $0xFFFFFF60;
	s13 =	simm.s32 $0x280  }
0xe7: {  	[tilespmem:s17], [sflag:$0xA] =	stream.indirect.gather [hbm4b:s5+s12], $0x80, s13, s12, $0xb8;
	[tilespmem:$0x1EB00] =	vst v63  }
0xe8: {  	_ =	swait.ge [sflag:s16], $0x2800  }
0xe9: {  	[sflag:s16] =	ssyncset.done $0x0  }
0xea: {  	[sflag:s16] =	ssyncadd.s32 $0xFFFFD800  }
0xeb: {  	_ =	swait.ge [sflag:s22], $0x50  }
0xec: {  	s16 =	rddreg [dreg:$0xd]  }
0xed: {  	s8 =	sadd.s32 s4, s16  }
0xee: {  	[sflag:s22] =	ssyncset.done $0x0;
	s8 =	sshrl.u32 s8, $0x3  }
0xef: {  	[sflag:s22] =	ssyncadd.s32 $0xFFFFFFB0;
	s16 =	simm.s32 $0x100;
	s13 =	sadd.s32 s2, s8  }
0xf0: {  	[tilespmem:s16], [sflag:$0x3] =	stream.linear.gather [hbm4b:s13+s0], $0x50, $0x38;
	[tilespmem:$0x1EB00] =	vst v63  }
0xf1: {  	s8 =	sadd.s32 s6, s8  }
0xf2: {  	[tilespmem:s31], [sflag:$0x3] =	stream.linear.gather [hbm4b:s8+s0], $0x50, $0x38;
	[tilespmem:$0x1EB00] =	vst v63  }
0xf3: {  	_ =	swait.ge [sflag:s23], $0x2800  }
0xf4: {  	[sflag:s23] =	ssyncset.done $0x0  }
0xf5: {  	[sflag:s23] =	ssyncadd.s32 $0xFFFFD800;
	s23 =	simm.s32 $0x600  }
0xf6: {  	[spmem:s3] =	stream.indirect.scatter.add.f32 [tilespmem:s9], [sflag:$0x11], $0x1, s23, s12, $0xb8;
	[tilespmem:$0x1EB00] =	vst v63  }
0xf7: {  	s13 =	simm.s32 $0x7  }
0xf8: {  	[spmem:s7] =	stream.indirect.scatter.add.f32 [tilespmem:s15], [sflag:$0xD], $0x80, s23, s12, $0xb8;
	[tilespmem:$0x1EB00] =	vst v63  }
0xf9: {  	_ =	swait.ge [sflag:s13], $0xA0  }
0xfa: {  	[sflag:s13] =	ssyncset.done $0x0  }
0xfb: {  	s23 =	simm.s32 $0x300;
	[sflag:s13] =	ssyncadd.s32 $0xFFFFFF60  }
0xfc: {  	[tilespmem:s11], [sflag:$0xB] =	stream.indirect.gather [hbm4b:s5+s12], $0x80, s23, s12, $0xb8;
	[tilespmem:$0x1EB00] =	vst v63  }
0xfd: {  	_ =	swait.ge [sflag:s20], $0x2800  }
0xfe: {  	[sflag:s20] =	ssyncset.done $0x0  }
0xff: {  	[sflag:s20] =	ssyncadd.s32 $0xFFFFD800  }
0x100: {  	_ =	swait.ge [sflag:s22], $0x50  }
0x101: {  	s13 =	rddreg [dreg:$0xe]  }
0x102: {  	s8 =	sadd.s32 s4, s13  }
0x103: {  	[sflag:s22] =	ssyncset.done $0x0;
	s8 =	sshrl.u32 s8, $0x3  }
0x104: {  	s23 =	simm.s32 $0x180;
	[sflag:s22] =	ssyncadd.s32 $0xFFFFFFB0;
	s20 =	sadd.s32 s2, s8  }
0x105: {  	[tilespmem:s23], [sflag:$0x4] =	stream.linear.gather [hbm4b:s20+s0], $0x50, $0x38;
	[tilespmem:$0x1EB00] =	vst v63  }
0x106: {  	s14 =	simm.s32 $0x580;
	s8 =	sadd.s32 s6, s8  }
0x107: {  	[tilespmem:s14], [sflag:$0x4] =	stream.linear.gather [hbm4b:s8+s0], $0x50, $0x38;
	[tilespmem:$0x1EB00] =	vst v63  }
0x108: {  	_ =	swait.ge [sflag:s26], $0x2800  }
0x109: {  	[sflag:s26] =	ssyncset.done $0x0  }
0x10a: {  	s14 =	simm.s32 $0x680;
	[sflag:s26] =	ssyncadd.s32 $0xFFFFD800  }
0x10b: {  	[spmem:s3] =	stream.indirect.scatter.add.f32 [tilespmem:s9], [sflag:$0x11], $0x1, s14, s12, $0xb8;
	[tilespmem:$0x1EB00] =	vst v63  }
0x10c: {  	_ = 	snop  }
0x10d: {  	[spmem:s7] =	stream.indirect.scatter.add.f32 [tilespmem:s17], [sflag:$0xE], $0x80, s14, s12, $0xb8;
	[tilespmem:$0x1EB00] =	vst v63  }
0x10e: {  	s17 =	simm.s32 $0x8  }
0x10f: {  	_ =	swait.ge [sflag:s17], $0xA0  }
0x110: {  	[sflag:s17] =	ssyncset.done $0x0  }
0x111: {  	s20 =	simm.s32 $0x380;
	[sflag:s17] =	ssyncadd.s32 $0xFFFFFF60  }
0x112: {  	[tilespmem:s19], [sflag:$0xC] =	stream.indirect.gather [hbm4b:s5+s12], $0x80, s20, s12, $0xb8;
	[tilespmem:$0x1EB00] =	vst v63  }
0x113: {  	_ =	swait.ge [sflag:s18], $0x2800  }
0x114: {  	[sflag:s18] =	ssyncset.done $0x0  }
0x115: {  	[sflag:s18] =	ssyncadd.s32 $0xFFFFD800  }
0x116: {  	_ =	swait.ge [sflag:s22], $0x50  }
0x117: {  	s23 =	rddreg [dreg:$0xf]  }
0x118: {  	s8 =	sadd.s32 s4, s23  }
0x119: {  	[sflag:s22] =	ssyncset.done $0x0;
	s8 =	sshrl.u32 s8, $0x3  }
0x11a: {  	[sflag:s22] =	ssyncadd.s32 $0xFFFFFFB0;
	s26 =	sadd.s32 s2, s8  }
0x11b: {  	[tilespmem:s29], [sflag:$0x5] =	stream.linear.gather [hbm4b:s26+s0], $0x50, $0x38;
	[tilespmem:$0x1EB00] =	vst v63  }
0x11c: {  	s16 =	simm.s32 $0x600;
	s8 =	sadd.s32 s6, s8  }
0x11d: {  	[tilespmem:s16], [sflag:$0x5] =	stream.linear.gather [hbm4b:s8+s0], $0x50, $0x38;
	[tilespmem:$0x1EB00] =	vst v63  }
0x11e: {  	_ =	swait.ge [sflag:s1], $0x2800  }
0x11f: {  	[sflag:s1] =	ssyncset.done $0x0  }
0x120: {  	[sflag:s1] =	ssyncadd.s32 $0xFFFFD800  }
0x121: {  	[spmem:s3] =	stream.indirect.scatter.add.f32 [tilespmem:s9], [sflag:$0x11], $0x1, s30, s12, $0xb8;
	[tilespmem:$0x1EB00] =	vst v63  }
0x122: {  	_ = 	snop  }
0x123: {  	[spmem:s7] =	stream.indirect.scatter.add.f32 [tilespmem:s11], [sflag:$0xF], $0x80, s30, s12, $0xb8;
	[tilespmem:$0x1EB00] =	vst v63  }
0x124: {  	_ =	swait.ge [sflag:s21], $0xA0  }
0x125: {  	[sflag:s21] =	ssyncset.done $0x0  }
0x126: {  	[sflag:s21] =	ssyncadd.s32 $0xFFFFFF60  }
0x127: {  	[tilespmem:s15], [sflag:$0x9] =	stream.indirect.gather [hbm4b:s5+s12], $0x80, s0, s12, $0xb8;
	[tilespmem:$0x1EB00] =	vst v63  }
0x128: {  	_ =	swait.ge [sflag:s24], $0x2800  }
0x129: {  	[sflag:s24] =	ssyncset.done $0x0  }
0x12a: {  	[sflag:s24] =	ssyncadd.s32 $0xFFFFD800  }
0x12b: {  	_ =	swait.ge [sflag:s22], $0x50  }
0x12c: {  	p0 =	por $0x0, $0x0;
	s8 =	rddreg [dreg:$0x10]  }
0x12d: {  	s4 =	sadd.s32 @!p0 s4, s8  }
0x12e: {  	s16 =	simm.s32 @!p0 $0x0;
	[sflag:s22] =	ssyncset.done $0x0;
	s4 =	sshrl.u32 @!p0 s4, $0x3  }
0x12f: {  	s8 =	simm.s32 @!p0 $0x280;
	[sflag:s22] =	ssyncadd.s32 $0xFFFFFFB0;
	s13 =	sadd.s32 @!p0 s2, s4  }
0x130: {  	[tilespmem:s8], [sflag:$0x6] =	stream.linear.gather @!p0 [hbm4b:s13+s16], $0x50, $0x38;
	[tilespmem:$0x1EB00] =	vst v63  }
0x131: {  	s4 =	sadd.s32 @!p0 s6, s4;
	s8 =	simm.s32 @!p0 $0x680  }
0x132: {  	[tilespmem:s8], [sflag:$0x6] =	stream.linear.gather @!p0 [hbm4b:s4+s16], $0x50, $0x38;
	[tilespmem:$0x1EB00] =	vst v63  }
0x133: {  	_ =	swait.ge [sflag:s28], $0x2800  }
0x134: {  	s31 =	simm.s32 $0x280;
	p0 =	por $0x0, $0x0;
	[sflag:s28] =	ssyncset.done $0x0  }
0x135: {  	s29 =	simm.s32 $0x780;
	s4 =	simm.s32 @!p0 $0x460;
	[sflag:s28] =	ssyncadd.s32 $0xFFFFD800  }
0x136: {  	[spmem:s3] =	stream.indirect.scatter.add.f32 [tilespmem:s9], [sflag:$0x11], $0x1, s29, s12, $0xb8;
	[tilespmem:$0x1EB00] =	vst v63  }
0x137: {  	s8 =	simm.s32 $0x500;
	s13 =	simm.s32 @!p0 $0x4B0;
	s4 =	simm.s32 @p0 $0x1E0  }
0x138: {  	[spmem:s7] =	stream.indirect.scatter.add.f32 [tilespmem:s19], [sflag:$0x10], $0x80, s29, s12, $0xb8;
	[tilespmem:$0x1EB00] =	vst v63  }
0x139: {  	s13 =	simm.s32 @p0 $0x230;
	p0 =	por p0, p0;
	_ =	swait.ge [sflag:s25], $0xA0  }
0x13a: {  	s4 =	sadd.s32 s10, s4;
	s30 =	sadd.s32 s10, s13;
	[sflag:s25] =	ssyncset.done $0x0  }
0x13b: {  	s16 =	sshrl.u32 s4, $0x3;
	s4 =	sshrl.u32 s30, $0x3;
	[sflag:s25] =	ssyncadd.s32 $0xFFFFFF60  }
.LBB2_2:
0x13c: {  	s0 =	simm.s32 $0x80  }
0x13d: {  	s17 =	simm.s32 $0x3000;
	s1 =	rddreg [dreg:$0x0];
	s13 =	simm.s32 @!p0 $0xF  }
0x13e: {  	[tilespmem:s17], [sflag:$0xA] =	stream.indirect.gather [hbm4b:s1+s12], $0x80, s0, s12, $0xb8;
	[tilespmem:$0x1EB00] =	vst v63  }
0x13f: {  	_ =	swait.ge @!p0 [sflag:s13], $0x2800  }
0x140: {  	[sflag:s13] =	ssyncset.done @!p0 $0x0  }
0x141: {  	[sflag:s13] =	ssyncadd.s32 @!p0 $0xFFFFD800;
	s13 =	simm.s32 @!p0 $0x11  }
0x142: {  	_ =	swait.ge @!p0 [sflag:s13], $0x50  }
0x143: {  	s29 =	smov.u32 s8;
	[sflag:s13] =	ssyncset.done @!p0 $0x0  }
0x144: {  	s7 =	simm.s32 $0x300;
	s24 =	simm.s32 $0x0;
	[sflag:s13] =	ssyncadd.s32 @!p0 $0xFFFFFFB0  }
0x145: {  	s11 =	simm.s32 $0x700;
	p2 =	seq.s32 s29, $0x0;
	s2 =	rddreg [dreg:$0x1]  }
0x146: {  	s30 =	sadd.s32 @!p2 $0x1E0, s29;
	s6 =	rddreg [dreg:$0x2];
	s25 =	sadd.s32 s2, s16  }
0x147: {  	[tilespmem:s7], [sflag:$0x7] =	stream.linear.gather [hbm4b:s25+s24], $0x50, $0x38;
	[tilespmem:$0x1EB00] =	vst v63  }
0x148: {  	s23 =	simm.s32 $0x9;
	s30 =	simm.s32 @p2 $0x1E0;
	s9 =	sadd.s32 s6, s16  }
0x149: {  	[tilespmem:s11], [sflag:$0x7] =	stream.linear.gather [hbm4b:s9+s24], $0x50, $0x38;
	[tilespmem:$0x1EB00] =	vst v63  }
0x14a: {  	s30 =	sadd.s32 s10, s30;
	_ =	swait.ge [sflag:s23], $0x2800  }
0x14b: {  	s30 =	sshrl.u32 s30, $0x3;
	[sflag:s23] =	ssyncset.done $0x0  }
0x14c: {  	s16 =	smov.u32 s30;
	[sflag:s23] =	ssyncadd.s32 $0xFFFFD800  }
0x14d: {  	s30 =	simm.s32 $0x400;
	s9 =	simm.s32 $0xA800;
	s3 =	rddreg [dreg:$0x9]  }
0x14e: {  	[spmem:s3] =	stream.indirect.scatter.add.f32 [tilespmem:s9], [sflag:$0x11], $0x1, s30, s12, $0xb8;
	[tilespmem:$0x1EB00] =	vst v63  }
0x14f: {  	s14 =	simm.s32 $0x800;
	s5 =	simm.s32 $0x3;
	s7 =	rddreg [dreg:$0x8]  }
0x150: {  	[spmem:s7] =	stream.indirect.scatter.add.f32 [tilespmem:s14], [sflag:$0xD], $0x80, s30, s12, $0xb8;
	[tilespmem:$0x1EB00] =	vst v63  }
0x151: {  	_ =	swait.ge [sflag:s5], $0xA0  }
0x152: {  	s28 =	simm.s32 $0x100;
	[sflag:s5] =	ssyncset.done $0x0  }
0x153: {  	s0 =	simm.s32 $0x5800;
	s25 =	simm.s32 @!p0 $0x10;
	[sflag:s5] =	ssyncadd.s32 $0xFFFFFF60  }
0x154: {  	[tilespmem:s0], [sflag:$0xB] =	stream.indirect.gather [hbm4b:s1+s12], $0x80, s28, s12, $0xb8;
	[tilespmem:$0x1EB00] =	vst v63  }
0x155: {  	_ =	swait.ge @!p0 [sflag:s25], $0x2800  }
0x156: {  	[sflag:s25] =	ssyncset.done @!p0 $0x0  }
0x157: {  	s21 =	sadd.s32 @!p2 $0x230, s29;
	[sflag:s25] =	ssyncadd.s32 @!p0 $0xFFFFD800  }
0x158: {  	s18 =	simm.s32 $0x380;
	s21 =	simm.s32 @p2 $0x230;
	_ =	swait.ge @!p0 [sflag:s13], $0x50  }
0x159: {  	s26 =	simm.s32 $0xA;
	s21 =	sadd.s32 s10, s21;
	[sflag:s13] =	ssyncset.done @!p0 $0x0  }
0x15a: {  	s21 =	sshrl.u32 s21, $0x3;
	s15 =	sadd.s32 s2, s4;
	[sflag:s13] =	ssyncadd.s32 @!p0 $0xFFFFFFB0  }
0x15b: {  	[tilespmem:s18], [sflag:$0x8] =	stream.linear.gather [hbm4b:s15+s24], $0x50, $0x38;
	[tilespmem:$0x1EB00] =	vst v63  }
0x15c: {  	s19 =	sadd.s32 s6, s4;
	s4 =	smov.u32 s21;
	s21 =	simm.s32 $0x780  }
0x15d: {  	[tilespmem:s21], [sflag:$0x8] =	stream.linear.gather [hbm4b:s19+s24], $0x50, $0x38;
	[tilespmem:$0x1EB00] =	vst v63  }
0x15e: {  	_ =	swait.ge [sflag:s26], $0x2800  }
0x15f: {  	[sflag:s26] =	ssyncset.done $0x0  }
0x160: {  	s11 =	simm.s32 $0x480;
	[sflag:s26] =	ssyncadd.s32 $0xFFFFD800  }
0x161: {  	[spmem:s3] =	stream.indirect.scatter.add.f32 [tilespmem:s9], [sflag:$0x11], $0x1, s11, s12, $0xb8;
	[tilespmem:$0x1EB00] =	vst v63  }
0x162: {  	s25 =	simm.s32 $0x4  }
0x163: {  	[spmem:s7] =	stream.indirect.scatter.add.f32 [tilespmem:s17], [sflag:$0xE], $0x80, s11, s12, $0xb8;
	[tilespmem:$0x1EB00] =	vst v63  }
0x164: {  	_ =	swait.ge [sflag:s25], $0xA0  }
0x165: {  	s14 =	simm.s32 $0x8000;
	[sflag:s25] =	ssyncset.done $0x0  }
0x166: {  	s13 =	simm.s32 $0x180;
	s18 =	simm.s32 $0xD;
	[sflag:s25] =	ssyncadd.s32 $0xFFFFFF60  }
0x167: {  	[tilespmem:s14], [sflag:$0xC] =	stream.indirect.gather [hbm4b:s1+s12], $0x80, s13, s12, $0xb8;
	[tilespmem:$0x1EB00] =	vst v63  }
0x168: {  	_ =	swait.ge [sflag:s18], $0x2800  }
0x169: {  	[sflag:s18] =	ssyncset.done $0x0  }
0x16a: {  	[sflag:s18] =	ssyncadd.s32 $0xFFFFD800  }
0x16b: {  	s13 =	smov.u32 s31;
	_ =	swait.ge [sflag:s22], $0x50  }
0x16c: {  	s13 =	simm.s32 @p0 $0x0;
	s15 =	rddreg [dreg:$0xb]  }
0x16d: {  	s21 =	sadd.s32 s13, s15  }
0x16e: {  	[sflag:s22] =	ssyncset.done $0x0;
	s21 =	sshrl.u32 s21, $0x3  }
0x16f: {  	[sflag:s22] =	ssyncadd.s32 $0xFFFFFFB0;
	s19 =	sadd.s32 s2, s21  }
0x170: {  	[tilespmem:s24], [sflag:$0x1] =	stream.linear.gather [hbm4b:s19+s24], $0x50, $0x38;
	[tilespmem:$0x1EB00] =	vst v63  }
0x171: {  	s21 =	sadd.s32 s6, s21;
	s19 =	simm.s32 $0xB  }
0x172: {  	[tilespmem:s30], [sflag:$0x1] =	stream.linear.gather [hbm4b:s21+s24], $0x50, $0x38;
	[tilespmem:$0x1EB00] =	vst v63  }
0x173: {  	_ =	swait.ge [sflag:s19], $0x2800  }
0x174: {  	[sflag:s19] =	ssyncset.done $0x0  }
0x175: {  	s30 =	simm.s32 $0x500;
	[sflag:s19] =	ssyncadd.s32 $0xFFFFD800  }
0x176: {  	[spmem:s3] =	stream.indirect.scatter.add.f32 [tilespmem:s9], [sflag:$0x11], $0x1, s30, s12, $0xb8;
	[tilespmem:$0x1EB00] =	vst v63  }
0x177: {  	s25 =	simm.s32 $0x5  }
0x178: {  	[spmem:s7] =	stream.indirect.scatter.add.f32 [tilespmem:s0], [sflag:$0xF], $0x80, s30, s12, $0xb8;
	[tilespmem:$0x1EB00] =	vst v63  }
0x179: {  	_ =	swait.ge [sflag:s25], $0xA0  }
0x17a: {  	s20 =	simm.s32 $0x800;
	[sflag:s25] =	ssyncset.done $0x0  }
0x17b: {  	s5 =	simm.s32 $0xE;
	s15 =	simm.s32 $0x200;
	[sflag:s25] =	ssyncadd.s32 $0xFFFFFF60  }
0x17c: {  	[tilespmem:s20], [sflag:$0x9] =	stream.indirect.gather [hbm4b:s1+s12], $0x80, s15, s12, $0xb8;
	[tilespmem:$0x1EB00] =	vst v63  }
0x17d: {  	_ =	swait.ge [sflag:s5], $0x2800  }
0x17e: {  	[sflag:s5] =	ssyncset.done $0x0  }
0x17f: {  	[sflag:s5] =	ssyncadd.s32 $0xFFFFD800  }
0x180: {  	_ =	swait.ge [sflag:s22], $0x50  }
0x181: {  	s20 =	rddreg [dreg:$0xc]  }
0x182: {  	s21 =	sadd.s32 s13, s20  }
0x183: {  	[sflag:s22] =	ssyncset.done $0x0;
	s21 =	sshrl.u32 s21, $0x3  }
0x184: {  	[sflag:s22] =	ssyncadd.s32 $0xFFFFFFB0;
	s20 =	simm.s32 $0x80;
	s25 =	sadd.s32 s2, s21  }
0x185: {  	[tilespmem:s20], [sflag:$0x2] =	stream.linear.gather [hbm4b:s25+s24], $0x50, $0x38;
	[tilespmem:$0x1EB00] =	vst v63  }
0x186: {  	s21 =	sadd.s32 s6, s21;
	s20 =	simm.s32 $0xC  }
0x187: {  	[tilespmem:s11], [sflag:$0x2] =	stream.linear.gather [hbm4b:s21+s24], $0x50, $0x38;
	[tilespmem:$0x1EB00] =	vst v63  }
0x188: {  	_ =	swait.ge [sflag:s20], $0x2800  }
0x189: {  	[sflag:s20] =	ssyncset.done $0x0  }
0x18a: {  	s11 =	simm.s32 $0x580;
	[sflag:s20] =	ssyncadd.s32 $0xFFFFD800  }
0x18b: {  	[spmem:s3] =	stream.indirect.scatter.add.f32 [tilespmem:s9], [sflag:$0x11], $0x1, s11, s12, $0xb8;
	[tilespmem:$0x1EB00] =	vst v63  }
0x18c: {  	s25 =	simm.s32 $0x6  }
0x18d: {  	[spmem:s7] =	stream.indirect.scatter.add.f32 [tilespmem:s14], [sflag:$0x10], $0x80, s11, s12, $0xb8;
	[tilespmem:$0x1EB00] =	vst v63  }
0x18e: {  	_ =	swait.ge [sflag:s25], $0xA0  }
0x18f: {  	[sflag:s25] =	ssyncset.done $0x0  }
0x190: {  	[sflag:s25] =	ssyncadd.s32 $0xFFFFFF60;
	s25 =	simm.s32 $0x280  }
0x191: {  	[tilespmem:s17], [sflag:$0xA] =	stream.indirect.gather [hbm4b:s1+s12], $0x80, s25, s12, $0xb8;
	[tilespmem:$0x1EB00] =	vst v63  }
0x192: {  	s25 =	simm.s32 $0xF  }
0x193: {  	_ =	swait.ge [sflag:s25], $0x2800  }
0x194: {  	[sflag:s25] =	ssyncset.done $0x0  }
0x195: {  	[sflag:s25] =	ssyncadd.s32 $0xFFFFD800  }
0x196: {  	_ =	swait.ge [sflag:s22], $0x50  }
0x197: {  	s25 =	rddreg [dreg:$0xd]  }
0x198: {  	s21 =	sadd.s32 s13, s25  }
0x199: {  	[sflag:s22] =	ssyncset.done $0x0;
	s21 =	sshrl.u32 s21, $0x3  }
0x19a: {  	[sflag:s22] =	ssyncadd.s32 $0xFFFFFFB0;
	s25 =	sadd.s32 s2, s21  }
0x19b: {  	[tilespmem:s28], [sflag:$0x3] =	stream.linear.gather [hbm4b:s25+s24], $0x50, $0x38;
	[tilespmem:$0x1EB00] =	vst v63  }
0x19c: {  	s21 =	sadd.s32 s6, s21  }
0x19d: {  	[tilespmem:s30], [sflag:$0x3] =	stream.linear.gather [hbm4b:s21+s24], $0x50, $0x38;
	[tilespmem:$0x1EB00] =	vst v63  }
0x19e: {  	_ =	swait.ge [sflag:s23], $0x2800  }
0x19f: {  	[sflag:s23] =	ssyncset.done $0x0  }
0x1a0: {  	s28 =	simm.s32 $0x600;
	[sflag:s23] =	ssyncadd.s32 $0xFFFFD800  }
0x1a1: {  	[spmem:s3] =	stream.indirect.scatter.add.f32 [tilespmem:s9], [sflag:$0x11], $0x1, s28, s12, $0xb8;
	[tilespmem:$0x1EB00] =	vst v63  }
0x1a2: {  	s15 =	simm.s32 $0x800;
	s30 =	simm.s32 $0x7  }
0x1a3: {  	[spmem:s7] =	stream.indirect.scatter.add.f32 [tilespmem:s15], [sflag:$0xD], $0x80, s28, s12, $0xb8;
	[tilespmem:$0x1EB00] =	vst v63  }
0x1a4: {  	_ =	swait.ge [sflag:s30], $0xA0  }
0x1a5: {  	[sflag:s30] =	ssyncset.done $0x0  }
0x1a6: {  	s25 =	simm.s32 $0x10;
	s15 =	simm.s32 $0x300;
	[sflag:s30] =	ssyncadd.s32 $0xFFFFFF60  }
0x1a7: {  	[tilespmem:s0], [sflag:$0xB] =	stream.indirect.gather [hbm4b:s1+s12], $0x80, s15, s12, $0xb8;
	[tilespmem:$0x1EB00] =	vst v63  }
0x1a8: {  	_ =	swait.ge [sflag:s25], $0x2800  }
0x1a9: {  	[sflag:s25] =	ssyncset.done $0x0  }
0x1aa: {  	[sflag:s25] =	ssyncadd.s32 $0xFFFFD800  }
0x1ab: {  	_ =	swait.ge [sflag:s22], $0x50  }
0x1ac: {  	s30 =	rddreg [dreg:$0xe]  }
0x1ad: {  	s21 =	sadd.s32 s13, s30  }
0x1ae: {  	[sflag:s22] =	ssyncset.done $0x0;
	s21 =	sshrl.u32 s21, $0x3  }
0x1af: {  	[sflag:s22] =	ssyncadd.s32 $0xFFFFFFB0;
	s30 =	simm.s32 $0x180;
	s15 =	sadd.s32 s2, s21  }
0x1b0: {  	[tilespmem:s30], [sflag:$0x4] =	stream.linear.gather [hbm4b:s15+s24], $0x50, $0x38;
	[tilespmem:$0x1EB00] =	vst v63  }
0x1b1: {  	s21 =	sadd.s32 s6, s21  }
0x1b2: {  	[tilespmem:s11], [sflag:$0x4] =	stream.linear.gather [hbm4b:s21+s24], $0x50, $0x38;
	[tilespmem:$0x1EB00] =	vst v63  }
0x1b3: {  	_ =	swait.ge [sflag:s26], $0x2800  }
0x1b4: {  	[sflag:s26] =	ssyncset.done $0x0  }
0x1b5: {  	s25 =	simm.s32 $0x680;
	[sflag:s26] =	ssyncadd.s32 $0xFFFFD800  }
0x1b6: {  	[spmem:s3] =	stream.indirect.scatter.add.f32 [tilespmem:s9], [sflag:$0x11], $0x1, s25, s12, $0xb8;
	[tilespmem:$0x1EB00] =	vst v63  }
0x1b7: {  	s26 =	simm.s32 $0x8  }
0x1b8: {  	[spmem:s7] =	stream.indirect.scatter.add.f32 [tilespmem:s17], [sflag:$0xE], $0x80, s25, s12, $0xb8;
	[tilespmem:$0x1EB00] =	vst v63  }
0x1b9: {  	_ =	swait.ge [sflag:s26], $0xA0  }
0x1ba: {  	[sflag:s26] =	ssyncset.done $0x0  }
0x1bb: {  	s30 =	simm.s32 $0x380;
	[sflag:s26] =	ssyncadd.s32 $0xFFFFFF60  }
0x1bc: {  	[tilespmem:s14], [sflag:$0xC] =	stream.indirect.gather [hbm4b:s1+s12], $0x80, s30, s12, $0xb8;
	[tilespmem:$0x1EB00] =	vst v63  }
0x1bd: {  	_ =	swait.ge [sflag:s18], $0x2800  }
0x1be: {  	[sflag:s18] =	ssyncset.done $0x0  }
0x1bf: {  	[sflag:s18] =	ssyncadd.s32 $0xFFFFD800  }
0x1c0: {  	_ =	swait.ge [sflag:s22], $0x50  }
0x1c1: {  	s15 =	rddreg [dreg:$0xf]  }
0x1c2: {  	s21 =	sadd.s32 s13, s15  }
0x1c3: {  	[sflag:s22] =	ssyncset.done $0x0;
	s21 =	sshrl.u32 s21, $0x3  }
0x1c4: {  	s18 =	simm.s32 $0x200;
	[sflag:s22] =	ssyncadd.s32 $0xFFFFFFB0;
	s17 =	sadd.s32 s2, s21  }
0x1c5: {  	[tilespmem:s18], [sflag:$0x5] =	stream.linear.gather [hbm4b:s17+s24], $0x50, $0x38;
	[tilespmem:$0x1EB00] =	vst v63  }
0x1c6: {  	s21 =	sadd.s32 s6, s21  }
0x1c7: {  	[tilespmem:s28], [sflag:$0x5] =	stream.linear.gather [hbm4b:s21+s24], $0x50, $0x38;
	[tilespmem:$0x1EB00] =	vst v63  }
0x1c8: {  	_ =	swait.ge [sflag:s19], $0x2800  }
0x1c9: {  	[sflag:s19] =	ssyncset.done $0x0  }
0x1ca: {  	s26 =	simm.s32 $0x700;
	[sflag:s19] =	ssyncadd.s32 $0xFFFFD800  }
0x1cb: {  	[spmem:s3] =	stream.indirect.scatter.add.f32 [tilespmem:s9], [sflag:$0x11], $0x1, s26, s12, $0xb8;
	[tilespmem:$0x1EB00] =	vst v63  }
0x1cc: {  	s28 =	simm.s32 $0x1  }
0x1cd: {  	[spmem:s7] =	stream.indirect.scatter.add.f32 [tilespmem:s0], [sflag:$0xF], $0x80, s26, s12, $0xb8;
	[tilespmem:$0x1EB00] =	vst v63  }
0x1ce: {  	_ =	swait.ge [sflag:s28], $0xA0  }
0x1cf: {  	[sflag:s28] =	ssyncset.done $0x0  }
0x1d0: {  	s23 =	simm.s32 $0x800;
	[sflag:s28] =	ssyncadd.s32 $0xFFFFFF60  }
0x1d1: {  	[tilespmem:s23], [sflag:$0x9] =	stream.indirect.gather [hbm4b:s1+s12], $0x80, s24, s12, $0xb8;
	[tilespmem:$0x1EB00] =	vst v63  }
0x1d2: {  	_ =	swait.ge [sflag:s5], $0x2800  }
0x1d3: {  	[sflag:s5] =	ssyncset.done $0x0  }
0x1d4: {  	[sflag:s5] =	ssyncadd.s32 $0xFFFFD800  }
0x1d5: {  	_ =	swait.ge [sflag:s22], $0x50  }
0x1d6: {  	p0 =	por p2, p2;
	p2 =	seq.s32 s31, $0x2300;
	s21 =	rddreg [dreg:$0x10]  }
0x1d7: {  	s31 =	smov.u32 s29;
	s13 =	sadd.s32 @!p2 s13, s21  }
0x1d8: {  	s29 =	simm.s32 @!p2 $0x0;
	[sflag:s22] =	ssyncset.done $0x0;
	s13 =	sshrl.u32 @!p2 s13, $0x3  }
0x1d9: {  	s21 =	simm.s32 @!p2 $0x280;
	[sflag:s22] =	ssyncadd.s32 $0xFFFFFFB0;
	s25 =	sadd.s32 @!p2 s2, s13  }
0x1da: {  	[tilespmem:s21], [sflag:$0x6] =	stream.linear.gather @!p2 [hbm4b:s25+s29], $0x50, $0x38;
	[tilespmem:$0x1EB00] =	vst v63  }
0x1db: {  	s13 =	sadd.s32 @!p2 s6, s13;
	s21 =	simm.s32 @!p2 $0x680  }
0x1dc: {  	[tilespmem:s21], [sflag:$0x6] =	stream.linear.gather @!p2 [hbm4b:s13+s29], $0x50, $0x38;
	[tilespmem:$0x1EB00] =	vst v63  }
0x1dd: {  	_ =	swait.ge [sflag:s20], $0x2800  }
0x1de: {  	s8 =	sadd.s32 $0x280, s8;
	[sflag:s20] =	ssyncset.done $0x0  }
0x1df: {  	p1 =	sne.s32 s8, $0x2580;
	s29 =	simm.s32 $0x780;
	[sflag:s20] =	ssyncadd.s32 $0xFFFFD800  }
0x1e0: {  	[spmem:s3] =	stream.indirect.scatter.add.f32 [tilespmem:s9], [sflag:$0x11], $0x1, s29, s12, $0xb8;
	[tilespmem:$0x1EB00] =	vst v63  }
.Ltmp0:
0x1e1: {  	s30 =	simm.s32 $0x2;
	(pc) =	sbr.rel @p1 .LBB2_2-.Ltmp0, $4  }
0x1e2: {  	[spmem:s7] =	stream.indirect.scatter.add.f32 [tilespmem:s14], [sflag:$0x10], $0x80, s29, s12, $0xb8;
	[tilespmem:$0x1EB00] =	vst v63  }
0x1e3: {  	_ =	swait.ge [sflag:s30], $0xA0  }
0x1e4: {  	[sflag:s30] =	ssyncset.done $0x0  }
0x1e5: {  	[sflag:s30] =	ssyncadd.s32 $0xFFFFFF60  }
0x1e6: {  	s1 =	simm.s32 $0x80  }
0x1e7: {  	s15 =	simm.s32 $0x3000;
	s5 =	rddreg [dreg:$0x0];
	s8 =	simm.s32 @!p0 $0xF  }
0x1e8: {  	[tilespmem:s15], [sflag:$0xA] =	stream.indirect.gather [hbm4b:s5+s12], $0x80, s1, s12, $0xb8;
	[tilespmem:$0x1EB00] =	vst v63  }
0x1e9: {  	_ =	swait.ge @!p0 [sflag:s8], $0x2800  }
0x1ea: {  	[sflag:s8] =	ssyncset.done @!p0 $0x0  }
0x1eb: {  	[sflag:s8] =	ssyncadd.s32 @!p0 $0xFFFFD800;
	s8 =	simm.s32 @!p0 $0x11  }
0x1ec: {  	_ =	swait.ge @!p0 [sflag:s8], $0x50  }
0x1ed: {  	[sflag:s8] =	ssyncset.done @!p0 $0x0  }
0x1ee: {  	[sflag:s8] =	ssyncadd.s32 @!p0 $0xFFFFFFB0  }
0x1ef: {  	s18 =	simm.s32 $0x300;
	s11 =	rddreg [dreg:$0x1]  }
0x1f0: {  	s0 =	simm.s32 $0x0;
	s2 =	rddreg [dreg:$0x2];
	s13 =	sadd.s32 s11, s16  }
0x1f1: {  	[tilespmem:s18], [sflag:$0x7] =	stream.linear.gather [hbm4b:s13+s0], $0x50, $0x38;
	[tilespmem:$0x1EB00] =	vst v63  }
0x1f2: {  	s20 =	simm.s32 $0x700;
	s24 =	simm.s32 $0x9;
	s19 =	sadd.s32 s2, s16  }
0x1f3: {  	[tilespmem:s20], [sflag:$0x7] =	stream.linear.gather [hbm4b:s19+s0], $0x50, $0x38;
	[tilespmem:$0x1EB00] =	vst v63  }
0x1f4: {  	_ =	swait.ge [sflag:s24], $0x2800  }
0x1f5: {  	[sflag:s24] =	ssyncset.done $0x0  }
0x1f6: {  	[sflag:s24] =	ssyncadd.s32 $0xFFFFD800  }
0x1f7: {  	s21 =	simm.s32 $0x400;
	s9 =	simm.s32 $0xA800;
	s3 =	rddreg [dreg:$0x9]  }
0x1f8: {  	[spmem:s3] =	stream.indirect.scatter.add.f32 [tilespmem:s9], [sflag:$0x11], $0x1, s21, s12, $0xb8;
	[tilespmem:$0x1EB00] =	vst v63  }
0x1f9: {  	s28 =	simm.s32 $0x800;
	s29 =	simm.s32 $0x3;
	s6 =	rddreg [dreg:$0x8]  }
0x1fa: {  	[spmem:s6] =	stream.indirect.scatter.add.f32 [tilespmem:s28], [sflag:$0xD], $0x80, s21, s12, $0xb8;
	[tilespmem:$0x1EB00] =	vst v63  }
0x1fb: {  	_ =	swait.ge [sflag:s29], $0xA0  }
0x1fc: {  	s23 =	simm.s32 $0x100;
	[sflag:s29] =	ssyncset.done $0x0  }
0x1fd: {  	s30 =	simm.s32 $0x5800;
	s13 =	simm.s32 @!p0 $0x10;
	[sflag:s29] =	ssyncadd.s32 $0xFFFFFF60  }
0x1fe: {  	[tilespmem:s30], [sflag:$0xB] =	stream.indirect.gather [hbm4b:s5+s12], $0x80, s23, s12, $0xb8;
	[tilespmem:$0x1EB00] =	vst v63  }
0x1ff: {  	_ =	swait.ge @!p0 [sflag:s13], $0x2800  }
0x200: {  	[sflag:s13] =	ssyncset.done @!p0 $0x0  }
0x201: {  	[sflag:s13] =	ssyncadd.s32 @!p0 $0xFFFFD800  }
0x202: {  	_ =	swait.ge @!p0 [sflag:s8], $0x50  }
0x203: {  	[sflag:s8] =	ssyncset.done @!p0 $0x0  }
0x204: {  	s26 =	simm.s32 $0x380;
	s25 =	sadd.s32 s11, s4;
	[sflag:s8] =	ssyncadd.s32 @!p0 $0xFFFFFFB0  }
0x205: {  	[tilespmem:s26], [sflag:$0x8] =	stream.linear.gather [hbm4b:s25+s0], $0x50, $0x38;
	[tilespmem:$0x1EB00] =	vst v63  }
0x206: {  	s7 =	simm.s32 $0x780;
	s1 =	sadd.s32 s2, s4;
	s26 =	simm.s32 $0xA  }
0x207: {  	[tilespmem:s7], [sflag:$0x8] =	stream.linear.gather [hbm4b:s1+s0], $0x50, $0x38;
	[tilespmem:$0x1EB00] =	vst v63  }
0x208: {  	_ =	swait.ge [sflag:s26], $0x2800  }
0x209: {  	[sflag:s26] =	ssyncset.done $0x0  }
0x20a: {  	s8 =	simm.s32 $0x480;
	[sflag:s26] =	ssyncadd.s32 $0xFFFFD800  }
0x20b: {  	[spmem:s3] =	stream.indirect.scatter.add.f32 [tilespmem:s9], [sflag:$0x11], $0x1, s8, s12, $0xb8;
	[tilespmem:$0x1EB00] =	vst v63  }
0x20c: {  	s25 =	simm.s32 $0x4  }
0x20d: {  	[spmem:s6] =	stream.indirect.scatter.add.f32 [tilespmem:s15], [sflag:$0xE], $0x80, s8, s12, $0xb8;
	[tilespmem:$0x1EB00] =	vst v63  }
0x20e: {  	_ =	swait.ge [sflag:s25], $0xA0  }
0x20f: {  	s23 =	simm.s32 $0x8000;
	[sflag:s25] =	ssyncset.done $0x0  }
0x210: {  	s13 =	simm.s32 $0x180;
	s7 =	simm.s32 $0xD;
	[sflag:s25] =	ssyncadd.s32 $0xFFFFFF60  }
0x211: {  	[tilespmem:s23], [sflag:$0xC] =	stream.indirect.gather [hbm4b:s5+s12], $0x80, s13, s12, $0xb8;
	[tilespmem:$0x1EB00] =	vst v63  }
0x212: {  	_ =	swait.ge [sflag:s7], $0x2800  }
0x213: {  	[sflag:s7] =	ssyncset.done $0x0  }
0x214: {  	[sflag:s7] =	ssyncadd.s32 $0xFFFFD800  }
0x215: {  	s4 =	smov.u32 s31;
	_ =	swait.ge [sflag:s22], $0x50  }
0x216: {  	s4 =	simm.s32 @p0 $0x0;
	s16 =	rddreg [dreg:$0xb]  }
0x217: {  	s8 =	sadd.s32 s4, s16  }
0x218: {  	[sflag:s22] =	ssyncset.done $0x0;
	s8 =	sshrl.u32 s8, $0x3  }
0x219: {  	[sflag:s22] =	ssyncadd.s32 $0xFFFFFFB0;
	s19 =	sadd.s32 s11, s8  }
0x21a: {  	[tilespmem:s0], [sflag:$0x1] =	stream.linear.gather [hbm4b:s19+s0], $0x50, $0x38;
	[tilespmem:$0x1EB00] =	vst v63  }
0x21b: {  	s18 =	simm.s32 $0x400;
	s8 =	sadd.s32 s2, s8;
	s19 =	simm.s32 $0xB  }
0x21c: {  	[tilespmem:s18], [sflag:$0x1] =	stream.linear.gather [hbm4b:s8+s0], $0x50, $0x38;
	[tilespmem:$0x1EB00] =	vst v63  }
0x21d: {  	_ =	swait.ge [sflag:s19], $0x2800  }
0x21e: {  	[sflag:s19] =	ssyncset.done $0x0  }
0x21f: {  	s20 =	simm.s32 $0x500;
	[sflag:s19] =	ssyncadd.s32 $0xFFFFD800  }
0x220: {  	[spmem:s3] =	stream.indirect.scatter.add.f32 [tilespmem:s9], [sflag:$0x11], $0x1, s20, s12, $0xb8;
	[tilespmem:$0x1EB00] =	vst v63  }
0x221: {  	_ = 	snop  }
0x222: {  	[spmem:s6] =	stream.indirect.scatter.add.f32 [tilespmem:s30], [sflag:$0xF], $0x80, s20, s12, $0xb8;
	[tilespmem:$0x1EB00] =	vst v63  }
0x223: {  	s20 =	simm.s32 $0x5  }
0x224: {  	_ =	swait.ge [sflag:s20], $0xA0  }
0x225: {  	[sflag:s20] =	ssyncset.done $0x0  }
0x226: {  	s8 =	simm.s32 $0x200;
	s18 =	simm.s32 $0xE;
	[sflag:s20] =	ssyncadd.s32 $0xFFFFFF60  }
0x227: {  	[tilespmem:s28], [sflag:$0x9] =	stream.indirect.gather [hbm4b:s5+s12], $0x80, s8, s12, $0xb8;
	[tilespmem:$0x1EB00] =	vst v63  }
0x228: {  	_ =	swait.ge [sflag:s18], $0x2800  }
0x229: {  	[sflag:s18] =	ssyncset.done $0x0  }
0x22a: {  	[sflag:s18] =	ssyncadd.s32 $0xFFFFD800  }
0x22b: {  	_ =	swait.ge [sflag:s22], $0x50  }
0x22c: {  	s13 =	rddreg [dreg:$0xc]  }
0x22d: {  	s8 =	sadd.s32 s4, s13  }
0x22e: {  	[sflag:s22] =	ssyncset.done $0x0;
	s8 =	sshrl.u32 s8, $0x3  }
0x22f: {  	s17 =	simm.s32 $0x80;
	[sflag:s22] =	ssyncadd.s32 $0xFFFFFFB0;
	s1 =	sadd.s32 s11, s8  }
0x230: {  	[tilespmem:s17], [sflag:$0x2] =	stream.linear.gather [hbm4b:s1+s0], $0x50, $0x38;
	[tilespmem:$0x1EB00] =	vst v63  }
0x231: {  	s14 =	simm.s32 $0x480;
	s8 =	sadd.s32 s2, s8;
	s1 =	simm.s32 $0xC  }
0x232: {  	[tilespmem:s14], [sflag:$0x2] =	stream.linear.gather [hbm4b:s8+s0], $0x50, $0x38;
	[tilespmem:$0x1EB00] =	vst v63  }
0x233: {  	_ =	swait.ge [sflag:s1], $0x2800  }
0x234: {  	[sflag:s1] =	ssyncset.done $0x0  }
0x235: {  	s13 =	simm.s32 $0x580;
	[sflag:s1] =	ssyncadd.s32 $0xFFFFD800  }
0x236: {  	[spmem:s3] =	stream.indirect.scatter.add.f32 [tilespmem:s9], [sflag:$0x11], $0x1, s13, s12, $0xb8;
	[tilespmem:$0x1EB00] =	vst v63  }
0x237: {  	s14 =	simm.s32 $0x6  }
0x238: {  	[spmem:s6] =	stream.indirect.scatter.add.f32 [tilespmem:s23], [sflag:$0x10], $0x80, s13, s12, $0xb8;
	[tilespmem:$0x1EB00] =	vst v63  }
0x239: {  	_ =	swait.ge [sflag:s14], $0xA0  }
0x23a: {  	[sflag:s14] =	ssyncset.done $0x0  }
0x23b: {  	s17 =	simm.s32 $0x280;
	[sflag:s14] =	ssyncadd.s32 $0xFFFFFF60  }
0x23c: {  	[tilespmem:s15], [sflag:$0xA] =	stream.indirect.gather [hbm4b:s5+s12], $0x80, s17, s12, $0xb8;
	[tilespmem:$0x1EB00] =	vst v63  }
0x23d: {  	s17 =	simm.s32 $0xF  }
0x23e: {  	_ =	swait.ge [sflag:s17], $0x2800  }
0x23f: {  	[sflag:s17] =	ssyncset.done $0x0  }
0x240: {  	[sflag:s17] =	ssyncadd.s32 $0xFFFFD800  }
0x241: {  	_ =	swait.ge [sflag:s22], $0x50  }
0x242: {  	s13 =	rddreg [dreg:$0xd]  }
0x243: {  	s8 =	sadd.s32 s4, s13  }
0x244: {  	[sflag:s22] =	ssyncset.done $0x0;
	s8 =	sshrl.u32 s8, $0x3  }
0x245: {  	s21 =	simm.s32 $0x100;
	[sflag:s22] =	ssyncadd.s32 $0xFFFFFFB0;
	s14 =	sadd.s32 s11, s8  }
0x246: {  	[tilespmem:s21], [sflag:$0x3] =	stream.linear.gather [hbm4b:s14+s0], $0x50, $0x38;
	[tilespmem:$0x1EB00] =	vst v63  }
0x247: {  	s16 =	simm.s32 $0x500;
	s8 =	sadd.s32 s2, s8  }
0x248: {  	[tilespmem:s16], [sflag:$0x3] =	stream.linear.gather [hbm4b:s8+s0], $0x50, $0x38;
	[tilespmem:$0x1EB00] =	vst v63  }
0x249: {  	_ =	swait.ge [sflag:s24], $0x2800  }
0x24a: {  	[sflag:s24] =	ssyncset.done $0x0  }
0x24b: {  	s21 =	simm.s32 $0x600;
	[sflag:s24] =	ssyncadd.s32 $0xFFFFD800  }
0x24c: {  	[spmem:s3] =	stream.indirect.scatter.add.f32 [tilespmem:s9], [sflag:$0x11], $0x1, s21, s12, $0xb8;
	[tilespmem:$0x1EB00] =	vst v63  }
0x24d: {  	s14 =	simm.s32 $0x7  }
0x24e: {  	[spmem:s6] =	stream.indirect.scatter.add.f32 [tilespmem:s28], [sflag:$0xD], $0x80, s21, s12, $0xb8;
	[tilespmem:$0x1EB00] =	vst v63  }
0x24f: {  	_ =	swait.ge [sflag:s14], $0xA0  }
0x250: {  	[sflag:s14] =	ssyncset.done $0x0  }
0x251: {  	s16 =	simm.s32 $0x300;
	[sflag:s14] =	ssyncadd.s32 $0xFFFFFF60;
	s14 =	simm.s32 $0x10  }
0x252: {  	[tilespmem:s30], [sflag:$0xB] =	stream.indirect.gather [hbm4b:s5+s12], $0x80, s16, s12, $0xb8;
	[tilespmem:$0x1EB00] =	vst v63  }
0x253: {  	_ =	swait.ge [sflag:s14], $0x2800  }
0x254: {  	[sflag:s14] =	ssyncset.done $0x0  }
0x255: {  	[sflag:s14] =	ssyncadd.s32 $0xFFFFD800  }
0x256: {  	_ =	swait.ge [sflag:s22], $0x50  }
0x257: {  	s13 =	rddreg [dreg:$0xe]  }
0x258: {  	s8 =	sadd.s32 s4, s13  }
0x259: {  	[sflag:s22] =	ssyncset.done $0x0;
	s8 =	sshrl.u32 s8, $0x3  }
0x25a: {  	s16 =	simm.s32 $0x180;
	[sflag:s22] =	ssyncadd.s32 $0xFFFFFFB0;
	s13 =	sadd.s32 s11, s8  }
0x25b: {  	[tilespmem:s16], [sflag:$0x4] =	stream.linear.gather [hbm4b:s13+s0], $0x50, $0x38;
	[tilespmem:$0x1EB00] =	vst v63  }
0x25c: {  	s8 =	sadd.s32 s2, s8;
	s16 =	simm.s32 $0x580  }
0x25d: {  	[tilespmem:s16], [sflag:$0x4] =	stream.linear.gather [hbm4b:s8+s0], $0x50, $0x38;
	[tilespmem:$0x1EB00] =	vst v63  }
0x25e: {  	_ =	swait.ge [sflag:s26], $0x2800  }
0x25f: {  	[sflag:s26] =	ssyncset.done $0x0  }
0x260: {  	s13 =	simm.s32 $0x680;
	[sflag:s26] =	ssyncadd.s32 $0xFFFFD800  }
0x261: {  	[spmem:s3] =	stream.indirect.scatter.add.f32 [tilespmem:s9], [sflag:$0x11], $0x1, s13, s12, $0xb8;
	[tilespmem:$0x1EB00] =	vst v63  }
0x262: {  	s16 =	simm.s32 $0x8  }
0x263: {  	[spmem:s6] =	stream.indirect.scatter.add.f32 [tilespmem:s15], [sflag:$0xE], $0x80, s13, s12, $0xb8;
	[tilespmem:$0x1EB00] =	vst v63  }
0x264: {  	_ =	swait.ge [sflag:s16], $0xA0  }
0x265: {  	[sflag:s16] =	ssyncset.done $0x0  }
0x266: {  	s13 =	simm.s32 $0x380;
	[sflag:s16] =	ssyncadd.s32 $0xFFFFFF60  }
0x267: {  	[tilespmem:s23], [sflag:$0xC] =	stream.indirect.gather [hbm4b:s5+s12], $0x80, s13, s12, $0xb8;
	[tilespmem:$0x1EB00] =	vst v63  }
0x268: {  	_ =	swait.ge [sflag:s7], $0x2800  }
0x269: {  	[sflag:s7] =	ssyncset.done $0x0  }
0x26a: {  	[sflag:s7] =	ssyncadd.s32 $0xFFFFD800  }
0x26b: {  	_ =	swait.ge [sflag:s22], $0x50  }
0x26c: {  	s16 =	rddreg [dreg:$0xf]  }
0x26d: {  	s8 =	sadd.s32 s4, s16  }
0x26e: {  	[sflag:s22] =	ssyncset.done $0x0;
	s8 =	sshrl.u32 s8, $0x3  }
0x26f: {  	[sflag:s22] =	ssyncadd.s32 $0xFFFFFFB0;
	s16 =	simm.s32 $0x200;
	s13 =	sadd.s32 s11, s8  }
0x270: {  	[tilespmem:s16], [sflag:$0x5] =	stream.linear.gather [hbm4b:s13+s0], $0x50, $0x38;
	[tilespmem:$0x1EB00] =	vst v63  }
0x271: {  	s8 =	sadd.s32 s2, s8  }
0x272: {  	[tilespmem:s21], [sflag:$0x5] =	stream.linear.gather [hbm4b:s8+s0], $0x50, $0x38;
	[tilespmem:$0x1EB00] =	vst v63  }
0x273: {  	_ =	swait.ge [sflag:s19], $0x2800  }
0x274: {  	[sflag:s19] =	ssyncset.done $0x0  }
0x275: {  	s13 =	simm.s32 $0x700;
	[sflag:s19] =	ssyncadd.s32 $0xFFFFD800  }
0x276: {  	[spmem:s3] =	stream.indirect.scatter.add.f32 [tilespmem:s9], [sflag:$0x11], $0x1, s13, s12, $0xb8;
	[tilespmem:$0x1EB00] =	vst v63  }
0x277: {  	s16 =	simm.s32 $0x1  }
0x278: {  	[spmem:s6] =	stream.indirect.scatter.add.f32 [tilespmem:s30], [sflag:$0xF], $0x80, s13, s12, $0xb8;
	[tilespmem:$0x1EB00] =	vst v63  }
0x279: {  	_ =	swait.ge [sflag:s16], $0xA0  }
0x27a: {  	[sflag:s16] =	ssyncset.done $0x0  }
0x27b: {  	[sflag:s16] =	ssyncadd.s32 $0xFFFFFF60  }
0x27c: {  	[tilespmem:s28], [sflag:$0x9] =	stream.indirect.gather [hbm4b:s5+s12], $0x80, s0, s12, $0xb8;
	[tilespmem:$0x1EB00] =	vst v63  }
0x27d: {  	_ =	swait.ge [sflag:s18], $0x2800  }
0x27e: {  	[sflag:s18] =	ssyncset.done $0x0  }
0x27f: {  	[sflag:s18] =	ssyncadd.s32 $0xFFFFD800  }
0x280: {  	_ =	swait.ge [sflag:s22], $0x50  }
0x281: {  	p0 =	seq.s32 s31, $0x2300;
	s8 =	rddreg [dreg:$0x10]  }
0x282: {  	s4 =	sadd.s32 @!p0 s4, s8  }
0x283: {  	s16 =	simm.s32 @!p0 $0x0;
	[sflag:s22] =	ssyncset.done $0x0;
	s4 =	sshrl.u32 @!p0 s4, $0x3  }
0x284: {  	s8 =	simm.s32 @!p0 $0x280;
	[sflag:s22] =	ssyncadd.s32 $0xFFFFFFB0;
	s13 =	sadd.s32 @!p0 s11, s4  }
0x285: {  	[tilespmem:s8], [sflag:$0x6] =	stream.linear.gather @!p0 [hbm4b:s13+s16], $0x50, $0x38;
	[tilespmem:$0x1EB00] =	vst v63  }
0x286: {  	s4 =	sadd.s32 @!p0 s2, s4;
	s8 =	simm.s32 @!p0 $0x680  }
0x287: {  	[tilespmem:s8], [sflag:$0x6] =	stream.linear.gather @!p0 [hbm4b:s4+s16], $0x50, $0x38;
	[tilespmem:$0x1EB00] =	vst v63  }
0x288: {  	_ =	swait.ge [sflag:s1], $0x2800  }
0x289: {  	[sflag:s1] =	ssyncset.done $0x0  }
0x28a: {  	s31 =	simm.s32 $0x780;
	[sflag:s1] =	ssyncadd.s32 $0xFFFFD800  }
0x28b: {  	[spmem:s3] =	stream.indirect.scatter.add.f32 [tilespmem:s9], [sflag:$0x11], $0x1, s31, s12, $0xb8;
	[tilespmem:$0x1EB00] =	vst v63  }
0x28c: {  	s2 =	simm.s32 $0x2  }
0x28d: {  	[spmem:s6] =	stream.indirect.scatter.add.f32 [tilespmem:s23], [sflag:$0x10], $0x80, s31, s12, $0xb8;
	[tilespmem:$0x1EB00] =	vst v63  }
0x28e: {  	_ =	swait.ge [sflag:s2], $0xA0  }
0x28f: {  	[sflag:s2] =	ssyncset.done $0x0  }
0x290: {  	s4 =	simm.s32 $0x80;
	[sflag:s2] =	ssyncadd.s32 $0xFFFFFF60  }
0x291: {  	[tilespmem:s15], [sflag:$0xA] =	stream.indirect.gather [hbm4b:s5+s12], $0x80, s4, s12, $0xb8;
	[tilespmem:$0x1EB00] =	vst v63  }
0x292: {  	_ =	swait.ge [sflag:s17], $0x2800  }
0x293: {  	[sflag:s17] =	ssyncset.done $0x0  }
0x294: {  	[sflag:s17] =	ssyncadd.s32 $0xFFFFD800  }
0x295: {  	_ =	swait.ge [sflag:s22], $0x50  }
0x296: {  	[sflag:s22] =	ssyncset.done $0x0  }
0x297: {  	[sflag:s22] =	ssyncadd.s32 $0xFFFFFFB0  }
0x298: {  	_ =	swait.ge [sflag:s24], $0x2800  }
0x299: {  	[sflag:s24] =	ssyncset.done $0x0  }
0x29a: {  	s8 =	simm.s32 $0x400;
	[sflag:s24] =	ssyncadd.s32 $0xFFFFD800  }
0x29b: {  	[spmem:s3] =	stream.indirect.scatter.add.f32 [tilespmem:s9], [sflag:$0x11], $0x1, s8, s12, $0xb8;
	[tilespmem:$0x1EB00] =	vst v63  }
0x29c: {  	_ = 	snop  }
0x29d: {  	[spmem:s6] =	stream.indirect.scatter.add.f32 [tilespmem:s28], [sflag:$0xD], $0x80, s8, s12, $0xb8;
	[tilespmem:$0x1EB00] =	vst v63  }
0x29e: {  	_ =	swait.ge [sflag:s29], $0xA0  }
0x29f: {  	[sflag:s29] =	ssyncset.done $0x0  }
0x2a0: {  	s11 =	simm.s32 $0x100;
	[sflag:s29] =	ssyncadd.s32 $0xFFFFFF60  }
0x2a1: {  	[tilespmem:s30], [sflag:$0xB] =	stream.indirect.gather [hbm4b:s5+s12], $0x80, s11, s12, $0xb8;
	[tilespmem:$0x1EB00] =	vst v63  }
0x2a2: {  	_ =	swait.ge [sflag:s14], $0x2800  }
0x2a3: {  	[sflag:s14] =	ssyncset.done $0x0  }
0x2a4: {  	[sflag:s14] =	ssyncadd.s32 $0xFFFFD800  }
0x2a5: {  	_ =	swait.ge [sflag:s22], $0x50  }
0x2a6: {  	[sflag:s22] =	ssyncset.done $0x0  }
0x2a7: {  	[sflag:s22] =	ssyncadd.s32 $0xFFFFFFB0  }
0x2a8: {  	_ =	swait.ge [sflag:s26], $0x2800  }
0x2a9: {  	[sflag:s26] =	ssyncset.done $0x0  }
0x2aa: {  	s13 =	simm.s32 $0x480;
	[sflag:s26] =	ssyncadd.s32 $0xFFFFD800  }
0x2ab: {  	[spmem:s3] =	stream.indirect.scatter.add.f32 [tilespmem:s9], [sflag:$0x11], $0x1, s13, s12, $0xb8;
	[tilespmem:$0x1EB00] =	vst v63  }
0x2ac: {  	_ = 	snop  }
0x2ad: {  	[spmem:s6] =	stream.indirect.scatter.add.f32 [tilespmem:s15], [sflag:$0xE], $0x80, s13, s12, $0xb8;
	[tilespmem:$0x1EB00] =	vst v63  }
0x2ae: {  	_ =	swait.ge [sflag:s25], $0xA0  }
0x2af: {  	[sflag:s25] =	ssyncset.done $0x0  }
0x2b0: {  	s16 =	simm.s32 $0x180;
	[sflag:s25] =	ssyncadd.s32 $0xFFFFFF60  }
0x2b1: {  	[tilespmem:s23], [sflag:$0xC] =	stream.indirect.gather [hbm4b:s5+s12], $0x80, s16, s12, $0xb8;
	[tilespmem:$0x1EB00] =	vst v63  }
0x2b2: {  	_ =	swait.ge [sflag:s7], $0x2800  }
0x2b3: {  	[sflag:s7] =	ssyncset.done $0x0  }
0x2b4: {  	[sflag:s7] =	ssyncadd.s32 $0xFFFFD800  }
0x2b5: {  	_ =	swait.ge [sflag:s22], $0x50  }
0x2b6: {  	[sflag:s22] =	ssyncset.done $0x0  }
0x2b7: {  	[sflag:s22] =	ssyncadd.s32 $0xFFFFFFB0  }
0x2b8: {  	_ =	swait.ge [sflag:s19], $0x2800  }
0x2b9: {  	[sflag:s19] =	ssyncset.done $0x0  }
0x2ba: {  	s25 =	simm.s32 $0x500;
	[sflag:s19] =	ssyncadd.s32 $0xFFFFD800  }
0x2bb: {  	[spmem:s3] =	stream.indirect.scatter.add.f32 [tilespmem:s9], [sflag:$0x11], $0x1, s25, s12, $0xb8;
	[tilespmem:$0x1EB00] =	vst v63  }
0x2bc: {  	_ = 	snop  }
0x2bd: {  	[spmem:s6] =	stream.indirect.scatter.add.f32 [tilespmem:s30], [sflag:$0xF], $0x80, s25, s12, $0xb8;
	[tilespmem:$0x1EB00] =	vst v63  }
0x2be: {  	_ =	swait.ge [sflag:s20], $0xA0  }
0x2bf: {  	[sflag:s20] =	ssyncset.done $0x0  }
0x2c0: {  	s26 =	simm.s32 $0x200;
	[sflag:s20] =	ssyncadd.s32 $0xFFFFFF60  }
0x2c1: {  	[tilespmem:s28], [sflag:$0x9] =	stream.indirect.gather [hbm4b:s5+s12], $0x80, s26, s12, $0xb8;
	[tilespmem:$0x1EB00] =	vst v63  }
0x2c2: {  	_ =	swait.ge [sflag:s18], $0x2800  }
0x2c3: {  	[sflag:s18] =	ssyncset.done $0x0  }
0x2c4: {  	[sflag:s18] =	ssyncadd.s32 $0xFFFFD800  }
0x2c5: {  	_ =	swait.ge [sflag:s22], $0x50  }
0x2c6: {  	[sflag:s22] =	ssyncset.done $0x0  }
0x2c7: {  	[sflag:s22] =	ssyncadd.s32 $0xFFFFFFB0  }
0x2c8: {  	_ =	swait.ge [sflag:s1], $0x2800  }
0x2c9: {  	[sflag:s1] =	ssyncset.done $0x0  }
0x2ca: {  	s31 =	simm.s32 $0x580;
	[sflag:s1] =	ssyncadd.s32 $0xFFFFD800  }
0x2cb: {  	[spmem:s3] =	stream.indirect.scatter.add.f32 [tilespmem:s9], [sflag:$0x11], $0x1, s31, s12, $0xb8;
	[tilespmem:$0x1EB00] =	vst v63  }
0x2cc: {  	_ = 	snop  }
0x2cd: {  	[spmem:s6] =	stream.indirect.scatter.add.f32 [tilespmem:s23], [sflag:$0x10], $0x80, s31, s12, $0xb8;
	[tilespmem:$0x1EB00] =	vst v63  }
0x2ce: {  	_ =	swait.ge [sflag:s17], $0x2800  }
0x2cf: {  	[sflag:s17] =	ssyncset.done $0x0  }
0x2d0: {  	[sflag:s17] =	ssyncadd.s32 $0xFFFFD800  }
0x2d1: {  	_ =	swait.ge [sflag:s22], $0x50  }
0x2d2: {  	[sflag:s22] =	ssyncset.done $0x0  }
0x2d3: {  	[sflag:s22] =	ssyncadd.s32 $0xFFFFFFB0  }
0x2d4: {  	_ =	swait.ge [sflag:s24], $0x2800  }
0x2d5: {  	[sflag:s24] =	ssyncset.done $0x0  }
0x2d6: {  	[sflag:s24] =	ssyncadd.s32 $0xFFFFD800  }
0x2d7: {  	[spmem:s3] =	stream.indirect.scatter.add.f32 [tilespmem:s9], [sflag:$0x11], $0x1, s21, s12, $0xb8;
	[tilespmem:$0x1EB00] =	vst v63  }
0x2d8: {  	_ = 	snop  }
0x2d9: {  	[spmem:s6] =	stream.indirect.scatter.add.f32 [tilespmem:s28], [sflag:$0xD], $0x80, s21, s12, $0xb8;
	[tilespmem:$0x1EB00] =	vst v63  }
0x2da: {  	_ =	swait.ge [sflag:s14], $0x2800  }
0x2db: {  	[sflag:s14] =	ssyncset.done $0x0  }
0x2dc: {  	[sflag:s14] =	ssyncadd.s32 $0xFFFFD800  }
0x2dd: {  	_ =	swait.ge [sflag:s22], $0x50  }
0x2de: {  	[sflag:s22] =	ssyncset.done $0x0  }
0x2df: {  	[sflag:s22] =	ssyncadd.s32 $0xFFFFFFB0  }
0x2e0: {  	_ =	swait.ge [sflag:s7], $0x2800  }
0x2e1: {  	[sflag:s7] =	ssyncset.done $0x0  }
0x2e2: {  	[sflag:s7] =	ssyncadd.s32 $0xFFFFD800  }
0x2e3: {  	_ =	swait.ge [sflag:s22], $0x50  }
0x2e4: {  	[sflag:s22] =	ssyncset.done $0x0  }
0x2e5: {  	[sflag:s22] =	ssyncadd.s32 $0xFFFFFFB0  }
0x2e6: {  	[bflag:$0x0] =	sbarrier.arrive $0xFFFF  }
0x2e7: {  	s20 =	sld [smem:$0x7F6];
	_ =	sdelay $0x1  }
0x2e8: {  	s11 =	simm.s32 $0x12  }
0x2e9: {  	[tilespmem:s28], [sflag:$0x12] =	stream.linear.gather [spmem:s20], $0x2800, $0x38;
	[tilespmem:$0x1EB00] =	vst v63  }
0x2ea: {  	_ =	swait.ge [sflag:s11], $0x2800  }
0x2eb: {  	[sflag:s11] =	ssyncset.done $0x0;
	s1 =	rddreg [dreg:$0x12]  }
0x2ec: {  	s21 =	sld [smem:$0x7F7];
	[sflag:s11] =	ssyncadd.s32 $0xFFFFD800  }
0x2ed: {  	[hbm4b:s1+s0] =	stream.linear.scatter [tilespmem:s28], [sflag:$0xD], $0x2800, $0x38;
	[tilespmem:$0x1EB00] =	vst v63  }
0x2ee: {  	_ = 	snop  }
0x2ef: {  	[tilespmem:s15], [sflag:$0x12] =	stream.linear.gather [spmem:s21], $0x2800, $0x38;
	[tilespmem:$0x1EB00] =	vst v63  }
0x2f0: {  	_ =	swait.ge [sflag:s11], $0x2800  }
0x2f1: {  	[sflag:s11] =	ssyncset.done $0x0;
	s2 =	rddreg [dreg:$0x13]  }
0x2f2: {  	s8 =	sld [smem:$0x7F8];
	[sflag:s11] =	ssyncadd.s32 $0xFFFFD800  }
0x2f3: {  	[hbm4b:s2+s0] =	stream.linear.scatter [tilespmem:s15], [sflag:$0xE], $0x2800, $0x38;
	[tilespmem:$0x1EB00] =	vst v63  }
0x2f4: {  	_ = 	snop  }
0x2f5: {  	[tilespmem:s30], [sflag:$0x12] =	stream.linear.gather [spmem:s8], $0x2800, $0x38;
	[tilespmem:$0x1EB00] =	vst v63  }
0x2f6: {  	_ =	swait.ge [sflag:s11], $0x2800  }
0x2f7: {  	[sflag:s11] =	ssyncset.done $0x0;
	s3 =	rddreg [dreg:$0x14]  }
0x2f8: {  	s24 =	sld [smem:$0x7F9];
	[sflag:s11] =	ssyncadd.s32 $0xFFFFD800  }
0x2f9: {  	[hbm4b:s3+s0] =	stream.linear.scatter [tilespmem:s30], [sflag:$0xF], $0x2800, $0x38;
	[tilespmem:$0x1EB00] =	vst v63  }
0x2fa: {  	_ = 	snop  }
0x2fb: {  	[tilespmem:s23], [sflag:$0x12] =	stream.linear.gather [spmem:s24], $0x2800, $0x38;
	[tilespmem:$0x1EB00] =	vst v63  }
0x2fc: {  	_ =	swait.ge [sflag:s11], $0x2800  }
0x2fd: {  	[sflag:s11] =	ssyncset.done $0x0  }
0x2fe: {  	s5 =	rddreg [dreg:$0x15];
	[sflag:s11] =	ssyncadd.s32 $0xFFFFD800  }
0x2ff: {  	[hbm4b:s5+s0] =	stream.linear.scatter [tilespmem:s23], [sflag:$0x10], $0x2800, $0x38;
	[tilespmem:$0x1EB00] =	vst v63  }
0x300: {  	_ =	swait.ge [sflag:s7], $0x2800  }
0x301: {  	s25 =	sld [smem:$0x7FA]  }
0x302: {  	[sflag:s7] =	ssyncset.done $0x0  }
0x303: {  	[sflag:s7] =	ssyncadd.s32 $0xFFFFD800  }
0x304: {  	[tilespmem:s28], [sflag:$0x12] =	stream.linear.gather [spmem:s25], $0x2800, $0x38;
	[tilespmem:$0x1EB00] =	vst v63  }
0x305: {  	_ =	swait.ge [sflag:s11], $0x2800  }
0x306: {  	[sflag:s11] =	ssyncset.done $0x0  }
0x307: {  	s6 =	rddreg [dreg:$0x16];
	[sflag:s11] =	ssyncadd.s32 $0xFFFFD800  }
0x308: {  	[hbm4b:s6+s0] =	stream.linear.scatter [tilespmem:s28], [sflag:$0xD], $0x2800, $0x38;
	[tilespmem:$0x1EB00] =	vst v63  }
0x309: {  	_ =	swait.ge [sflag:s18], $0x2800  }
0x30a: {  	s29 =	sld [smem:$0x7FB]  }
0x30b: {  	[sflag:s18] =	ssyncset.done $0x0  }
0x30c: {  	[sflag:s18] =	ssyncadd.s32 $0xFFFFD800  }
0x30d: {  	[tilespmem:s15], [sflag:$0x12] =	stream.linear.gather [spmem:s29], $0x2800, $0x38;
	[tilespmem:$0x1EB00] =	vst v63  }
0x30e: {  	_ =	swait.ge [sflag:s11], $0x2800  }
0x30f: {  	[sflag:s11] =	ssyncset.done $0x0  }
0x310: {  	s9 =	rddreg [dreg:$0x17];
	[sflag:s11] =	ssyncadd.s32 $0xFFFFD800  }
0x311: {  	[hbm4b:s9+s0] =	stream.linear.scatter [tilespmem:s15], [sflag:$0xE], $0x2800, $0x38;
	[tilespmem:$0x1EB00] =	vst v63  }
0x312: {  	_ =	swait.ge [sflag:s17], $0x2800  }
0x313: {  	s16 =	sld [smem:$0x7FC]  }
0x314: {  	[sflag:s17] =	ssyncset.done $0x0  }
0x315: {  	[sflag:s17] =	ssyncadd.s32 $0xFFFFD800  }
0x316: {  	[tilespmem:s30], [sflag:$0x12] =	stream.linear.gather [spmem:s16], $0x2800, $0x38;
	[tilespmem:$0x1EB00] =	vst v63  }
0x317: {  	_ =	swait.ge [sflag:s11], $0x2800  }
0x318: {  	[sflag:s11] =	ssyncset.done $0x0  }
0x319: {  	s13 =	rddreg [dreg:$0x18];
	[sflag:s11] =	ssyncadd.s32 $0xFFFFD800  }
0x31a: {  	[hbm4b:s13+s0] =	stream.linear.scatter [tilespmem:s30], [sflag:$0xF], $0x2800, $0x38;
	[tilespmem:$0x1EB00] =	vst v63  }
0x31b: {  	_ =	swait.ge [sflag:s14], $0x2800  }
0x31c: {  	s30 =	sld [smem:$0x7FD]  }
0x31d: {  	[sflag:s14] =	ssyncset.done $0x0  }
0x31e: {  	[sflag:s14] =	ssyncadd.s32 $0xFFFFD800  }
0x31f: {  	[tilespmem:s23], [sflag:$0x12] =	stream.linear.gather [spmem:s30], $0x2800, $0x38;
	[tilespmem:$0x1EB00] =	vst v63  }
0x320: {  	_ =	swait.ge [sflag:s11], $0x2800  }
0x321: {  	[sflag:s11] =	ssyncset.done $0x0  }
0x322: {  	s15 =	rddreg [dreg:$0x19];
	[sflag:s11] =	ssyncadd.s32 $0xFFFFD800  }
0x323: {  	[hbm4b:s15+s0] =	stream.linear.scatter [tilespmem:s23], [sflag:$0x10], $0x2800, $0x38;
	[tilespmem:$0x1EB00] =	vst v63  }
0x324: {  	_ =	swait.ge [sflag:s7], $0x2800  }
0x325: {  	[sflag:s7] =	ssyncset.done $0x0  }
0x326: {  	[sflag:s7] =	ssyncadd.s32 $0xFFFFD800  }
0x327: {  	_ =	swait.ge [sflag:s18], $0x2800  }
0x328: {  	[sflag:s18] =	ssyncset.done $0x0  }
0x329: {  	[sflag:s18] =	ssyncadd.s32 $0xFFFFD800  }
0x32a: {  	_ =	swait.ge [sflag:s17], $0x2800  }
0x32b: {  	[sflag:s17] =	ssyncset.done $0x0  }
0x32c: {  	[sflag:s17] =	ssyncadd.s32 $0xFFFFD800  }
0x32d: {  	_ =	swait.ge [sflag:s14], $0x2800  }
0x32e: {  	s19 =	sld [smem:$0x7EB]  }
0x32f: {  	s23 =	sld [smem:$0x7EC]  }
0x330: {  	s26 =	simm.s32 $0x1;
	[sflag:s14] =	ssyncset.done $0x0  }
0x331: {  	s18 =	simm.s32 $0x20;
	s17 =	rddreg [dreg:$0x1a];
	[sflag:s14] =	ssyncadd.s32 $0xFFFFD800  }
0x332: {  	[hbm:s17@s18], [sflag:s19] =	dma.strided [spmem:s23@s14], $0x50, s26, $0x10   }
0x333: {  	_ =	swait.ge [sflag:s11], $0x50  }
0x334: {  	s28 =	sld [smem:$0x7EA]  }
0x335: {  	s31 =	sld [smem:$0x7F5];
	_ =	sdelay $0x1  }
0x336: {  	s0 =	sadd.s32 $0x1, s28  }
0x337: {  	p0 =	sne.s32 s0, s31  }
.Ltmp1:
0x338: {  	_ = 	snop;
	(pc) =	sbr.rel @p0 .LBB2_1-.Ltmp1, $3  }
0x339: {  	_ =	sdelay $0x1  }
0x33a: {  	[sflag:s11] =	ssyncset.done $0x0  }
0x33b: {  	[sflag:s11] =	ssyncadd.s32 $0xFFFFFFB0  }
0x33c: {  	_ =	sfence.sel $0x180000  }
0x33d: {  	[bflag:$0x0] =	sbarrier.arrive $0xFFFF  }
0x33e: {  	_ =	strace $0x90000047  }
0x33f: {  	s0 =	stileid.u32;
	[bflag:$0x2] =	sbarrier.arrive $0xFFFF  }
0x340: {  	p0 =	sne.s32 s0, $0x0;
	s0 =	rddreg [dreg:$0xa]  }
0x341: {  	s0 =	sadd.s32 @!p0 $0x100000, s0  }
0x342: {  	[sflag:s0] =	ssyncadd.tile.s32 @!p0 $0x1;
	_ =	shalt  }
.Lfunc_end2:
_tile_overlayer_lowered:
.L_overlay_start_2:
0x343: {  	(tag) =	ssettag $0x2  }
0x344: {  	s0 =	rddreg [dreg:$0x0];
	s2 =	stileid.u32  }
0x345: {  	s1 =	rddreg [dreg:$0x1];
	p0 =	sne.s32 s2, $0x0  }
0x346: {  	s3 =	rddreg [dreg:$0x2];
	[bflag:$0x3] =	sbarrier.arrive $0xFFFF;
	s2 =	simm.s32 @!p0 $0x1C12  }
0x347: {  	[timem:s3], [sflag:s2] =	dma.local @!p0 [hbm:s0], s1  }
0x348: {  	s0 =	simm.s32 @!p0 $0x12  }
0x349: {  	_ =	swait.ge @!p0 [sflag:s0], s1  }
0x34a: {  	s1 =	ssub.s32 @!p0 $0x0, s1;
	[sflag:s0] =	ssyncset.done @!p0 $0x0  }
0x34b: {  	[sflag:s0] =	ssyncadd.s32 @!p0 s1  }
0x34c: {  	[bflag:$0x3] =	sbarrier.arrive $0xFFFF  }
0x34d: {  	_ =	shalt  }

</sc_bundles>
